<compile_context>
chip_gen: v7x
topology: tpu7x:2x2x1
jax: 0.10.2.dev20260603
libtpu: 0.0.44.dev20260713+nightly
codegen_flags: <defaults>
</compile_context>

<pallas_src>
import jax
import jax.numpy as jnp
from jax import lax
from jax.experimental import pallas as pl
from jax.experimental.pallas import tpu as pltpu
from jax.experimental.pallas import tpu_sc as plsc

N = 10000
E = 320000
D = 128
NEG_SLOPE = 0.2

NC = 2
NS = 16
NW = NC * NS
EDGES_PER_W = E // NW
CHUNK = 100
CHUNK_PAD = 112
NCHUNK = EDGES_PER_W // CHUNK
NPAIR = NCHUNK // 2 - 1
ROWS_PER_TILE = N // NS
NSUM = 10240


def _prep_body(x_ref, w_ref, a_ref, h_ref, s1_ref, s2_ref):
    h = jnp.dot(x_ref[...], w_ref[...], preferred_element_type=jnp.float32)
    h_ref[...] = h
    s1_ref[...] = jnp.dot(h, a_ref[0, :D], preferred_element_type=jnp.float32)
    s2_ref[...] = jnp.dot(h, a_ref[0, D:], preferred_element_type=jnp.float32)


def _sc_body(h, s1, s2, srcs, dsts, part, psum,
             acc, acc1, src_v, dst_v, w_v, s1g0, s1g1, s2g0, s2g1,
             rows0, rows1, zb1, sem_r0, sem_r1, sem_10, sem_11, sem_20, sem_21):
    cid = lax.axis_index("c")
    sid = lax.axis_index("s")
    wid = cid * NS + sid

    s1g = (s1g0, s1g1)
    s2g = (s2g0, s2g1)
    rows = (rows0, rows1)
    sem_r = (sem_r0, sem_r1)
    sem_1 = (sem_10, sem_11)
    sem_2 = (sem_20, sem_21)

    zv = jnp.zeros((16,), jnp.float32)

    def zrow(r, carry):
        for j in range(D // 16):
            rows0[r, pl.ds(j * 16, 16)] = zv
        return carry

    lax.fori_loop(0, CHUNK, zrow, 0)
    for i in range(NSUM // NS // 16):
        zb1[pl.ds(i * 16, 16)] = zv
    base = sid * ROWS_PER_TILE
    for k in range(ROWS_PER_TILE // CHUNK):
        pltpu.sync_copy(rows0, acc.at[pl.ds(base + k * CHUNK, CHUNK)])
    rem = ROWS_PER_TILE % CHUNK
    if rem:
        pltpu.sync_copy(rows0.at[pl.ds(0, rem)],
                        acc.at[pl.ds(base + (ROWS_PER_TILE // CHUNK) * CHUNK, rem)])
    pltpu.sync_copy(zb1, acc1.at[pl.ds(sid * (NSUM // NS), NSUM // NS)])

    pltpu.sync_copy(srcs.at[wid], src_v)
    pltpu.sync_copy(dsts.at[wid], dst_v)

    plsc.subcore_barrier()

    def start_gathers(c, b):
        pltpu.async_copy(h.at[dst_v.at[c]], rows[b], sem_r[b])
        pltpu.async_copy(s1.at[src_v.at[c]], s1g[b].at[pl.ds(0, CHUNK)], sem_1[b])
        pltpu.async_copy(s2.at[dst_v.at[c]], s2g[b].at[pl.ds(0, CHUNK)], sem_2[b])

    def compute_chunk(c, b):
        pltpu.make_async_copy(s1.at[src_v.at[c]], s1g[b].at[pl.ds(0, CHUNK)],
                              sem_1[b]).wait()
        pltpu.make_async_copy(s2.at[dst_v.at[c]], s2g[b].at[pl.ds(0, CHUNK)],
                              sem_2[b]).wait()
        for i in range(CHUNK_PAD // 16):
            logit = s1g[b][pl.ds(i * 16, 16)] + s2g[b][pl.ds(i * 16, 16)]
            w = jnp.exp(jnp.where(logit > 0.0, -logit, (-NEG_SLOPE) * logit))
            w_v[pl.ds(i * 16, 16)] = w

        pltpu.make_async_copy(h.at[dst_v.at[c]], rows[b], sem_r[b]).wait()

        @plsc.parallel_loop(0, CHUNK, unroll=4)
        def scale(e):
            wv = plsc.load_gather(w_v, [jnp.broadcast_to(e, (16,)).astype(jnp.int32)])
            for j in range(D // 16):
                rows[b][e, pl.ds(j * 16, 16)] = rows[b][e, pl.ds(j * 16, 16)] * wv

        pltpu.sync_copy(w_v.at[pl.ds(0, CHUNK)], acc1.at[src_v.at[c]], add=True)
        pltpu.sync_copy(rows[b], acc.at[src_v.at[c]], add=True)

    start_gathers(0, 0)

    def pair_body(c0, carry):
        c = 2 * c0
        start_gathers(c + 1, 1)
        compute_chunk(c, 0)
        start_gathers(c + 2, 0)
        compute_chunk(c + 1, 1)
        return carry

    lax.fori_loop(0, NPAIR, pair_body, 0)

    start_gathers(NCHUNK - 1, 1)
    compute_chunk(NCHUNK - 2, 0)
    compute_chunk(NCHUNK - 1, 1)

    plsc.subcore_barrier()
    pltpu.sync_copy(acc.at[pl.ds(base, ROWS_PER_TILE)],
                    part.at[cid, pl.ds(base, ROWS_PER_TILE)])
    pltpu.sync_copy(acc1.at[pl.ds(sid * (NSUM // NS), NSUM // NS)],
                    psum.at[cid, pl.ds(sid * (NSUM // NS), NSUM // NS)])


_sc_call = pl.kernel(
    _sc_body,
    out_type=(jax.ShapeDtypeStruct((NC, N, D), jnp.float32),
              jax.ShapeDtypeStruct((NC, NSUM), jnp.float32)),
    mesh=plsc.VectorSubcoreMesh(core_axis_name="c", subcore_axis_name="s",
                                num_cores=NC, num_subcores=NS),
    compiler_params=pltpu.CompilerParams(use_tc_tiling_on_sc=False,
                                         needs_layout_passes=False),
    scratch_types=[
        pltpu.VMEM_SHARED((N, D), jnp.float32),
        pltpu.VMEM_SHARED((NSUM,), jnp.float32),
        pltpu.VMEM((NCHUNK, CHUNK), jnp.int32),
        pltpu.VMEM((NCHUNK, CHUNK), jnp.int32),
        pltpu.VMEM((CHUNK_PAD,), jnp.float32),
        pltpu.VMEM((CHUNK_PAD,), jnp.float32),
        pltpu.VMEM((CHUNK_PAD,), jnp.float32),
        pltpu.VMEM((CHUNK_PAD,), jnp.float32),
        pltpu.VMEM((CHUNK_PAD,), jnp.float32),
        pltpu.VMEM((CHUNK, D), jnp.float32),
        pltpu.VMEM((CHUNK, D), jnp.float32),
        pltpu.VMEM((NSUM // NS,), jnp.float32),
        pltpu.SemaphoreType.DMA,
        pltpu.SemaphoreType.DMA,
        pltpu.SemaphoreType.DMA,
        pltpu.SemaphoreType.DMA,
        pltpu.SemaphoreType.DMA,
        pltpu.SemaphoreType.DMA,
    ],
)


def _fin_body(p_ref, r_ref, o_ref):
    p = p_ref[0] + p_ref[1]
    r = r_ref[0, :N] + r_ref[1, :N]
    hp = p / jnp.reshape(r, (N, 1))
    o_ref[...] = jnp.where(hp > 0.0, hp, jnp.exp(hp) - 1.0)


def kernel(x, edge_index, W, a):
    src = edge_index[0].astype(jnp.int32).reshape(NW, NCHUNK, CHUNK)
    dst = edge_index[1].astype(jnp.int32).reshape(NW, NCHUNK, CHUNK)
    h, s1, s2 = pl.pallas_call(
        _prep_body,
        out_shape=(jax.ShapeDtypeStruct((N, D), jnp.float32),
                   jax.ShapeDtypeStruct((N,), jnp.float32),
                   jax.ShapeDtypeStruct((N,), jnp.float32)),
    )(x, W, a)
    part, psum = _sc_call(h, s1, s2, src, dst)
    return pl.pallas_call(
        _fin_body,
        out_shape=jax.ShapeDtypeStruct((N, D), jnp.float32),
    )(part, psum)

# --- scband reference (transcript-rebuilt; emitter-appended) ---
"""Pipeline reference for scband-sp-attention-layer-17171279249899 (READ-ONLY COPY).

The authoritative reference and input builder live on the scoring server;
editing this copy changes nothing except your own understanding.
"""

import jax, jax.numpy as jnp
import numpy as np

N = 10000
E = 320000
IN_FEAT = 128
OUT_FEAT = 128
ALPHA = 0.2


def setup_inputs(seed: int = 0) -> dict:
    key = jax.random.key(seed)
    k1, k2, k3, k4 = jax.random.split(key, 4)
    x = jax.random.normal(k1, (N, IN_FEAT), dtype=jnp.float32)
    edge_index = jax.random.randint(k2, (2, E), 0, N, dtype=jnp.int64)
    # xavier_uniform with gain=1.414
    gain = 1.414
    bound_W = gain * float(np.sqrt(6.0 / (IN_FEAT + OUT_FEAT)))
    W = jax.random.uniform(k3, (IN_FEAT, OUT_FEAT), dtype=jnp.float32, minval=-bound_W, maxval=bound_W)
    bound_a = gain * float(np.sqrt(6.0 / (1 + 2 * OUT_FEAT)))
    a = jax.random.uniform(k4, (1, 2 * OUT_FEAT), dtype=jnp.float32, minval=-bound_a, maxval=bound_a)
    return {"x": x, "edge_index": edge_index, "W": W, "a": a}


def reference(x, edge_index, W, a):
    n = x.shape[0]
    src = edge_index[0, :]
    dst = edge_index[1, :]
    # h = x @ W
    h = jnp.matmul(x, W)
    # edge_h = cat([h[src], h[dst]], dim=1).T  -> [2*out_feat, E]
    edge_h = jnp.concatenate([jnp.take(h, src, axis=0), jnp.take(h, dst, axis=0)], axis=1)  # [E, 2d]
    # edge_e = exp(-leakyrelu(a @ edge_h^T)) -> [E]
    logits = jnp.squeeze(jnp.matmul(edge_h, a.T), axis=-1)  # [E]
    edge_e = jnp.exp(-jax.nn.leaky_relu(logits, negative_slope=ALPHA))
    # e_rowsum = spmm(A, ones) : sum of edge_e per source/row index -> [N, 1]
    e_rowsum = jax.ops.segment_sum(edge_e, src, num_segments=n)[:, None]
    # dropout p=0.0: identity
    # h_prime = spmm(A, h): scatter-add edge_e * h[dst] into row src
    h_prime = jax.ops.segment_sum(edge_e[:, None] * jnp.take(h, dst, axis=0), src, num_segments=n)
    h_prime = h_prime / e_rowsum
    # concat=True -> ELU
    return jax.nn.elu(h_prime)

if __name__ == "__main__":
    import jax
    _d = setup_inputs()
    print(jax.jit(kernel)(*tuple(_d.values())))

</pallas_src>

<mosaic_0001>
#map = affine_map<(d0, d1) -> (0, 0)>
#map1 = affine_map<(d0, d1) -> (0)>
#map2 = affine_map<(d0, d1) -> (0, 0, 0)>
module attributes {stable_mosaic.version = 14 : i64} {
  func.func @_sc_body(%arg0: i32, %arg1: i32, %arg2: memref<10000x128xf32, #tpu.memory_space<hbm>>, %arg3: memref<10000xf32, #tpu.memory_space<hbm>>, %arg4: memref<10000xf32, #tpu.memory_space<hbm>>, %arg5: memref<32x100x100xi32, #tpu.memory_space<hbm>>, %arg6: memref<32x100x100xi32, #tpu.memory_space<hbm>>, %arg7: memref<2x10000x128xf32, #tpu.memory_space<hbm>>, %arg8: memref<2x10240xf32, #tpu.memory_space<hbm>>, %arg9: memref<10000x128xf32, #tpu.memory_space<vmem_shared>>, %arg10: memref<10240xf32, #tpu.memory_space<vmem_shared>>, %arg11: memref<100x100xi32, #tpu.memory_space<vmem>>, %arg12: memref<100x100xi32, #tpu.memory_space<vmem>>, %arg13: memref<112xf32, #tpu.memory_space<vmem>>, %arg14: memref<112xf32, #tpu.memory_space<vmem>>, %arg15: memref<112xf32, #tpu.memory_space<vmem>>, %arg16: memref<112xf32, #tpu.memory_space<vmem>>, %arg17: memref<112xf32, #tpu.memory_space<vmem>>, %arg18: memref<100x128xf32, #tpu.memory_space<vmem>>, %arg19: memref<100x128xf32, #tpu.memory_space<vmem>>, %arg20: memref<640xf32, #tpu.memory_space<vmem>>, %arg21: memref<!tpu.dma_semaphore, #tpu.memory_space<semaphore_mem>>, %arg22: memref<!tpu.dma_semaphore, #tpu.memory_space<semaphore_mem>>, %arg23: memref<!tpu.dma_semaphore, #tpu.memory_space<semaphore_mem>>, %arg24: memref<!tpu.dma_semaphore, #tpu.memory_space<semaphore_mem>>, %arg25: memref<!tpu.dma_semaphore, #tpu.memory_space<semaphore_mem>>, %arg26: memref<!tpu.dma_semaphore, #tpu.memory_space<semaphore_mem>>) attributes {dimension_semantics = [#tpu.dimension_semantics<core_parallel>, #tpu.dimension_semantics<subcore_parallel>], iteration_bounds = array<i64: 2, 16>, scalar_prefetch = 0 : i64, scratch_operands = 18 : i64, tpu.core_type = #tpu.core_type<sc_vector_subcore>, window_params = [{transform_indices = #map}, {transform_indices = #map1}, {transform_indices = #map1}, {transform_indices = #map2}, {transform_indices = #map2}, {transform_indices = #map2}, {transform_indices = #map}]} {
    %mul3A = arith.constant 16 : i32
    %mul3A_0 = arith.muli %arg0, %mul3A : i32
    %add3A = arith.addi %mul3A_0, %arg1 : i32
    %broadcast_in_dim3A = arith.constant 0.000000e+00 : f32
    %broadcast_in_dim3A_1 = vector.broadcast %broadcast_in_dim3A : f32 to vector<16xf32>
    %scan3A = arith.constant 0 : i32
    %scan3A_2 = arith.constant 0 : i32
    %scan3A_3 = arith.constant 100 : i32
    %scan3A_4 = arith.addi %scan3A_2, %scan3A_3 : i32
    %scan3A_5 = arith.constant 1 : i32
    scf.for %scan3A_460 = %scan3A_2 to %scan3A_4 step %scan3A_5  : i32 {
      %swap3A_461 = arith.index_cast %scan3A_460 : i32 to index
      %swap3A_462 = arith.constant 0 : index
      %swap3A_463 = tpu.vector_load %arg18[%swap3A_461, %swap3A_462] {strides = array<i32>} : memref<100x128xf32, #tpu.memory_space<vmem>>, vector<16xf32>,
      tpu.vector_store %arg18[%swap3A_461, %swap3A_462], %broadcast_in_dim3A_1 {strides = array<i32>} : memref<100x128xf32, #tpu.memory_space<vmem>>, vector<16xf32>,
      %swap3A_464 = arith.index_cast %scan3A_460 : i32 to index
      %swap3A_465 = arith.constant 16 : index
      %swap3A_466 = tpu.vector_load %arg18[%swap3A_464, %swap3A_465] {strides = array<i32>} : memref<100x128xf32, #tpu.memory_space<vmem>>, vector<16xf32>,
      tpu.vector_store %arg18[%swap3A_464, %swap3A_465], %broadcast_in_dim3A_1 {strides = array<i32>} : memref<100x128xf32, #tpu.memory_space<vmem>>, vector<16xf32>,
      %swap3A_467 = arith.index_cast %scan3A_460 : i32 to index
      %swap3A_468 = arith.constant 32 : index
      %swap3A_469 = tpu.vector_load %arg18[%swap3A_467, %swap3A_468] {strides = array<i32>} : memref<100x128xf32, #tpu.memory_space<vmem>>, vector<16xf32>,
      tpu.vector_store %arg18[%swap3A_467, %swap3A_468], %broadcast_in_dim3A_1 {strides = array<i32>} : memref<100x128xf32, #tpu.memory_space<vmem>>, vector<16xf32>,
      %swap3A_470 = arith.index_cast %scan3A_460 : i32 to index
      %swap3A_471 = arith.constant 48 : index
      %swap3A_472 = tpu.vector_load %arg18[%swap3A_470, %swap3A_471] {strides = array<i32>} : memref<100x128xf32, #tpu.memory_space<vmem>>, vector<16xf32>,
      tpu.vector_store %arg18[%swap3A_470, %swap3A_471], %broadcast_in_dim3A_1 {strides = array<i32>} : memref<100x128xf32, #tpu.memory_space<vmem>>, vector<16xf32>,
      %swap3A_473 = arith.index_cast %scan3A_460 : i32 to index
      %swap3A_474 = arith.constant 64 : index
      %swap3A_475 = tpu.vector_load %arg18[%swap3A_473, %swap3A_474] {strides = array<i32>} : memref<100x128xf32, #tpu.memory_space<vmem>>, vector<16xf32>,
      tpu.vector_store %arg18[%swap3A_473, %swap3A_474], %broadcast_in_dim3A_1 {strides = array<i32>} : memref<100x128xf32, #tpu.memory_space<vmem>>, vector<16xf32>,
      %swap3A_476 = arith.index_cast %scan3A_460 : i32 to index
      %swap3A_477 = arith.constant 80 : index
      %swap3A_478 = tpu.vector_load %arg18[%swap3A_476, %swap3A_477] {strides = array<i32>} : memref<100x128xf32, #tpu.memory_space<vmem>>, vector<16xf32>,
      tpu.vector_store %arg18[%swap3A_476, %swap3A_477], %broadcast_in_dim3A_1 {strides = array<i32>} : memref<100x128xf32, #tpu.memory_space<vmem>>, vector<16xf32>,
      %swap3A_479 = arith.index_cast %scan3A_460 : i32 to index
      %swap3A_480 = arith.constant 96 : index
      %swap3A_481 = tpu.vector_load %arg18[%swap3A_479, %swap3A_480] {strides = array<i32>} : memref<100x128xf32, #tpu.memory_space<vmem>>, vector<16xf32>,
      tpu.vector_store %arg18[%swap3A_479, %swap3A_480], %broadcast_in_dim3A_1 {strides = array<i32>} : memref<100x128xf32, #tpu.memory_space<vmem>>, vector<16xf32>,
      %swap3A_482 = arith.index_cast %scan3A_460 : i32 to index
      %swap3A_483 = arith.constant 112 : index
      %swap3A_484 = tpu.vector_load %arg18[%swap3A_482, %swap3A_483] {strides = array<i32>} : memref<100x128xf32, #tpu.memory_space<vmem>>, vector<16xf32>,
      tpu.vector_store %arg18[%swap3A_482, %swap3A_483], %broadcast_in_dim3A_1 {strides = array<i32>} : memref<100x128xf32, #tpu.memory_space<vmem>>, vector<16xf32>,
    }
    %scan3A_6 = arith.constant 100 : i32
    %swap3A = arith.constant 0 : index
    %swap3A_7 = tpu.vector_load %arg20[%swap3A] {strides = array<i32>} : memref<640xf32, #tpu.memory_space<vmem>>, vector<16xf32>,
    tpu.vector_store %arg20[%swap3A], %broadcast_in_dim3A_1 {strides = array<i32>} : memref<640xf32, #tpu.memory_space<vmem>>, vector<16xf32>,
    %swap3A_8 = arith.constant 16 : index
    %swap3A_9 = tpu.vector_load %arg20[%swap3A_8] {strides = array<i32>} : memref<640xf32, #tpu.memory_space<vmem>>, vector<16xf32>,
    tpu.vector_store %arg20[%swap3A_8], %broadcast_in_dim3A_1 {strides = array<i32>} : memref<640xf32, #tpu.memory_space<vmem>>, vector<16xf32>,
    %swap3A_10 = arith.constant 32 : index
    %swap3A_11 = tpu.vector_load %arg20[%swap3A_10] {strides = array<i32>} : memref<640xf32, #tpu.memory_space<vmem>>, vector<16xf32>,
    tpu.vector_store %arg20[%swap3A_10], %broadcast_in_dim3A_1 {strides = array<i32>} : memref<640xf32, #tpu.memory_space<vmem>>, vector<16xf32>,
    %swap3A_12 = arith.constant 48 : index
    %swap3A_13 = tpu.vector_load %arg20[%swap3A_12] {strides = array<i32>} : memref<640xf32, #tpu.memory_space<vmem>>, vector<16xf32>,
    tpu.vector_store %arg20[%swap3A_12], %broadcast_in_dim3A_1 {strides = array<i32>} : memref<640xf32, #tpu.memory_space<vmem>>, vector<16xf32>,
    %swap3A_14 = arith.constant 64 : index
    %swap3A_15 = tpu.vector_load %arg20[%swap3A_14] {strides = array<i32>} : memref<640xf32, #tpu.memory_space<vmem>>, vector<16xf32>,
    tpu.vector_store %arg20[%swap3A_14], %broadcast_in_dim3A_1 {strides = array<i32>} : memref<640xf32, #tpu.memory_space<vmem>>, vector<16xf32>,
    %swap3A_16 = arith.constant 80 : index
    %swap3A_17 = tpu.vector_load %arg20[%swap3A_16] {strides = array<i32>} : memref<640xf32, #tpu.memory_space<vmem>>, vector<16xf32>,
    tpu.vector_store %arg20[%swap3A_16], %broadcast_in_dim3A_1 {strides = array<i32>} : memref<640xf32, #tpu.memory_space<vmem>>, vector<16xf32>,
    %swap3A_18 = arith.constant 96 : index
    %swap3A_19 = tpu.vector_load %arg20[%swap3A_18] {strides = array<i32>} : memref<640xf32, #tpu.memory_space<vmem>>, vector<16xf32>,
    tpu.vector_store %arg20[%swap3A_18], %broadcast_in_dim3A_1 {strides = array<i32>} : memref<640xf32, #tpu.memory_space<vmem>>, vector<16xf32>,
    %swap3A_20 = arith.constant 112 : index
    %swap3A_21 = tpu.vector_load %arg20[%swap3A_20] {strides = array<i32>} : memref<640xf32, #tpu.memory_space<vmem>>, vector<16xf32>,
    tpu.vector_store %arg20[%swap3A_20], %broadcast_in_dim3A_1 {strides = array<i32>} : memref<640xf32, #tpu.memory_space<vmem>>, vector<16xf32>,
    %swap3A_22 = arith.constant 128 : index
    %swap3A_23 = tpu.vector_load %arg20[%swap3A_22] {strides = array<i32>} : memref<640xf32, #tpu.memory_space<vmem>>, vector<16xf32>,
    tpu.vector_store %arg20[%swap3A_22], %broadcast_in_dim3A_1 {strides = array<i32>} : memref<640xf32, #tpu.memory_space<vmem>>, vector<16xf32>,
    %swap3A_24 = arith.constant 144 : index
    %swap3A_25 = tpu.vector_load %arg20[%swap3A_24] {strides = array<i32>} : memref<640xf32, #tpu.memory_space<vmem>>, vector<16xf32>,
    tpu.vector_store %arg20[%swap3A_24], %broadcast_in_dim3A_1 {strides = array<i32>} : memref<640xf32, #tpu.memory_space<vmem>>, vector<16xf32>,
    %swap3A_26 = arith.constant 160 : index
    %swap3A_27 = tpu.vector_load %arg20[%swap3A_26] {strides = array<i32>} : memref<640xf32, #tpu.memory_space<vmem>>, vector<16xf32>,
    tpu.vector_store %arg20[%swap3A_26], %broadcast_in_dim3A_1 {strides = array<i32>} : memref<640xf32, #tpu.memory_space<vmem>>, vector<16xf32>,
    %swap3A_28 = arith.constant 176 : index
    %swap3A_29 = tpu.vector_load %arg20[%swap3A_28] {strides = array<i32>} : memref<640xf32, #tpu.memory_space<vmem>>, vector<16xf32>,
    tpu.vector_store %arg20[%swap3A_28], %broadcast_in_dim3A_1 {strides = array<i32>} : memref<640xf32, #tpu.memory_space<vmem>>, vector<16xf32>,
    %swap3A_30 = arith.constant 192 : index
    %swap3A_31 = tpu.vector_load %arg20[%swap3A_30] {strides = array<i32>} : memref<640xf32, #tpu.memory_space<vmem>>, vector<16xf32>,
    tpu.vector_store %arg20[%swap3A_30], %broadcast_in_dim3A_1 {strides = array<i32>} : memref<640xf32, #tpu.memory_space<vmem>>, vector<16xf32>,
    %swap3A_32 = arith.constant 208 : index
    %swap3A_33 = tpu.vector_load %arg20[%swap3A_32] {strides = array<i32>} : memref<640xf32, #tpu.memory_space<vmem>>, vector<16xf32>,
    tpu.vector_store %arg20[%swap3A_32], %broadcast_in_dim3A_1 {strides = array<i32>} : memref<640xf32, #tpu.memory_space<vmem>>, vector<16xf32>,
    %swap3A_34 = arith.constant 224 : index
    %swap3A_35 = tpu.vector_load %arg20[%swap3A_34] {strides = array<i32>} : memref<640xf32, #tpu.memory_space<vmem>>, vector<16xf32>,
    tpu.vector_store %arg20[%swap3A_34], %broadcast_in_dim3A_1 {strides = array<i32>} : memref<640xf32, #tpu.memory_space<vmem>>, vector<16xf32>,
    %swap3A_36 = arith.constant 240 : index
    %swap3A_37 = tpu.vector_load %arg20[%swap3A_36] {strides = array<i32>} : memref<640xf32, #tpu.memory_space<vmem>>, vector<16xf32>,
    tpu.vector_store %arg20[%swap3A_36], %broadcast_in_dim3A_1 {strides = array<i32>} : memref<640xf32, #tpu.memory_space<vmem>>, vector<16xf32>,
    %swap3A_38 = arith.constant 256 : index
    %swap3A_39 = tpu.vector_load %arg20[%swap3A_38] {strides = array<i32>} : memref<640xf32, #tpu.memory_space<vmem>>, vector<16xf32>,
    tpu.vector_store %arg20[%swap3A_38], %broadcast_in_dim3A_1 {strides = array<i32>} : memref<640xf32, #tpu.memory_space<vmem>>, vector<16xf32>,
    %swap3A_40 = arith.constant 272 : index
    %swap3A_41 = tpu.vector_load %arg20[%swap3A_40] {strides = array<i32>} : memref<640xf32, #tpu.memory_space<vmem>>, vector<16xf32>,
    tpu.vector_store %arg20[%swap3A_40], %broadcast_in_dim3A_1 {strides = array<i32>} : memref<640xf32, #tpu.memory_space<vmem>>, vector<16xf32>,
    %swap3A_42 = arith.constant 288 : index
    %swap3A_43 = tpu.vector_load %arg20[%swap3A_42] {strides = array<i32>} : memref<640xf32, #tpu.memory_space<vmem>>, vector<16xf32>,
    tpu.vector_store %arg20[%swap3A_42], %broadcast_in_dim3A_1 {strides = array<i32>} : memref<640xf32, #tpu.memory_space<vmem>>, vector<16xf32>,
    %swap3A_44 = arith.constant 304 : index
    %swap3A_45 = tpu.vector_load %arg20[%swap3A_44] {strides = array<i32>} : memref<640xf32, #tpu.memory_space<vmem>>, vector<16xf32>,
    tpu.vector_store %arg20[%swap3A_44], %broadcast_in_dim3A_1 {strides = array<i32>} : memref<640xf32, #tpu.memory_space<vmem>>, vector<16xf32>,
    %swap3A_46 = arith.constant 320 : index
    %swap3A_47 = tpu.vector_load %arg20[%swap3A_46] {strides = array<i32>} : memref<640xf32, #tpu.memory_space<vmem>>, vector<16xf32>,
    tpu.vector_store %arg20[%swap3A_46], %broadcast_in_dim3A_1 {strides = array<i32>} : memref<640xf32, #tpu.memory_space<vmem>>, vector<16xf32>,
    %swap3A_48 = arith.constant 336 : index
    %swap3A_49 = tpu.vector_load %arg20[%swap3A_48] {strides = array<i32>} : memref<640xf32, #tpu.memory_space<vmem>>, vector<16xf32>,
    tpu.vector_store %arg20[%swap3A_48], %broadcast_in_dim3A_1 {strides = array<i32>} : memref<640xf32, #tpu.memory_space<vmem>>, vector<16xf32>,
    %swap3A_50 = arith.constant 352 : index
    %swap3A_51 = tpu.vector_load %arg20[%swap3A_50] {strides = array<i32>} : memref<640xf32, #tpu.memory_space<vmem>>, vector<16xf32>,
    tpu.vector_store %arg20[%swap3A_50], %broadcast_in_dim3A_1 {strides = array<i32>} : memref<640xf32, #tpu.memory_space<vmem>>, vector<16xf32>,
    %swap3A_52 = arith.constant 368 : index
    %swap3A_53 = tpu.vector_load %arg20[%swap3A_52] {strides = array<i32>} : memref<640xf32, #tpu.memory_space<vmem>>, vector<16xf32>,
    tpu.vector_store %arg20[%swap3A_52], %broadcast_in_dim3A_1 {strides = array<i32>} : memref<640xf32, #tpu.memory_space<vmem>>, vector<16xf32>,
    %swap3A_54 = arith.constant 384 : index
    %swap3A_55 = tpu.vector_load %arg20[%swap3A_54] {strides = array<i32>} : memref<640xf32, #tpu.memory_space<vmem>>, vector<16xf32>,
    tpu.vector_store %arg20[%swap3A_54], %broadcast_in_dim3A_1 {strides = array<i32>} : memref<640xf32, #tpu.memory_space<vmem>>, vector<16xf32>,
    %swap3A_56 = arith.constant 400 : index
    %swap3A_57 = tpu.vector_load %arg20[%swap3A_56] {strides = array<i32>} : memref<640xf32, #tpu.memory_space<vmem>>, vector<16xf32>,
    tpu.vector_store %arg20[%swap3A_56], %broadcast_in_dim3A_1 {strides = array<i32>} : memref<640xf32, #tpu.memory_space<vmem>>, vector<16xf32>,
    %swap3A_58 = arith.constant 416 : index
    %swap3A_59 = tpu.vector_load %arg20[%swap3A_58] {strides = array<i32>} : memref<640xf32, #tpu.memory_space<vmem>>, vector<16xf32>,
    tpu.vector_store %arg20[%swap3A_58], %broadcast_in_dim3A_1 {strides = array<i32>} : memref<640xf32, #tpu.memory_space<vmem>>, vector<16xf32>,
    %swap3A_60 = arith.constant 432 : index
    %swap3A_61 = tpu.vector_load %arg20[%swap3A_60] {strides = array<i32>} : memref<640xf32, #tpu.memory_space<vmem>>, vector<16xf32>,
    tpu.vector_store %arg20[%swap3A_60], %broadcast_in_dim3A_1 {strides = array<i32>} : memref<640xf32, #tpu.memory_space<vmem>>, vector<16xf32>,
    %swap3A_62 = arith.constant 448 : index
    %swap3A_63 = tpu.vector_load %arg20[%swap3A_62] {strides = array<i32>} : memref<640xf32, #tpu.memory_space<vmem>>, vector<16xf32>,
    tpu.vector_store %arg20[%swap3A_62], %broadcast_in_dim3A_1 {strides = array<i32>} : memref<640xf32, #tpu.memory_space<vmem>>, vector<16xf32>,
    %swap3A_64 = arith.constant 464 : index
    %swap3A_65 = tpu.vector_load %arg20[%swap3A_64] {strides = array<i32>} : memref<640xf32, #tpu.memory_space<vmem>>, vector<16xf32>,
    tpu.vector_store %arg20[%swap3A_64], %broadcast_in_dim3A_1 {strides = array<i32>} : memref<640xf32, #tpu.memory_space<vmem>>, vector<16xf32>,
    %swap3A_66 = arith.constant 480 : index
    %swap3A_67 = tpu.vector_load %arg20[%swap3A_66] {strides = array<i32>} : memref<640xf32, #tpu.memory_space<vmem>>, vector<16xf32>,
    tpu.vector_store %arg20[%swap3A_66], %broadcast_in_dim3A_1 {strides = array<i32>} : memref<640xf32, #tpu.memory_space<vmem>>, vector<16xf32>,
    %swap3A_68 = arith.constant 496 : index
    %swap3A_69 = tpu.vector_load %arg20[%swap3A_68] {strides = array<i32>} : memref<640xf32, #tpu.memory_space<vmem>>, vector<16xf32>,
    tpu.vector_store %arg20[%swap3A_68], %broadcast_in_dim3A_1 {strides = array<i32>} : memref<640xf32, #tpu.memory_space<vmem>>, vector<16xf32>,
    %swap3A_70 = arith.constant 512 : index
    %swap3A_71 = tpu.vector_load %arg20[%swap3A_70] {strides = array<i32>} : memref<640xf32, #tpu.memory_space<vmem>>, vector<16xf32>,
    tpu.vector_store %arg20[%swap3A_70], %broadcast_in_dim3A_1 {strides = array<i32>} : memref<640xf32, #tpu.memory_space<vmem>>, vector<16xf32>,
    %swap3A_72 = arith.constant 528 : index
    %swap3A_73 = tpu.vector_load %arg20[%swap3A_72] {strides = array<i32>} : memref<640xf32, #tpu.memory_space<vmem>>, vector<16xf32>,
    tpu.vector_store %arg20[%swap3A_72], %broadcast_in_dim3A_1 {strides = array<i32>} : memref<640xf32, #tpu.memory_space<vmem>>, vector<16xf32>,
    %swap3A_74 = arith.constant 544 : index
    %swap3A_75 = tpu.vector_load %arg20[%swap3A_74] {strides = array<i32>} : memref<640xf32, #tpu.memory_space<vmem>>, vector<16xf32>,
    tpu.vector_store %arg20[%swap3A_74], %broadcast_in_dim3A_1 {strides = array<i32>} : memref<640xf32, #tpu.memory_space<vmem>>, vector<16xf32>,
    %swap3A_76 = arith.constant 560 : index
    %swap3A_77 = tpu.vector_load %arg20[%swap3A_76] {strides = array<i32>} : memref<640xf32, #tpu.memory_space<vmem>>, vector<16xf32>,
    tpu.vector_store %arg20[%swap3A_76], %broadcast_in_dim3A_1 {strides = array<i32>} : memref<640xf32, #tpu.memory_space<vmem>>, vector<16xf32>,
    %swap3A_78 = arith.constant 576 : index
    %swap3A_79 = tpu.vector_load %arg20[%swap3A_78] {strides = array<i32>} : memref<640xf32, #tpu.memory_space<vmem>>, vector<16xf32>,
    tpu.vector_store %arg20[%swap3A_78], %broadcast_in_dim3A_1 {strides = array<i32>} : memref<640xf32, #tpu.memory_space<vmem>>, vector<16xf32>,
    %swap3A_80 = arith.constant 592 : index
    %swap3A_81 = tpu.vector_load %arg20[%swap3A_80] {strides = array<i32>} : memref<640xf32, #tpu.memory_space<vmem>>, vector<16xf32>,
    tpu.vector_store %arg20[%swap3A_80], %broadcast_in_dim3A_1 {strides = array<i32>} : memref<640xf32, #tpu.memory_space<vmem>>, vector<16xf32>,
    %swap3A_82 = arith.constant 608 : index
    %swap3A_83 = tpu.vector_load %arg20[%swap3A_82] {strides = array<i32>} : memref<640xf32, #tpu.memory_space<vmem>>, vector<16xf32>,
    tpu.vector_store %arg20[%swap3A_82], %broadcast_in_dim3A_1 {strides = array<i32>} : memref<640xf32, #tpu.memory_space<vmem>>, vector<16xf32>,
    %swap3A_84 = arith.constant 624 : index
    %swap3A_85 = tpu.vector_load %arg20[%swap3A_84] {strides = array<i32>} : memref<640xf32, #tpu.memory_space<vmem>>, vector<16xf32>,
    tpu.vector_store %arg20[%swap3A_84], %broadcast_in_dim3A_1 {strides = array<i32>} : memref<640xf32, #tpu.memory_space<vmem>>, vector<16xf32>,
    %mul3A_86 = arith.constant 625 : i32
    %mul3A_87 = arith.muli %arg1, %mul3A_86 : i32
    %add3A_88 = arith.constant 0 : i32
    %add3A_89 = arith.addi %mul3A_87, %add3A_88 : i32
    "tpu.region"() ({
      %run_scoped3A_460 = tpu.sem_alloc : memref<!tpu.dma_semaphore, #tpu.memory_space<semaphore_mem>>
      %dma_start3A_461 = arith.constant 0 : i32
      %dma_start3A_462 = tpu.memref_slice %arg9[%add3A_89, %dma_start3A_461] : memref<10000x128xf32, #tpu.memory_space<vmem_shared>> -> memref<100x128xf32, #tpu.memory_space<vmem_shared>>
      %dma_start3A_463 = arith.constant 0 : i32
      %dma_start3A_464 = tpu.memref_slice %arg9[%add3A_89, %dma_start3A_463] : memref<10000x128xf32, #tpu.memory_space<vmem_shared>> -> memref<100x128xf32, #tpu.memory_space<vmem_shared>>
      tpu.enqueue_dma source(%arg18 : memref<100x128xf32, #tpu.memory_space<vmem>>) target(%dma_start3A_464 : memref<100x128xf32, #tpu.memory_space<vmem_shared>>) target_semaphore(%run_scoped3A_460 : memref<!tpu.dma_semaphore, #tpu.memory_space<semaphore_mem>>)
      %dma_wait3A_465 = arith.constant 0 : i32
      %dma_wait3A_466 = tpu.memref_slice %arg9[%add3A_89, %dma_wait3A_465] : memref<10000x128xf32, #tpu.memory_space<vmem_shared>> -> memref<100x128xf32, #tpu.memory_space<vmem_shared>>
      %dma_wait3A_467 = arith.constant 0 : i32
      %dma_wait3A_468 = tpu.memref_slice %arg9[%add3A_89, %dma_wait3A_467] : memref<10000x128xf32, #tpu.memory_space<vmem_shared>> -> memref<100x128xf32, #tpu.memory_space<vmem_shared>>
      tpu.wait_dma2 semaphore(%run_scoped3A_460 : memref<!tpu.dma_semaphore, #tpu.memory_space<semaphore_mem>>) src(%arg18 : memref<100x128xf32, #tpu.memory_space<vmem>>) dst(%dma_wait3A_468 : memref<100x128xf32, #tpu.memory_space<vmem_shared>>)
      tpu.yield
    }) : () -> ()
    %add3A_90 = arith.constant 100 : i32
    %add3A_91 = arith.addi %mul3A_87, %add3A_90 : i32
    "tpu.region"() ({
      %run_scoped3A_460 = tpu.sem_alloc : memref<!tpu.dma_semaphore, #tpu.memory_space<semaphore_mem>>
      %dma_start3A_461 = arith.constant 0 : i32
      %dma_start3A_462 = tpu.memref_slice %arg9[%add3A_91, %dma_start3A_461] : memref<10000x128xf32, #tpu.memory_space<vmem_shared>> -> memref<100x128xf32, #tpu.memory_space<vmem_shared>>
      %dma_start3A_463 = arith.constant 0 : i32
      %dma_start3A_464 = tpu.memref_slice %arg9[%add3A_91, %dma_start3A_463] : memref<10000x128xf32, #tpu.memory_space<vmem_shared>> -> memref<100x128xf32, #tpu.memory_space<vmem_shared>>
      tpu.enqueue_dma source(%arg18 : memref<100x128xf32, #tpu.memory_space<vmem>>) target(%dma_start3A_464 : memref<100x128xf32, #tpu.memory_space<vmem_shared>>) target_semaphore(%run_scoped3A_460 : memref<!tpu.dma_semaphore, #tpu.memory_space<semaphore_mem>>)
      %dma_wait3A_465 = arith.constant 0 : i32
      %dma_wait3A_466 = tpu.memref_slice %arg9[%add3A_91, %dma_wait3A_465] : memref<10000x128xf32, #tpu.memory_space<vmem_shared>> -> memref<100x128xf32, #tpu.memory_space<vmem_shared>>
      %dma_wait3A_467 = arith.constant 0 : i32
      %dma_wait3A_468 = tpu.memref_slice %arg9[%add3A_91, %dma_wait3A_467] : memref<10000x128xf32, #tpu.memory_space<vmem_shared>> -> memref<100x128xf32, #tpu.memory_space<vmem_shared>>
      tpu.wait_dma2 semaphore(%run_scoped3A_460 : memref<!tpu.dma_semaphore, #tpu.memory_space<semaphore_mem>>) src(%arg18 : memref<100x128xf32, #tpu.memory_space<vmem>>) dst(%dma_wait3A_468 : memref<100x128xf32, #tpu.memory_space<vmem_shared>>)
      tpu.yield
    }) : () -> ()
    %add3A_92 = arith.constant 200 : i32
    %add3A_93 = arith.addi %mul3A_87, %add3A_92 : i32
    "tpu.region"() ({
      %run_scoped3A_460 = tpu.sem_alloc : memref<!tpu.dma_semaphore, #tpu.memory_space<semaphore_mem>>
      %dma_start3A_461 = arith.constant 0 : i32
      %dma_start3A_462 = tpu.memref_slice %arg9[%add3A_93, %dma_start3A_461] : memref<10000x128xf32, #tpu.memory_space<vmem_shared>> -> memref<100x128xf32, #tpu.memory_space<vmem_shared>>
      %dma_start3A_463 = arith.constant 0 : i32
      %dma_start3A_464 = tpu.memref_slice %arg9[%add3A_93, %dma_start3A_463] : memref<10000x128xf32, #tpu.memory_space<vmem_shared>> -> memref<100x128xf32, #tpu.memory_space<vmem_shared>>
      tpu.enqueue_dma source(%arg18 : memref<100x128xf32, #tpu.memory_space<vmem>>) target(%dma_start3A_464 : memref<100x128xf32, #tpu.memory_space<vmem_shared>>) target_semaphore(%run_scoped3A_460 : memref<!tpu.dma_semaphore, #tpu.memory_space<semaphore_mem>>)
      %dma_wait3A_465 = arith.constant 0 : i32
      %dma_wait3A_466 = tpu.memref_slice %arg9[%add3A_93, %dma_wait3A_465] : memref<10000x128xf32, #tpu.memory_space<vmem_shared>> -> memref<100x128xf32, #tpu.memory_space<vmem_shared>>
      %dma_wait3A_467 = arith.constant 0 : i32
      %dma_wait3A_468 = tpu.memref_slice %arg9[%add3A_93, %dma_wait3A_467] : memref<10000x128xf32, #tpu.memory_space<vmem_shared>> -> memref<100x128xf32, #tpu.memory_space<vmem_shared>>
      tpu.wait_dma2 semaphore(%run_scoped3A_460 : memref<!tpu.dma_semaphore, #tpu.memory_space<semaphore_mem>>) src(%arg18 : memref<100x128xf32, #tpu.memory_space<vmem>>) dst(%dma_wait3A_468 : memref<100x128xf32, #tpu.memory_space<vmem_shared>>)
      tpu.yield
    }) : () -> ()
    %add3A_94 = arith.constant 300 : i32
    %add3A_95 = arith.addi %mul3A_87, %add3A_94 : i32
    "tpu.region"() ({
      %run_scoped3A_460 = tpu.sem_alloc : memref<!tpu.dma_semaphore, #tpu.memory_space<semaphore_mem>>
      %dma_start3A_461 = arith.constant 0 : i32
      %dma_start3A_462 = tpu.memref_slice %arg9[%add3A_95, %dma_start3A_461] : memref<10000x128xf32, #tpu.memory_space<vmem_shared>> -> memref<100x128xf32, #tpu.memory_space<vmem_shared>>
      %dma_start3A_463 = arith.constant 0 : i32
      %dma_start3A_464 = tpu.memref_slice %arg9[%add3A_95, %dma_start3A_463] : memref<10000x128xf32, #tpu.memory_space<vmem_shared>> -> memref<100x128xf32, #tpu.memory_space<vmem_shared>>
      tpu.enqueue_dma source(%arg18 : memref<100x128xf32, #tpu.memory_space<vmem>>) target(%dma_start3A_464 : memref<100x128xf32, #tpu.memory_space<vmem_shared>>) target_semaphore(%run_scoped3A_460 : memref<!tpu.dma_semaphore, #tpu.memory_space<semaphore_mem>>)
      %dma_wait3A_465 = arith.constant 0 : i32
      %dma_wait3A_466 = tpu.memref_slice %arg9[%add3A_95, %dma_wait3A_465] : memref<10000x128xf32, #tpu.memory_space<vmem_shared>> -> memref<100x128xf32, #tpu.memory_space<vmem_shared>>
      %dma_wait3A_467 = arith.constant 0 : i32
      %dma_wait3A_468 = tpu.memref_slice %arg9[%add3A_95, %dma_wait3A_467] : memref<10000x128xf32, #tpu.memory_space<vmem_shared>> -> memref<100x128xf32, #tpu.memory_space<vmem_shared>>
      tpu.wait_dma2 semaphore(%run_scoped3A_460 : memref<!tpu.dma_semaphore, #tpu.memory_space<semaphore_mem>>) src(%arg18 : memref<100x128xf32, #tpu.memory_space<vmem>>) dst(%dma_wait3A_468 : memref<100x128xf32, #tpu.memory_space<vmem_shared>>)
      tpu.yield
    }) : () -> ()
    %add3A_96 = arith.constant 400 : i32
    %add3A_97 = arith.addi %mul3A_87, %add3A_96 : i32
    "tpu.region"() ({
      %run_scoped3A_460 = tpu.sem_alloc : memref<!tpu.dma_semaphore, #tpu.memory_space<semaphore_mem>>
      %dma_start3A_461 = arith.constant 0 : i32
      %dma_start3A_462 = tpu.memref_slice %arg9[%add3A_97, %dma_start3A_461] : memref<10000x128xf32, #tpu.memory_space<vmem_shared>> -> memref<100x128xf32, #tpu.memory_space<vmem_shared>>
      %dma_start3A_463 = arith.constant 0 : i32
      %dma_start3A_464 = tpu.memref_slice %arg9[%add3A_97, %dma_start3A_463] : memref<10000x128xf32, #tpu.memory_space<vmem_shared>> -> memref<100x128xf32, #tpu.memory_space<vmem_shared>>
      tpu.enqueue_dma source(%arg18 : memref<100x128xf32, #tpu.memory_space<vmem>>) target(%dma_start3A_464 : memref<100x128xf32, #tpu.memory_space<vmem_shared>>) target_semaphore(%run_scoped3A_460 : memref<!tpu.dma_semaphore, #tpu.memory_space<semaphore_mem>>)
      %dma_wait3A_465 = arith.constant 0 : i32
      %dma_wait3A_466 = tpu.memref_slice %arg9[%add3A_97, %dma_wait3A_465] : memref<10000x128xf32, #tpu.memory_space<vmem_shared>> -> memref<100x128xf32, #tpu.memory_space<vmem_shared>>
      %dma_wait3A_467 = arith.constant 0 : i32
      %dma_wait3A_468 = tpu.memref_slice %arg9[%add3A_97, %dma_wait3A_467] : memref<10000x128xf32, #tpu.memory_space<vmem_shared>> -> memref<100x128xf32, #tpu.memory_space<vmem_shared>>
      tpu.wait_dma2 semaphore(%run_scoped3A_460 : memref<!tpu.dma_semaphore, #tpu.memory_space<semaphore_mem>>) src(%arg18 : memref<100x128xf32, #tpu.memory_space<vmem>>) dst(%dma_wait3A_468 : memref<100x128xf32, #tpu.memory_space<vmem_shared>>)
      tpu.yield
    }) : () -> ()
    %add3A_98 = arith.constant 500 : i32
    %add3A_99 = arith.addi %mul3A_87, %add3A_98 : i32
    "tpu.region"() ({
      %run_scoped3A_460 = tpu.sem_alloc : memref<!tpu.dma_semaphore, #tpu.memory_space<semaphore_mem>>
      %dma_start3A_461 = arith.constant 0 : i32
      %dma_start3A_462 = tpu.memref_slice %arg9[%add3A_99, %dma_start3A_461] : memref<10000x128xf32, #tpu.memory_space<vmem_shared>> -> memref<100x128xf32, #tpu.memory_space<vmem_shared>>
      %dma_start3A_463 = arith.constant 0 : i32
      %dma_start3A_464 = tpu.memref_slice %arg9[%add3A_99, %dma_start3A_463] : memref<10000x128xf32, #tpu.memory_space<vmem_shared>> -> memref<100x128xf32, #tpu.memory_space<vmem_shared>>
      tpu.enqueue_dma source(%arg18 : memref<100x128xf32, #tpu.memory_space<vmem>>) target(%dma_start3A_464 : memref<100x128xf32, #tpu.memory_space<vmem_shared>>) target_semaphore(%run_scoped3A_460 : memref<!tpu.dma_semaphore, #tpu.memory_space<semaphore_mem>>)
      %dma_wait3A_465 = arith.constant 0 : i32
      %dma_wait3A_466 = tpu.memref_slice %arg9[%add3A_99, %dma_wait3A_465] : memref<10000x128xf32, #tpu.memory_space<vmem_shared>> -> memref<100x128xf32, #tpu.memory_space<vmem_shared>>
      %dma_wait3A_467 = arith.constant 0 : i32
      %dma_wait3A_468 = tpu.memref_slice %arg9[%add3A_99, %dma_wait3A_467] : memref<10000x128xf32, #tpu.memory_space<vmem_shared>> -> memref<100x128xf32, #tpu.memory_space<vmem_shared>>
      tpu.wait_dma2 semaphore(%run_scoped3A_460 : memref<!tpu.dma_semaphore, #tpu.memory_space<semaphore_mem>>) src(%arg18 : memref<100x128xf32, #tpu.memory_space<vmem>>) dst(%dma_wait3A_468 : memref<100x128xf32, #tpu.memory_space<vmem_shared>>)
      tpu.yield
    }) : () -> ()
    %add3A_100 = arith.constant 600 : i32
    %add3A_101 = arith.addi %mul3A_87, %add3A_100 : i32
    "tpu.region"() ({
      %run_scoped3A_460 = tpu.sem_alloc : memref<!tpu.dma_semaphore, #tpu.memory_space<semaphore_mem>>
      %dma_start3A_461 = arith.constant 0 : i32
      %dma_start3A_462 = arith.constant 0 : i32
      %dma_start3A_463 = tpu.memref_slice %arg18[%dma_start3A_461, %dma_start3A_462] : memref<100x128xf32, #tpu.memory_space<vmem>> -> memref<25x128xf32, #tpu.memory_space<vmem>>
      %dma_start3A_464 = arith.constant 0 : i32
      %dma_start3A_465 = tpu.memref_slice %arg9[%add3A_101, %dma_start3A_464] : memref<10000x128xf32, #tpu.memory_space<vmem_shared>> -> memref<25x128xf32, #tpu.memory_space<vmem_shared>>
      %dma_start3A_466 = arith.constant 0 : i32
      %dma_start3A_467 = tpu.memref_slice %arg9[%add3A_101, %dma_start3A_466] : memref<10000x128xf32, #tpu.memory_space<vmem_shared>> -> memref<25x128xf32, #tpu.memory_space<vmem_shared>>
      %dma_start3A_468 = arith.constant 0 : i32
      %dma_start3A_469 = arith.constant 0 : i32
      %dma_start3A_470 = tpu.memref_slice %arg18[%dma_start3A_468, %dma_start3A_469] : memref<100x128xf32, #tpu.memory_space<vmem>> -> memref<25x128xf32, #tpu.memory_space<vmem>>
      tpu.enqueue_dma source(%dma_start3A_470 : memref<25x128xf32, #tpu.memory_space<vmem>>) target(%dma_start3A_467 : memref<25x128xf32, #tpu.memory_space<vmem_shared>>) target_semaphore(%run_scoped3A_460 : memref<!tpu.dma_semaphore, #tpu.memory_space<semaphore_mem>>)
      %dma_wait3A_471 = arith.constant 0 : i32
      %dma_wait3A_472 = arith.constant 0 : i32
      %dma_wait3A_473 = tpu.memref_slice %arg18[%dma_wait3A_471, %dma_wait3A_472] : memref<100x128xf32, #tpu.memory_space<vmem>> -> memref<25x128xf32, #tpu.memory_space<vmem>>
      %dma_wait3A_474 = arith.constant 0 : i32
      %dma_wait3A_475 = tpu.memref_slice %arg9[%add3A_101, %dma_wait3A_474] : memref<10000x128xf32, #tpu.memory_space<vmem_shared>> -> memref<25x128xf32, #tpu.memory_space<vmem_shared>>
      %dma_wait3A_476 = arith.constant 0 : i32
      %dma_wait3A_477 = tpu.memref_slice %arg9[%add3A_101, %dma_wait3A_476] : memref<10000x128xf32, #tpu.memory_space<vmem_shared>> -> memref<25x128xf32, #tpu.memory_space<vmem_shared>>
      %dma_wait3A_478 = arith.constant 0 : i32
      %dma_wait3A_479 = arith.constant 0 : i32
      %dma_wait3A_480 = tpu.memref_slice %arg18[%dma_wait3A_478, %dma_wait3A_479] : memref<100x128xf32, #tpu.memory_space<vmem>> -> memref<25x128xf32, #tpu.memory_space<vmem>>
      tpu.wait_dma2 semaphore(%run_scoped3A_460 : memref<!tpu.dma_semaphore, #tpu.memory_space<semaphore_mem>>) src(%dma_wait3A_480 : memref<25x128xf32, #tpu.memory_space<vmem>>) dst(%dma_wait3A_477 : memref<25x128xf32, #tpu.memory_space<vmem_shared>>)
      tpu.yield
    }) : () -> ()
    %mul3A_102 = arith.constant 640 : i32
    %mul3A_103 = arith.muli %arg1, %mul3A_102 : i32
    "tpu.region"() ({
      %run_scoped3A_460 = tpu.sem_alloc : memref<!tpu.dma_semaphore, #tpu.memory_space<semaphore_mem>>
      %dma_start3A_461 = tpu.memref_slice %arg10[%mul3A_103] : memref<10240xf32, #tpu.memory_space<vmem_shared>> -> memref<640xf32, #tpu.memory_space<vmem_shared>>
      %dma_start3A_462 = tpu.memref_slice %arg10[%mul3A_103] : memref<10240xf32, #tpu.memory_space<vmem_shared>> -> memref<640xf32, #tpu.memory_space<vmem_shared>>
      tpu.enqueue_dma source(%arg20 : memref<640xf32, #tpu.memory_space<vmem>>) target(%dma_start3A_462 : memref<640xf32, #tpu.memory_space<vmem_shared>>) target_semaphore(%run_scoped3A_460 : memref<!tpu.dma_semaphore, #tpu.memory_space<semaphore_mem>>)
      %dma_wait3A_463 = tpu.memref_slice %arg10[%mul3A_103] : memref<10240xf32, #tpu.memory_space<vmem_shared>> -> memref<640xf32, #tpu.memory_space<vmem_shared>>
      %dma_wait3A_464 = tpu.memref_slice %arg10[%mul3A_103] : memref<10240xf32, #tpu.memory_space<vmem_shared>> -> memref<640xf32, #tpu.memory_space<vmem_shared>>
      tpu.wait_dma2 semaphore(%run_scoped3A_460 : memref<!tpu.dma_semaphore, #tpu.memory_space<semaphore_mem>>) src(%arg20 : memref<640xf32, #tpu.memory_space<vmem>>) dst(%dma_wait3A_464 : memref<640xf32, #tpu.memory_space<vmem_shared>>)
      tpu.yield
    }) : () -> ()
    "tpu.region"() ({
      %run_scoped3A_460 = tpu.sem_alloc : memref<!tpu.dma_semaphore, #tpu.memory_space<semaphore_mem>>
      %dma_start3A_461 = arith.constant 0 : i32
      %dma_start3A_462 = arith.constant 0 : i32
      %dma_start3A_463 = tpu.memref_slice %arg5[%add3A, %dma_start3A_461, %dma_start3A_462] : memref<32x100x100xi32, #tpu.memory_space<hbm>> -> memref<1x100x100xi32, #tpu.memory_space<hbm>>
      %dma_start3A_464 = tpu.memref_squeeze %dma_start3A_463 : memref<1x100x100xi32, #tpu.memory_space<hbm>> -> memref<100x100xi32, #tpu.memory_space<hbm>>
      %dma_start3A_465 = arith.constant 0 : i32
      %dma_start3A_466 = arith.constant 0 : i32
      %dma_start3A_467 = tpu.memref_slice %arg5[%add3A, %dma_start3A_465, %dma_start3A_466] : memref<32x100x100xi32, #tpu.memory_space<hbm>> -> memref<1x100x100xi32, #tpu.memory_space<hbm>>
      %dma_start3A_468 = tpu.memref_squeeze %dma_start3A_467 : memref<1x100x100xi32, #tpu.memory_space<hbm>> -> memref<100x100xi32, #tpu.memory_space<hbm>>
      tpu.enqueue_dma source(%dma_start3A_468 : memref<100x100xi32, #tpu.memory_space<hbm>>) target(%arg11 : memref<100x100xi32, #tpu.memory_space<vmem>>) target_semaphore(%run_scoped3A_460 : memref<!tpu.dma_semaphore, #tpu.memory_space<semaphore_mem>>)
      %dma_wait3A_469 = arith.constant 0 : i32
      %dma_wait3A_470 = arith.constant 0 : i32
      %dma_wait3A_471 = tpu.memref_slice %arg5[%add3A, %dma_wait3A_469, %dma_wait3A_470] : memref<32x100x100xi32, #tpu.memory_space<hbm>> -> memref<1x100x100xi32, #tpu.memory_space<hbm>>
      %dma_wait3A_472 = tpu.memref_squeeze %dma_wait3A_471 : memref<1x100x100xi32, #tpu.memory_space<hbm>> -> memref<100x100xi32, #tpu.memory_space<hbm>>
      %dma_wait3A_473 = arith.constant 0 : i32
      %dma_wait3A_474 = arith.constant 0 : i32
      %dma_wait3A_475 = tpu.memref_slice %arg5[%add3A, %dma_wait3A_473, %dma_wait3A_474] : memref<32x100x100xi32, #tpu.memory_space<hbm>> -> memref<1x100x100xi32, #tpu.memory_space<hbm>>
      %dma_wait3A_476 = tpu.memref_squeeze %dma_wait3A_475 : memref<1x100x100xi32, #tpu.memory_space<hbm>> -> memref<100x100xi32, #tpu.memory_space<hbm>>
      tpu.wait_dma2 semaphore(%run_scoped3A_460 : memref<!tpu.dma_semaphore, #tpu.memory_space<semaphore_mem>>) src(%dma_wait3A_476 : memref<100x100xi32, #tpu.memory_space<hbm>>) dst(%arg11 : memref<100x100xi32, #tpu.memory_space<vmem>>)
      tpu.yield
    }) : () -> ()
    "tpu.region"() ({
      %run_scoped3A_460 = tpu.sem_alloc : memref<!tpu.dma_semaphore, #tpu.memory_space<semaphore_mem>>
      %dma_start3A_461 = arith.constant 0 : i32
      %dma_start3A_462 = arith.constant 0 : i32
      %dma_start3A_463 = tpu.memref_slice %arg6[%add3A, %dma_start3A_461, %dma_start3A_462] : memref<32x100x100xi32, #tpu.memory_space<hbm>> -> memref<1x100x100xi32, #tpu.memory_space<hbm>>
      %dma_start3A_464 = tpu.memref_squeeze %dma_start3A_463 : memref<1x100x100xi32, #tpu.memory_space<hbm>> -> memref<100x100xi32, #tpu.memory_space<hbm>>
      %dma_start3A_465 = arith.constant 0 : i32
      %dma_start3A_466 = arith.constant 0 : i32
      %dma_start3A_467 = tpu.memref_slice %arg6[%add3A, %dma_start3A_465, %dma_start3A_466] : memref<32x100x100xi32, #tpu.memory_space<hbm>> -> memref<1x100x100xi32, #tpu.memory_space<hbm>>
      %dma_start3A_468 = tpu.memref_squeeze %dma_start3A_467 : memref<1x100x100xi32, #tpu.memory_space<hbm>> -> memref<100x100xi32, #tpu.memory_space<hbm>>
      tpu.enqueue_dma source(%dma_start3A_468 : memref<100x100xi32, #tpu.memory_space<hbm>>) target(%arg12 : memref<100x100xi32, #tpu.memory_space<vmem>>) target_semaphore(%run_scoped3A_460 : memref<!tpu.dma_semaphore, #tpu.memory_space<semaphore_mem>>)
      %dma_wait3A_469 = arith.constant 0 : i32
      %dma_wait3A_470 = arith.constant 0 : i32
      %dma_wait3A_471 = tpu.memref_slice %arg6[%add3A, %dma_wait3A_469, %dma_wait3A_470] : memref<32x100x100xi32, #tpu.memory_space<hbm>> -> memref<1x100x100xi32, #tpu.memory_space<hbm>>
      %dma_wait3A_472 = tpu.memref_squeeze %dma_wait3A_471 : memref<1x100x100xi32, #tpu.memory_space<hbm>> -> memref<100x100xi32, #tpu.memory_space<hbm>>
      %dma_wait3A_473 = arith.constant 0 : i32
      %dma_wait3A_474 = arith.constant 0 : i32
      %dma_wait3A_475 = tpu.memref_slice %arg6[%add3A, %dma_wait3A_473, %dma_wait3A_474] : memref<32x100x100xi32, #tpu.memory_space<hbm>> -> memref<1x100x100xi32, #tpu.memory_space<hbm>>
      %dma_wait3A_476 = tpu.memref_squeeze %dma_wait3A_475 : memref<1x100x100xi32, #tpu.memory_space<hbm>> -> memref<100x100xi32, #tpu.memory_space<hbm>>
      tpu.wait_dma2 semaphore(%run_scoped3A_460 : memref<!tpu.dma_semaphore, #tpu.memory_space<semaphore_mem>>) src(%dma_wait3A_476 : memref<100x100xi32, #tpu.memory_space<hbm>>) dst(%arg12 : memref<100x100xi32, #tpu.memory_space<vmem>>)
      tpu.yield
    }) : () -> ()
    %barrier3A = arith.constant 0 : index
    tpu.barrier barrier_id(%barrier3A)
    %dma_start3A = arith.constant 0 : i32
    %dma_start3A_104 = arith.constant 0 : i32
    %dma_start3A_105 = tpu.memref_slice %arg12[%dma_start3A, %dma_start3A_104] : memref<100x100xi32, #tpu.memory_space<vmem>> -> memref<1x100xi32, #tpu.memory_space<vmem>>
    %dma_start3A_106 = tpu.memref_squeeze %dma_start3A_105 : memref<1x100xi32, #tpu.memory_space<vmem>> -> memref<100xi32, #tpu.memory_space<vmem>>
    %dma_start3A_107 = arith.constant 0 : i32
    %dma_start3A_108 = arith.constant 0 : i32
    %dma_start3A_109 = tpu.memref_slice %arg2[%dma_start3A_107, %dma_start3A_108] : memref<10000x128xf32, #tpu.memory_space<hbm>> -> memref<10000x128xf32, #tpu.memory_space<hbm>>
    tpu.enqueue_indirect_dma source(%dma_start3A_109 : memref<10000x128xf32, #tpu.memory_space<hbm>>) target(%arg18 : memref<100x128xf32, #tpu.memory_space<vmem>>) offsets(%dma_start3A_106 : memref<100xi32, #tpu.memory_space<vmem>>) semaphore(%arg21 : memref<!tpu.dma_semaphore, #tpu.memory_space<semaphore_mem>>)
    %dma_start3A_110 = arith.constant 0 : i32
    %dma_start3A_111 = arith.constant 0 : i32
    %dma_start3A_112 = tpu.memref_slice %arg14[%dma_start3A_111] : memref<112xf32, #tpu.memory_space<vmem>> -> memref<100xf32, #tpu.memory_space<vmem>>
    %dma_start3A_113 = arith.constant 0 : i32
    %dma_start3A_114 = tpu.memref_slice %arg11[%dma_start3A_110, %dma_start3A_113] : memref<100x100xi32, #tpu.memory_space<vmem>> -> memref<1x100xi32, #tpu.memory_space<vmem>>
    %dma_start3A_115 = tpu.memref_squeeze %dma_start3A_114 : memref<1x100xi32, #tpu.memory_space<vmem>> -> memref<100xi32, #tpu.memory_space<vmem>>
    %dma_start3A_116 = arith.constant 0 : i32
    %dma_start3A_117 = tpu.memref_slice %arg3[%dma_start3A_116] : memref<10000xf32, #tpu.memory_space<hbm>> -> memref<10000xf32, #tpu.memory_space<hbm>>
    tpu.enqueue_indirect_dma source(%dma_start3A_117 : memref<10000xf32, #tpu.memory_space<hbm>>) target(%dma_start3A_112 : memref<100xf32, #tpu.memory_space<vmem>>) offsets(%dma_start3A_115 : memref<100xi32, #tpu.memory_space<vmem>>) semaphore(%arg23 : memref<!tpu.dma_semaphore, #tpu.memory_space<semaphore_mem>>)
    %dma_start3A_118 = arith.constant 0 : i32
    %dma_start3A_119 = arith.constant 0 : i32
    %dma_start3A_120 = tpu.memref_slice %arg16[%dma_start3A_119] : memref<112xf32, #tpu.memory_space<vmem>> -> memref<100xf32, #tpu.memory_space<vmem>>
    %dma_start3A_121 = arith.constant 0 : i32
    %dma_start3A_122 = tpu.memref_slice %arg12[%dma_start3A_118, %dma_start3A_121] : memref<100x100xi32, #tpu.memory_space<vmem>> -> memref<1x100xi32, #tpu.memory_space<vmem>>
    %dma_start3A_123 = tpu.memref_squeeze %dma_start3A_122 : memref<1x100xi32, #tpu.memory_space<vmem>> -> memref<100xi32, #tpu.memory_space<vmem>>
    %dma_start3A_124 = arith.constant 0 : i32
    %dma_start3A_125 = tpu.memref_slice %arg4[%dma_start3A_124] : memref<10000xf32, #tpu.memory_space<hbm>> -> memref<10000xf32, #tpu.memory_space<hbm>>
    tpu.enqueue_indirect_dma source(%dma_start3A_125 : memref<10000xf32, #tpu.memory_space<hbm>>) target(%dma_start3A_120 : memref<100xf32, #tpu.memory_space<vmem>>) offsets(%dma_start3A_123 : memref<100xi32, #tpu.memory_space<vmem>>) semaphore(%arg25 : memref<!tpu.dma_semaphore, #tpu.memory_space<semaphore_mem>>)
    %scan3A_126 = arith.constant 0 : i32
    %scan3A_127 = arith.constant 0 : i32
    %scan3A_128 = arith.constant 49 : i32
    %scan3A_129 = arith.addi %scan3A_127, %scan3A_128 : i32
    %scan3A_130 = arith.constant 1 : i32
    scf.for %scan3A_460 = %scan3A_127 to %scan3A_129 step %scan3A_130  : i32 {
      %mul3A_461 = arith.constant 2 : i32
      %mul3A_462 = arith.muli %mul3A_461, %scan3A_460 : i32
      %add3A_463 = arith.constant 1 : i32
      %add3A_464 = arith.addi %mul3A_462, %add3A_463 : i32
      %dma_start3A_465 = arith.constant 0 : i32
      %dma_start3A_466 = tpu.memref_slice %arg12[%add3A_464, %dma_start3A_465] : memref<100x100xi32, #tpu.memory_space<vmem>> -> memref<1x100xi32, #tpu.memory_space<vmem>>
      %dma_start3A_467 = tpu.memref_squeeze %dma_start3A_466 : memref<1x100xi32, #tpu.memory_space<vmem>> -> memref<100xi32, #tpu.memory_space<vmem>>
      %dma_start3A_468 = arith.constant 0 : i32
      %dma_start3A_469 = arith.constant 0 : i32
      %dma_start3A_470 = tpu.memref_slice %arg2[%dma_start3A_468, %dma_start3A_469] : memref<10000x128xf32, #tpu.memory_space<hbm>> -> memref<10000x128xf32, #tpu.memory_space<hbm>>
      tpu.enqueue_indirect_dma source(%dma_start3A_470 : memref<10000x128xf32, #tpu.memory_space<hbm>>) target(%arg19 : memref<100x128xf32, #tpu.memory_space<vmem>>) offsets(%dma_start3A_467 : memref<100xi32, #tpu.memory_space<vmem>>) semaphore(%arg22 : memref<!tpu.dma_semaphore, #tpu.memory_space<semaphore_mem>>)
      %dma_start3A_471 = arith.constant 0 : i32
      %dma_start3A_472 = tpu.memref_slice %arg15[%dma_start3A_471] : memref<112xf32, #tpu.memory_space<vmem>> -> memref<100xf32, #tpu.memory_space<vmem>>
      %dma_start3A_473 = arith.constant 0 : i32
      %dma_start3A_474 = tpu.memref_slice %arg11[%add3A_464, %dma_start3A_473] : memref<100x100xi32, #tpu.memory_space<vmem>> -> memref<1x100xi32, #tpu.memory_space<vmem>>
      %dma_start3A_475 = tpu.memref_squeeze %dma_start3A_474 : memref<1x100xi32, #tpu.memory_space<vmem>> -> memref<100xi32, #tpu.memory_space<vmem>>
      %dma_start3A_476 = arith.constant 0 : i32
      %dma_start3A_477 = tpu.memref_slice %arg3[%dma_start3A_476] : memref<10000xf32, #tpu.memory_space<hbm>> -> memref<10000xf32, #tpu.memory_space<hbm>>
      tpu.enqueue_indirect_dma source(%dma_start3A_477 : memref<10000xf32, #tpu.memory_space<hbm>>) target(%dma_start3A_472 : memref<100xf32, #tpu.memory_space<vmem>>) offsets(%dma_start3A_475 : memref<100xi32, #tpu.memory_space<vmem>>) semaphore(%arg24 : memref<!tpu.dma_semaphore, #tpu.memory_space<semaphore_mem>>)
      %dma_start3A_478 = arith.constant 0 : i32
      %dma_start3A_479 = tpu.memref_slice %arg17[%dma_start3A_478] : memref<112xf32, #tpu.memory_space<vmem>> -> memref<100xf32, #tpu.memory_space<vmem>>
      %dma_start3A_480 = arith.constant 0 : i32
      %dma_start3A_481 = tpu.memref_slice %arg12[%add3A_464, %dma_start3A_480] : memref<100x100xi32, #tpu.memory_space<vmem>> -> memref<1x100xi32, #tpu.memory_space<vmem>>
      %dma_start3A_482 = tpu.memref_squeeze %dma_start3A_481 : memref<1x100xi32, #tpu.memory_space<vmem>> -> memref<100xi32, #tpu.memory_space<vmem>>
      %dma_start3A_483 = arith.constant 0 : i32
      %dma_start3A_484 = tpu.memref_slice %arg4[%dma_start3A_483] : memref<10000xf32, #tpu.memory_space<hbm>> -> memref<10000xf32, #tpu.memory_space<hbm>>
      tpu.enqueue_indirect_dma source(%dma_start3A_484 : memref<10000xf32, #tpu.memory_space<hbm>>) target(%dma_start3A_479 : memref<100xf32, #tpu.memory_space<vmem>>) offsets(%dma_start3A_482 : memref<100xi32, #tpu.memory_space<vmem>>) semaphore(%arg26 : memref<!tpu.dma_semaphore, #tpu.memory_space<semaphore_mem>>)
      %dma_wait3A_485 = arith.constant 0 : i32
      %dma_wait3A_486 = tpu.memref_slice %arg14[%dma_wait3A_485] : memref<112xf32, #tpu.memory_space<vmem>> -> memref<100xf32, #tpu.memory_space<vmem>>
      %dma_wait3A_487 = arith.constant 0 : i32
      %dma_wait3A_488 = tpu.memref_slice %arg11[%mul3A_462, %dma_wait3A_487] : memref<100x100xi32, #tpu.memory_space<vmem>> -> memref<1x100xi32, #tpu.memory_space<vmem>>
      %dma_wait3A_489 = tpu.memref_squeeze %dma_wait3A_488 : memref<1x100xi32, #tpu.memory_space<vmem>> -> memref<100xi32, #tpu.memory_space<vmem>>
      %dma_wait3A_490 = arith.constant 0 : i32
      %dma_wait3A_491 = tpu.memref_slice %arg3[%dma_wait3A_490] : memref<10000xf32, #tpu.memory_space<hbm>> -> memref<10000xf32, #tpu.memory_space<hbm>>
      tpu.wait_indirect_dma semaphore(%arg23 : memref<!tpu.dma_semaphore, #tpu.memory_space<semaphore_mem>>) src(%dma_wait3A_491 : memref<10000xf32, #tpu.memory_space<hbm>>) dst(%dma_wait3A_486 : memref<100xf32, #tpu.memory_space<vmem>>)
      %dma_wait3A_492 = arith.constant 0 : i32
      %dma_wait3A_493 = tpu.memref_slice %arg16[%dma_wait3A_492] : memref<112xf32, #tpu.memory_space<vmem>> -> memref<100xf32, #tpu.memory_space<vmem>>
      %dma_wait3A_494 = arith.constant 0 : i32
      %dma_wait3A_495 = tpu.memref_slice %arg12[%mul3A_462, %dma_wait3A_494] : memref<100x100xi32, #tpu.memory_space<vmem>> -> memref<1x100xi32, #tpu.memory_space<vmem>>
      %dma_wait3A_496 = tpu.memref_squeeze %dma_wait3A_495 : memref<1x100xi32, #tpu.memory_space<vmem>> -> memref<100xi32, #tpu.memory_space<vmem>>
      %dma_wait3A_497 = arith.constant 0 : i32
      %dma_wait3A_498 = tpu.memref_slice %arg4[%dma_wait3A_497] : memref<10000xf32, #tpu.memory_space<hbm>> -> memref<10000xf32, #tpu.memory_space<hbm>>
      tpu.wait_indirect_dma semaphore(%arg25 : memref<!tpu.dma_semaphore, #tpu.memory_space<semaphore_mem>>) src(%dma_wait3A_498 : memref<10000xf32, #tpu.memory_space<hbm>>) dst(%dma_wait3A_493 : memref<100xf32, #tpu.memory_space<vmem>>)
      %get3A_499 = arith.constant 0 : index
      %get3A_500 = tpu.vector_load %arg14[%get3A_499] {strides = array<i32>} : memref<112xf32, #tpu.memory_space<vmem>>, vector<16xf32>,
      %get3A_501 = arith.constant 0 : index
      %get3A_502 = tpu.vector_load %arg16[%get3A_501] {strides = array<i32>} : memref<112xf32, #tpu.memory_space<vmem>>, vector<16xf32>,
      %add3A_503 = arith.addf %get3A_500, %get3A_502 : vector<16xf32>
      %gt3A_504 = arith.constant 0.000000e+00 : f32
      %gt3A_505 = vector.broadcast %gt3A_504 : f32 to vector<16xf32>
      %gt3A_506 = arith.cmpf ogt, %add3A_503, %gt3A_505 : vector<16xf32>
      %neg3A_507 = arith.constant 0.000000e+00 : f32
      %neg3A_508 = vector.broadcast %neg3A_507 : f32 to vector<16xf32>
      %neg3A_509 = arith.subf %neg3A_508, %add3A_503 : vector<16xf32>
      %mul3A_510 = arith.constant -2.000000e-01 : f32
      %mul3A_511 = vector.broadcast %mul3A_510 : f32 to vector<16xf32>
      %mul3A_512 = arith.mulf %mul3A_511, %add3A_503 : vector<16xf32>
      %select_n3A_513 = arith.select %gt3A_506, %neg3A_509, %mul3A_512 : vector<16xi1>, vector<16xf32>
      %exp3A_514 = math.exp %select_n3A_513 : vector<16xf32>
      %swap3A_515 = arith.constant 0 : index
      %swap3A_516 = tpu.vector_load %arg13[%swap3A_515] {strides = array<i32>} : memref<112xf32, #tpu.memory_space<vmem>>, vector<16xf32>,
      tpu.vector_store %arg13[%swap3A_515], %exp3A_514 {strides = array<i32>} : memref<112xf32, #tpu.memory_space<vmem>>, vector<16xf32>,
      %get3A_517 = arith.constant 16 : index
      %get3A_518 = tpu.vector_load %arg14[%get3A_517] {strides = array<i32>} : memref<112xf32, #tpu.memory_space<vmem>>, vector<16xf32>,
      %get3A_519 = arith.constant 16 : index
      %get3A_520 = tpu.vector_load %arg16[%get3A_519] {strides = array<i32>} : memref<112xf32, #tpu.memory_space<vmem>>, vector<16xf32>,
      %add3A_521 = arith.addf %get3A_518, %get3A_520 : vector<16xf32>
      %gt3A_522 = arith.constant 0.000000e+00 : f32
      %gt3A_523 = vector.broadcast %gt3A_522 : f32 to vector<16xf32>
      %gt3A_524 = arith.cmpf ogt, %add3A_521, %gt3A_523 : vector<16xf32>
      %neg3A_525 = arith.constant 0.000000e+00 : f32
      %neg3A_526 = vector.broadcast %neg3A_525 : f32 to vector<16xf32>
      %neg3A_527 = arith.subf %neg3A_526, %add3A_521 : vector<16xf32>
      %mul3A_528 = arith.constant -2.000000e-01 : f32
      %mul3A_529 = vector.broadcast %mul3A_528 : f32 to vector<16xf32>
      %mul3A_530 = arith.mulf %mul3A_529, %add3A_521 : vector<16xf32>
      %select_n3A_531 = arith.select %gt3A_524, %neg3A_527, %mul3A_530 : vector<16xi1>, vector<16xf32>
      %exp3A_532 = math.exp %select_n3A_531 : vector<16xf32>
      %swap3A_533 = arith.constant 16 : index
      %swap3A_534 = tpu.vector_load %arg13[%swap3A_533] {strides = array<i32>} : memref<112xf32, #tpu.memory_space<vmem>>, vector<16xf32>,
      tpu.vector_store %arg13[%swap3A_533], %exp3A_532 {strides = array<i32>} : memref<112xf32, #tpu.memory_space<vmem>>, vector<16xf32>,
      %get3A_535 = arith.constant 32 : index
      %get3A_536 = tpu.vector_load %arg14[%get3A_535] {strides = array<i32>} : memref<112xf32, #tpu.memory_space<vmem>>, vector<16xf32>,
      %get3A_537 = arith.constant 32 : index
      %get3A_538 = tpu.vector_load %arg16[%get3A_537] {strides = array<i32>} : memref<112xf32, #tpu.memory_space<vmem>>, vector<16xf32>,
      %add3A_539 = arith.addf %get3A_536, %get3A_538 : vector<16xf32>
      %gt3A_540 = arith.constant 0.000000e+00 : f32
      %gt3A_541 = vector.broadcast %gt3A_540 : f32 to vector<16xf32>
      %gt3A_542 = arith.cmpf ogt, %add3A_539, %gt3A_541 : vector<16xf32>
      %neg3A_543 = arith.constant 0.000000e+00 : f32
      %neg3A_544 = vector.broadcast %neg3A_543 : f32 to vector<16xf32>
      %neg3A_545 = arith.subf %neg3A_544, %add3A_539 : vector<16xf32>
      %mul3A_546 = arith.constant -2.000000e-01 : f32
      %mul3A_547 = vector.broadcast %mul3A_546 : f32 to vector<16xf32>
      %mul3A_548 = arith.mulf %mul3A_547, %add3A_539 : vector<16xf32>
      %select_n3A_549 = arith.select %gt3A_542, %neg3A_545, %mul3A_548 : vector<16xi1>, vector<16xf32>
      %exp3A_550 = math.exp %select_n3A_549 : vector<16xf32>
      %swap3A_551 = arith.constant 32 : index
      %swap3A_552 = tpu.vector_load %arg13[%swap3A_551] {strides = array<i32>} : memref<112xf32, #tpu.memory_space<vmem>>, vector<16xf32>,
      tpu.vector_store %arg13[%swap3A_551], %exp3A_550 {strides = array<i32>} : memref<112xf32, #tpu.memory_space<vmem>>, vector<16xf32>,
      %get3A_553 = arith.constant 48 : index
      %get3A_554 = tpu.vector_load %arg14[%get3A_553] {strides = array<i32>} : memref<112xf32, #tpu.memory_space<vmem>>, vector<16xf32>,
      %get3A_555 = arith.constant 48 : index
      %get3A_556 = tpu.vector_load %arg16[%get3A_555] {strides = array<i32>} : memref<112xf32, #tpu.memory_space<vmem>>, vector<16xf32>,
      %add3A_557 = arith.addf %get3A_554, %get3A_556 : vector<16xf32>
      %gt3A_558 = arith.constant 0.000000e+00 : f32
      %gt3A_559 = vector.broadcast %gt3A_558 : f32 to vector<16xf32>
      %gt3A_560 = arith.cmpf ogt, %add3A_557, %gt3A_559 : vector<16xf32>
      %neg3A_561 = arith.constant 0.000000e+00 : f32
      %neg3A_562 = vector.broadcast %neg3A_561 : f32 to vector<16xf32>
      %neg3A_563 = arith.subf %neg3A_562, %add3A_557 : vector<16xf32>
      %mul3A_564 = arith.constant -2.000000e-01 : f32
      %mul3A_565 = vector.broadcast %mul3A_564 : f32 to vector<16xf32>
      %mul3A_566 = arith.mulf %mul3A_565, %add3A_557 : vector<16xf32>
      %select_n3A_567 = arith.select %gt3A_560, %neg3A_563, %mul3A_566 : vector<16xi1>, vector<16xf32>
      %exp3A_568 = math.exp %select_n3A_567 : vector<16xf32>
      %swap3A_569 = arith.constant 48 : index
      %swap3A_570 = tpu.vector_load %arg13[%swap3A_569] {strides = array<i32>} : memref<112xf32, #tpu.memory_space<vmem>>, vector<16xf32>,
      tpu.vector_store %arg13[%swap3A_569], %exp3A_568 {strides = array<i32>} : memref<112xf32, #tpu.memory_space<vmem>>, vector<16xf32>,
      %get3A_571 = arith.constant 64 : index
      %get3A_572 = tpu.vector_load %arg14[%get3A_571] {strides = array<i32>} : memref<112xf32, #tpu.memory_space<vmem>>, vector<16xf32>,
      %get3A_573 = arith.constant 64 : index
      %get3A_574 = tpu.vector_load %arg16[%get3A_573] {strides = array<i32>} : memref<112xf32, #tpu.memory_space<vmem>>, vector<16xf32>,
      %add3A_575 = arith.addf %get3A_572, %get3A_574 : vector<16xf32>
      %gt3A_576 = arith.constant 0.000000e+00 : f32
      %gt3A_577 = vector.broadcast %gt3A_576 : f32 to vector<16xf32>
      %gt3A_578 = arith.cmpf ogt, %add3A_575, %gt3A_577 : vector<16xf32>
      %neg3A_579 = arith.constant 0.000000e+00 : f32
      %neg3A_580 = vector.broadcast %neg3A_579 : f32 to vector<16xf32>
      %neg3A_581 = arith.subf %neg3A_580, %add3A_575 : vector<16xf32>
      %mul3A_582 = arith.constant -2.000000e-01 : f32
      %mul3A_583 = vector.broadcast %mul3A_582 : f32 to vector<16xf32>
      %mul3A_584 = arith.mulf %mul3A_583, %add3A_575 : vector<16xf32>
      %select_n3A_585 = arith.select %gt3A_578, %neg3A_581, %mul3A_584 : vector<16xi1>, vector<16xf32>
      %exp3A_586 = math.exp %select_n3A_585 : vector<16xf32>
      %swap3A_587 = arith.constant 64 : index
      %swap3A_588 = tpu.vector_load %arg13[%swap3A_587] {strides = array<i32>} : memref<112xf32, #tpu.memory_space<vmem>>, vector<16xf32>,
      tpu.vector_store %arg13[%swap3A_587], %exp3A_586 {strides = array<i32>} : memref<112xf32, #tpu.memory_space<vmem>>, vector<16xf32>,
      %get3A_589 = arith.constant 80 : index
      %get3A_590 = tpu.vector_load %arg14[%get3A_589] {strides = array<i32>} : memref<112xf32, #tpu.memory_space<vmem>>, vector<16xf32>,
      %get3A_591 = arith.constant 80 : index
      %get3A_592 = tpu.vector_load %arg16[%get3A_591] {strides = array<i32>} : memref<112xf32, #tpu.memory_space<vmem>>, vector<16xf32>,
      %add3A_593 = arith.addf %get3A_590, %get3A_592 : vector<16xf32>
      %gt3A_594 = arith.constant 0.000000e+00 : f32
      %gt3A_595 = vector.broadcast %gt3A_594 : f32 to vector<16xf32>
      %gt3A_596 = arith.cmpf ogt, %add3A_593, %gt3A_595 : vector<16xf32>
      %neg3A_597 = arith.constant 0.000000e+00 : f32
      %neg3A_598 = vector.broadcast %neg3A_597 : f32 to vector<16xf32>
      %neg3A_599 = arith.subf %neg3A_598, %add3A_593 : vector<16xf32>
      %mul3A_600 = arith.constant -2.000000e-01 : f32
      %mul3A_601 = vector.broadcast %mul3A_600 : f32 to vector<16xf32>
      %mul3A_602 = arith.mulf %mul3A_601, %add3A_593 : vector<16xf32>
      %select_n3A_603 = arith.select %gt3A_596, %neg3A_599, %mul3A_602 : vector<16xi1>, vector<16xf32>
      %exp3A_604 = math.exp %select_n3A_603 : vector<16xf32>
      %swap3A_605 = arith.constant 80 : index
      %swap3A_606 = tpu.vector_load %arg13[%swap3A_605] {strides = array<i32>} : memref<112xf32, #tpu.memory_space<vmem>>, vector<16xf32>,
      tpu.vector_store %arg13[%swap3A_605], %exp3A_604 {strides = array<i32>} : memref<112xf32, #tpu.memory_space<vmem>>, vector<16xf32>,
      %get3A_607 = arith.constant 96 : index
      %get3A_608 = tpu.vector_load %arg14[%get3A_607] {strides = array<i32>} : memref<112xf32, #tpu.memory_space<vmem>>, vector<16xf32>,
      %get3A_609 = arith.constant 96 : index
      %get3A_610 = tpu.vector_load %arg16[%get3A_609] {strides = array<i32>} : memref<112xf32, #tpu.memory_space<vmem>>, vector<16xf32>,
      %add3A_611 = arith.addf %get3A_608, %get3A_610 : vector<16xf32>
      %gt3A_612 = arith.constant 0.000000e+00 : f32
      %gt3A_613 = vector.broadcast %gt3A_612 : f32 to vector<16xf32>
      %gt3A_614 = arith.cmpf ogt, %add3A_611, %gt3A_613 : vector<16xf32>
      %neg3A_615 = arith.constant 0.000000e+00 : f32
      %neg3A_616 = vector.broadcast %neg3A_615 : f32 to vector<16xf32>
      %neg3A_617 = arith.subf %neg3A_616, %add3A_611 : vector<16xf32>
      %mul3A_618 = arith.constant -2.000000e-01 : f32
      %mul3A_619 = vector.broadcast %mul3A_618 : f32 to vector<16xf32>
      %mul3A_620 = arith.mulf %mul3A_619, %add3A_611 : vector<16xf32>
      %select_n3A_621 = arith.select %gt3A_614, %neg3A_617, %mul3A_620 : vector<16xi1>, vector<16xf32>
      %exp3A_622 = math.exp %select_n3A_621 : vector<16xf32>
      %swap3A_623 = arith.constant 96 : index
      %swap3A_624 = tpu.vector_load %arg13[%swap3A_623] {strides = array<i32>} : memref<112xf32, #tpu.memory_space<vmem>>, vector<16xf32>,
      tpu.vector_store %arg13[%swap3A_623], %exp3A_622 {strides = array<i32>} : memref<112xf32, #tpu.memory_space<vmem>>, vector<16xf32>,
      %dma_wait3A_625 = arith.constant 0 : i32
      %dma_wait3A_626 = tpu.memref_slice %arg12[%mul3A_462, %dma_wait3A_625] : memref<100x100xi32, #tpu.memory_space<vmem>> -> memref<1x100xi32, #tpu.memory_space<vmem>>
      %dma_wait3A_627 = tpu.memref_squeeze %dma_wait3A_626 : memref<1x100xi32, #tpu.memory_space<vmem>> -> memref<100xi32, #tpu.memory_space<vmem>>
      %dma_wait3A_628 = arith.constant 0 : i32
      %dma_wait3A_629 = arith.constant 0 : i32
      %dma_wait3A_630 = tpu.memref_slice %arg2[%dma_wait3A_628, %dma_wait3A_629] : memref<10000x128xf32, #tpu.memory_space<hbm>> -> memref<10000x128xf32, #tpu.memory_space<hbm>>
      tpu.wait_indirect_dma semaphore(%arg21 : memref<!tpu.dma_semaphore, #tpu.memory_space<semaphore_mem>>) src(%dma_wait3A_630 : memref<10000x128xf32, #tpu.memory_space<hbm>>) dst(%arg18 : memref<100x128xf32, #tpu.memory_space<vmem>>)
      %parallel_loop3A_631 = arith.constant 0 : i32
      %parallel_loop3A_632 = arith.constant 100 : i32
      %parallel_loop3A_633 = arith.constant 1 : i32
      scf.for %parallel_loop3A_807 = %parallel_loop3A_631 to %parallel_loop3A_632 step %parallel_loop3A_633  : i32 {
        %parallel_loop3A_808 = vector.broadcast %parallel_loop3A_807 : i32 to vector<16xi32>
        %parallel_loop3A_809 = tpu.vector_load_idx %arg13[%parallel_loop3A_808] : memref<112xf32, #tpu.memory_space<vmem>>[vector<16xi32>], vector<16xf32>,
        %parallel_loop3A_810 = arith.index_cast %parallel_loop3A_807 : i32 to index
        %parallel_loop3A_811 = arith.constant 0 : index
        %parallel_loop3A_812 = tpu.vector_load %arg18[%parallel_loop3A_810, %parallel_loop3A_811] {strides = array<i32>} : memref<100x128xf32, #tpu.memory_space<vmem>>, vector<16xf32>,
        %parallel_loop3A_813 = arith.mulf %parallel_loop3A_812, %parallel_loop3A_809 : vector<16xf32>
        %parallel_loop3A_814 = arith.index_cast %parallel_loop3A_807 : i32 to index
        %parallel_loop3A_815 = arith.constant 0 : index
        %parallel_loop3A_816 = tpu.vector_load %arg18[%parallel_loop3A_814, %parallel_loop3A_815] {strides = array<i32>} : memref<100x128xf32, #tpu.memory_space<vmem>>, vector<16xf32>,
        tpu.vector_store %arg18[%parallel_loop3A_814, %parallel_loop3A_815], %parallel_loop3A_813 {strides = array<i32>} : memref<100x128xf32, #tpu.memory_space<vmem>>, vector<16xf32>,
        %parallel_loop3A_817 = arith.index_cast %parallel_loop3A_807 : i32 to index
        %parallel_loop3A_818 = arith.constant 16 : index
        %parallel_loop3A_819 = tpu.vector_load %arg18[%parallel_loop3A_817, %parallel_loop3A_818] {strides = array<i32>} : memref<100x128xf32, #tpu.memory_space<vmem>>, vector<16xf32>,
        %parallel_loop3A_820 = arith.mulf %parallel_loop3A_819, %parallel_loop3A_809 : vector<16xf32>
        %parallel_loop3A_821 = arith.index_cast %parallel_loop3A_807 : i32 to index
        %parallel_loop3A_822 = arith.constant 16 : index
        %parallel_loop3A_823 = tpu.vector_load %arg18[%parallel_loop3A_821, %parallel_loop3A_822] {strides = array<i32>} : memref<100x128xf32, #tpu.memory_space<vmem>>, vector<16xf32>,
        tpu.vector_store %arg18[%parallel_loop3A_821, %parallel_loop3A_822], %parallel_loop3A_820 {strides = array<i32>} : memref<100x128xf32, #tpu.memory_space<vmem>>, vector<16xf32>,
        %parallel_loop3A_824 = arith.index_cast %parallel_loop3A_807 : i32 to index
        %parallel_loop3A_825 = arith.constant 32 : index
        %parallel_loop3A_826 = tpu.vector_load %arg18[%parallel_loop3A_824, %parallel_loop3A_825] {strides = array<i32>} : memref<100x128xf32, #tpu.memory_space<vmem>>, vector<16xf32>,
        %parallel_loop3A_827 = arith.mulf %parallel_loop3A_826, %parallel_loop3A_809 : vector<16xf32>
        %parallel_loop3A_828 = arith.index_cast %parallel_loop3A_807 : i32 to index
        %parallel_loop3A_829 = arith.constant 32 : index
        %parallel_loop3A_830 = tpu.vector_load %arg18[%parallel_loop3A_828, %parallel_loop3A_829] {strides = array<i32>} : memref<100x128xf32, #tpu.memory_space<vmem>>, vector<16xf32>,
        tpu.vector_store %arg18[%parallel_loop3A_828, %parallel_loop3A_829], %parallel_loop3A_827 {strides = array<i32>} : memref<100x128xf32, #tpu.memory_space<vmem>>, vector<16xf32>,
        %parallel_loop3A_831 = arith.index_cast %parallel_loop3A_807 : i32 to index
        %parallel_loop3A_832 = arith.constant 48 : index
        %parallel_loop3A_833 = tpu.vector_load %arg18[%parallel_loop3A_831, %parallel_loop3A_832] {strides = array<i32>} : memref<100x128xf32, #tpu.memory_space<vmem>>, vector<16xf32>,
        %parallel_loop3A_834 = arith.mulf %parallel_loop3A_833, %parallel_loop3A_809 : vector<16xf32>
        %parallel_loop3A_835 = arith.index_cast %parallel_loop3A_807 : i32 to index
        %parallel_loop3A_836 = arith.constant 48 : index
        %parallel_loop3A_837 = tpu.vector_load %arg18[%parallel_loop3A_835, %parallel_loop3A_836] {strides = array<i32>} : memref<100x128xf32, #tpu.memory_space<vmem>>, vector<16xf32>,
        tpu.vector_store %arg18[%parallel_loop3A_835, %parallel_loop3A_836], %parallel_loop3A_834 {strides = array<i32>} : memref<100x128xf32, #tpu.memory_space<vmem>>, vector<16xf32>,
        %parallel_loop3A_838 = arith.index_cast %parallel_loop3A_807 : i32 to index
        %parallel_loop3A_839 = arith.constant 64 : index
        %parallel_loop3A_840 = tpu.vector_load %arg18[%parallel_loop3A_838, %parallel_loop3A_839] {strides = array<i32>} : memref<100x128xf32, #tpu.memory_space<vmem>>, vector<16xf32>,
        %parallel_loop3A_841 = arith.mulf %parallel_loop3A_840, %parallel_loop3A_809 : vector<16xf32>
        %parallel_loop3A_842 = arith.index_cast %parallel_loop3A_807 : i32 to index
        %parallel_loop3A_843 = arith.constant 64 : index
        %parallel_loop3A_844 = tpu.vector_load %arg18[%parallel_loop3A_842, %parallel_loop3A_843] {strides = array<i32>} : memref<100x128xf32, #tpu.memory_space<vmem>>, vector<16xf32>,
        tpu.vector_store %arg18[%parallel_loop3A_842, %parallel_loop3A_843], %parallel_loop3A_841 {strides = array<i32>} : memref<100x128xf32, #tpu.memory_space<vmem>>, vector<16xf32>,
        %parallel_loop3A_845 = arith.index_cast %parallel_loop3A_807 : i32 to index
        %parallel_loop3A_846 = arith.constant 80 : index
        %parallel_loop3A_847 = tpu.vector_load %arg18[%parallel_loop3A_845, %parallel_loop3A_846] {strides = array<i32>} : memref<100x128xf32, #tpu.memory_space<vmem>>, vector<16xf32>,
        %parallel_loop3A_848 = arith.mulf %parallel_loop3A_847, %parallel_loop3A_809 : vector<16xf32>
        %parallel_loop3A_849 = arith.index_cast %parallel_loop3A_807 : i32 to index
        %parallel_loop3A_850 = arith.constant 80 : index
        %parallel_loop3A_851 = tpu.vector_load %arg18[%parallel_loop3A_849, %parallel_loop3A_850] {strides = array<i32>} : memref<100x128xf32, #tpu.memory_space<vmem>>, vector<16xf32>,
        tpu.vector_store %arg18[%parallel_loop3A_849, %parallel_loop3A_850], %parallel_loop3A_848 {strides = array<i32>} : memref<100x128xf32, #tpu.memory_space<vmem>>, vector<16xf32>,
        %parallel_loop3A_852 = arith.index_cast %parallel_loop3A_807 : i32 to index
        %parallel_loop3A_853 = arith.constant 96 : index
        %parallel_loop3A_854 = tpu.vector_load %arg18[%parallel_loop3A_852, %parallel_loop3A_853] {strides = array<i32>} : memref<100x128xf32, #tpu.memory_space<vmem>>, vector<16xf32>,
        %parallel_loop3A_855 = arith.mulf %parallel_loop3A_854, %parallel_loop3A_809 : vector<16xf32>
        %parallel_loop3A_856 = arith.index_cast %parallel_loop3A_807 : i32 to index
        %parallel_loop3A_857 = arith.constant 96 : index
        %parallel_loop3A_858 = tpu.vector_load %arg18[%parallel_loop3A_856, %parallel_loop3A_857] {strides = array<i32>} : memref<100x128xf32, #tpu.memory_space<vmem>>, vector<16xf32>,
        tpu.vector_store %arg18[%parallel_loop3A_856, %parallel_loop3A_857], %parallel_loop3A_855 {strides = array<i32>} : memref<100x128xf32, #tpu.memory_space<vmem>>, vector<16xf32>,
        %parallel_loop3A_859 = arith.index_cast %parallel_loop3A_807 : i32 to index
        %parallel_loop3A_860 = arith.constant 112 : index
        %parallel_loop3A_861 = tpu.vector_load %arg18[%parallel_loop3A_859, %parallel_loop3A_860] {strides = array<i32>} : memref<100x128xf32, #tpu.memory_space<vmem>>, vector<16xf32>,
        %parallel_loop3A_862 = arith.mulf %parallel_loop3A_861, %parallel_loop3A_809 : vector<16xf32>
        %parallel_loop3A_863 = arith.index_cast %parallel_loop3A_807 : i32 to index
        %parallel_loop3A_864 = arith.constant 112 : index
        %parallel_loop3A_865 = tpu.vector_load %arg18[%parallel_loop3A_863, %parallel_loop3A_864] {strides = array<i32>} : memref<100x128xf32, #tpu.memory_space<vmem>>, vector<16xf32>,
        tpu.vector_store %arg18[%parallel_loop3A_863, %parallel_loop3A_864], %parallel_loop3A_862 {strides = array<i32>} : memref<100x128xf32, #tpu.memory_space<vmem>>, vector<16xf32>,
      } {sc.loop_unroll_factor = 4 : i64, sc.parallel_access}
      "tpu.region"() ({
        %run_scoped3A_807 = tpu.sem_alloc : memref<!tpu.dma_semaphore, #tpu.memory_space<semaphore_mem>>
        %dma_start3A_808 = arith.constant 0 : i32
        %dma_start3A_809 = tpu.memref_slice %arg13[%dma_start3A_808] : memref<112xf32, #tpu.memory_space<vmem>> -> memref<100xf32, #tpu.memory_space<vmem>>
        %dma_start3A_810 = arith.constant 0 : i32
        %dma_start3A_811 = tpu.memref_slice %arg11[%mul3A_462, %dma_start3A_810] : memref<100x100xi32, #tpu.memory_space<vmem>> -> memref<1x100xi32, #tpu.memory_space<vmem>>
        %dma_start3A_812 = tpu.memref_squeeze %dma_start3A_811 : memref<1x100xi32, #tpu.memory_space<vmem>> -> memref<100xi32, #tpu.memory_space<vmem>>
        %dma_start3A_813 = arith.constant 0 : i32
        %dma_start3A_814 = tpu.memref_slice %arg10[%dma_start3A_813] : memref<10240xf32, #tpu.memory_space<vmem_shared>> -> memref<10240xf32, #tpu.memory_space<vmem_shared>>
        tpu.enqueue_indirect_dma source(%dma_start3A_809 : memref<100xf32, #tpu.memory_space<vmem>>) target(%dma_start3A_814 : memref<10240xf32, #tpu.memory_space<vmem_shared>>) offsets(%dma_start3A_812 : memref<100xi32, #tpu.memory_space<vmem>>) semaphore(%run_scoped3A_807 : memref<!tpu.dma_semaphore, #tpu.memory_space<semaphore_mem>>) {add = true}
        %dma_wait3A_815 = arith.constant 0 : i32
        %dma_wait3A_816 = tpu.memref_slice %arg13[%dma_wait3A_815] : memref<112xf32, #tpu.memory_space<vmem>> -> memref<100xf32, #tpu.memory_space<vmem>>
        %dma_wait3A_817 = arith.constant 0 : i32
        %dma_wait3A_818 = tpu.memref_slice %arg11[%mul3A_462, %dma_wait3A_817] : memref<100x100xi32, #tpu.memory_space<vmem>> -> memref<1x100xi32, #tpu.memory_space<vmem>>
        %dma_wait3A_819 = tpu.memref_squeeze %dma_wait3A_818 : memref<1x100xi32, #tpu.memory_space<vmem>> -> memref<100xi32, #tpu.memory_space<vmem>>
        %dma_wait3A_820 = arith.constant 0 : i32
        %dma_wait3A_821 = tpu.memref_slice %arg10[%dma_wait3A_820] : memref<10240xf32, #tpu.memory_space<vmem_shared>> -> memref<10240xf32, #tpu.memory_space<vmem_shared>>
        tpu.wait_indirect_dma semaphore(%run_scoped3A_807 : memref<!tpu.dma_semaphore, #tpu.memory_space<semaphore_mem>>) src(%dma_wait3A_816 : memref<100xf32, #tpu.memory_space<vmem>>) dst(%dma_wait3A_821 : memref<10240xf32, #tpu.memory_space<vmem_shared>>)
        tpu.yield
      }) : () -> ()
      "tpu.region"() ({
        %run_scoped3A_807 = tpu.sem_alloc : memref<!tpu.dma_semaphore, #tpu.memory_space<semaphore_mem>>
        %dma_start3A_808 = arith.constant 0 : i32
        %dma_start3A_809 = tpu.memref_slice %arg11[%mul3A_462, %dma_start3A_808] : memref<100x100xi32, #tpu.memory_space<vmem>> -> memref<1x100xi32, #tpu.memory_space<vmem>>
        %dma_start3A_810 = tpu.memref_squeeze %dma_start3A_809 : memref<1x100xi32, #tpu.memory_space<vmem>> -> memref<100xi32, #tpu.memory_space<vmem>>
        %dma_start3A_811 = arith.constant 0 : i32
        %dma_start3A_812 = arith.constant 0 : i32
        %dma_start3A_813 = tpu.memref_slice %arg9[%dma_start3A_811, %dma_start3A_812] : memref<10000x128xf32, #tpu.memory_space<vmem_shared>> -> memref<10000x128xf32, #tpu.memory_space<vmem_shared>>
        tpu.enqueue_indirect_dma source(%arg18 : memref<100x128xf32, #tpu.memory_space<vmem>>) target(%dma_start3A_813 : memref<10000x128xf32, #tpu.memory_space<vmem_shared>>) offsets(%dma_start3A_810 : memref<100xi32, #tpu.memory_space<vmem>>) semaphore(%run_scoped3A_807 : memref<!tpu.dma_semaphore, #tpu.memory_space<semaphore_mem>>) {add = true}
        %dma_wait3A_814 = arith.constant 0 : i32
        %dma_wait3A_815 = tpu.memref_slice %arg11[%mul3A_462, %dma_wait3A_814] : memref<100x100xi32, #tpu.memory_space<vmem>> -> memref<1x100xi32, #tpu.memory_space<vmem>>
        %dma_wait3A_816 = tpu.memref_squeeze %dma_wait3A_815 : memref<1x100xi32, #tpu.memory_space<vmem>> -> memref<100xi32, #tpu.memory_space<vmem>>
        %dma_wait3A_817 = arith.constant 0 : i32
        %dma_wait3A_818 = arith.constant 0 : i32
        %dma_wait3A_819 = tpu.memref_slice %arg9[%dma_wait3A_817, %dma_wait3A_818] : memref<10000x128xf32, #tpu.memory_space<vmem_shared>> -> memref<10000x128xf32, #tpu.memory_space<vmem_shared>>
        tpu.wait_indirect_dma semaphore(%run_scoped3A_807 : memref<!tpu.dma_semaphore, #tpu.memory_space<semaphore_mem>>) src(%arg18 : memref<100x128xf32, #tpu.memory_space<vmem>>) dst(%dma_wait3A_819 : memref<10000x128xf32, #tpu.memory_space<vmem_shared>>)
        tpu.yield
      }) : () -> ()
      %add3A_634 = arith.constant 2 : i32
      %add3A_635 = arith.addi %mul3A_462, %add3A_634 : i32
      %dma_start3A_636 = arith.constant 0 : i32
      %dma_start3A_637 = tpu.memref_slice %arg12[%add3A_635, %dma_start3A_636] : memref<100x100xi32, #tpu.memory_space<vmem>> -> memref<1x100xi32, #tpu.memory_space<vmem>>
      %dma_start3A_638 = tpu.memref_squeeze %dma_start3A_637 : memref<1x100xi32, #tpu.memory_space<vmem>> -> memref<100xi32, #tpu.memory_space<vmem>>
      %dma_start3A_639 = arith.constant 0 : i32
      %dma_start3A_640 = arith.constant 0 : i32
      %dma_start3A_641 = tpu.memref_slice %arg2[%dma_start3A_639, %dma_start3A_640] : memref<10000x128xf32, #tpu.memory_space<hbm>> -> memref<10000x128xf32, #tpu.memory_space<hbm>>
      tpu.enqueue_indirect_dma source(%dma_start3A_641 : memref<10000x128xf32, #tpu.memory_space<hbm>>) target(%arg18 : memref<100x128xf32, #tpu.memory_space<vmem>>) offsets(%dma_start3A_638 : memref<100xi32, #tpu.memory_space<vmem>>) semaphore(%arg21 : memref<!tpu.dma_semaphore, #tpu.memory_space<semaphore_mem>>)
      %dma_start3A_642 = arith.constant 0 : i32
      %dma_start3A_643 = tpu.memref_slice %arg14[%dma_start3A_642] : memref<112xf32, #tpu.memory_space<vmem>> -> memref<100xf32, #tpu.memory_space<vmem>>
      %dma_start3A_644 = arith.constant 0 : i32
      %dma_start3A_645 = tpu.memref_slice %arg11[%add3A_635, %dma_start3A_644] : memref<100x100xi32, #tpu.memory_space<vmem>> -> memref<1x100xi32, #tpu.memory_space<vmem>>
      %dma_start3A_646 = tpu.memref_squeeze %dma_start3A_645 : memref<1x100xi32, #tpu.memory_space<vmem>> -> memref<100xi32, #tpu.memory_space<vmem>>
      %dma_start3A_647 = arith.constant 0 : i32
      %dma_start3A_648 = tpu.memref_slice %arg3[%dma_start3A_647] : memref<10000xf32, #tpu.memory_space<hbm>> -> memref<10000xf32, #tpu.memory_space<hbm>>
      tpu.enqueue_indirect_dma source(%dma_start3A_648 : memref<10000xf32, #tpu.memory_space<hbm>>) target(%dma_start3A_643 : memref<100xf32, #tpu.memory_space<vmem>>) offsets(%dma_start3A_646 : memref<100xi32, #tpu.memory_space<vmem>>) semaphore(%arg23 : memref<!tpu.dma_semaphore, #tpu.memory_space<semaphore_mem>>)
      %dma_start3A_649 = arith.constant 0 : i32
      %dma_start3A_650 = tpu.memref_slice %arg16[%dma_start3A_649] : memref<112xf32, #tpu.memory_space<vmem>> -> memref<100xf32, #tpu.memory_space<vmem>>
      %dma_start3A_651 = arith.constant 0 : i32
      %dma_start3A_652 = tpu.memref_slice %arg12[%add3A_635, %dma_start3A_651] : memref<100x100xi32, #tpu.memory_space<vmem>> -> memref<1x100xi32, #tpu.memory_space<vmem>>
      %dma_start3A_653 = tpu.memref_squeeze %dma_start3A_652 : memref<1x100xi32, #tpu.memory_space<vmem>> -> memref<100xi32, #tpu.memory_space<vmem>>
      %dma_start3A_654 = arith.constant 0 : i32
      %dma_start3A_655 = tpu.memref_slice %arg4[%dma_start3A_654] : memref<10000xf32, #tpu.memory_space<hbm>> -> memref<10000xf32, #tpu.memory_space<hbm>>
      tpu.enqueue_indirect_dma source(%dma_start3A_655 : memref<10000xf32, #tpu.memory_space<hbm>>) target(%dma_start3A_650 : memref<100xf32, #tpu.memory_space<vmem>>) offsets(%dma_start3A_653 : memref<100xi32, #tpu.memory_space<vmem>>) semaphore(%arg25 : memref<!tpu.dma_semaphore, #tpu.memory_space<semaphore_mem>>)
      %add3A_656 = arith.constant 1 : i32
      %add3A_657 = arith.addi %mul3A_462, %add3A_656 : i32
      %dma_wait3A_658 = arith.constant 0 : i32
      %dma_wait3A_659 = tpu.memref_slice %arg15[%dma_wait3A_658] : memref<112xf32, #tpu.memory_space<vmem>> -> memref<100xf32, #tpu.memory_space<vmem>>
      %dma_wait3A_660 = arith.constant 0 : i32
      %dma_wait3A_661 = tpu.memref_slice %arg11[%add3A_657, %dma_wait3A_660] : memref<100x100xi32, #tpu.memory_space<vmem>> -> memref<1x100xi32, #tpu.memory_space<vmem>>
      %dma_wait3A_662 = tpu.memref_squeeze %dma_wait3A_661 : memref<1x100xi32, #tpu.memory_space<vmem>> -> memref<100xi32, #tpu.memory_space<vmem>>
      %dma_wait3A_663 = arith.constant 0 : i32
      %dma_wait3A_664 = tpu.memref_slice %arg3[%dma_wait3A_663] : memref<10000xf32, #tpu.memory_space<hbm>> -> memref<10000xf32, #tpu.memory_space<hbm>>
      tpu.wait_indirect_dma semaphore(%arg24 : memref<!tpu.dma_semaphore, #tpu.memory_space<semaphore_mem>>) src(%dma_wait3A_664 : memref<10000xf32, #tpu.memory_space<hbm>>) dst(%dma_wait3A_659 : memref<100xf32, #tpu.memory_space<vmem>>)
      %dma_wait3A_665 = arith.constant 0 : i32
      %dma_wait3A_666 = tpu.memref_slice %arg17[%dma_wait3A_665] : memref<112xf32, #tpu.memory_space<vmem>> -> memref<100xf32, #tpu.memory_space<vmem>>
      %dma_wait3A_667 = arith.constant 0 : i32
      %dma_wait3A_668 = tpu.memref_slice %arg12[%add3A_657, %dma_wait3A_667] : memref<100x100xi32, #tpu.memory_space<vmem>> -> memref<1x100xi32, #tpu.memory_space<vmem>>
      %dma_wait3A_669 = tpu.memref_squeeze %dma_wait3A_668 : memref<1x100xi32, #tpu.memory_space<vmem>> -> memref<100xi32, #tpu.memory_space<vmem>>
      %dma_wait3A_670 = arith.constant 0 : i32
      %dma_wait3A_671 = tpu.memref_slice %arg4[%dma_wait3A_670] : memref<10000xf32, #tpu.memory_space<hbm>> -> memref<10000xf32, #tpu.memory_space<hbm>>
      tpu.wait_indirect_dma semaphore(%arg26 : memref<!tpu.dma_semaphore, #tpu.memory_space<semaphore_mem>>) src(%dma_wait3A_671 : memref<10000xf32, #tpu.memory_space<hbm>>) dst(%dma_wait3A_666 : memref<100xf32, #tpu.memory_space<vmem>>)
      %get3A_672 = arith.constant 0 : index
      %get3A_673 = tpu.vector_load %arg15[%get3A_672] {strides = array<i32>} : memref<112xf32, #tpu.memory_space<vmem>>, vector<16xf32>,
      %get3A_674 = arith.constant 0 : index
      %get3A_675 = tpu.vector_load %arg17[%get3A_674] {strides = array<i32>} : memref<112xf32, #tpu.memory_space<vmem>>, vector<16xf32>,
      %add3A_676 = arith.addf %get3A_673, %get3A_675 : vector<16xf32>
      %gt3A_677 = arith.constant 0.000000e+00 : f32
      %gt3A_678 = vector.broadcast %gt3A_677 : f32 to vector<16xf32>
      %gt3A_679 = arith.cmpf ogt, %add3A_676, %gt3A_678 : vector<16xf32>
      %neg3A_680 = arith.constant 0.000000e+00 : f32
      %neg3A_681 = vector.broadcast %neg3A_680 : f32 to vector<16xf32>
      %neg3A_682 = arith.subf %neg3A_681, %add3A_676 : vector<16xf32>
      %mul3A_683 = arith.constant -2.000000e-01 : f32
      %mul3A_684 = vector.broadcast %mul3A_683 : f32 to vector<16xf32>
      %mul3A_685 = arith.mulf %mul3A_684, %add3A_676 : vector<16xf32>
      %select_n3A_686 = arith.select %gt3A_679, %neg3A_682, %mul3A_685 : vector<16xi1>, vector<16xf32>
      %exp3A_687 = math.exp %select_n3A_686 : vector<16xf32>
      %swap3A_688 = arith.constant 0 : index
      %swap3A_689 = tpu.vector_load %arg13[%swap3A_688] {strides = array<i32>} : memref<112xf32, #tpu.memory_space<vmem>>, vector<16xf32>,
      tpu.vector_store %arg13[%swap3A_688], %exp3A_687 {strides = array<i32>} : memref<112xf32, #tpu.memory_space<vmem>>, vector<16xf32>,
      %get3A_690 = arith.constant 16 : index
      %get3A_691 = tpu.vector_load %arg15[%get3A_690] {strides = array<i32>} : memref<112xf32, #tpu.memory_space<vmem>>, vector<16xf32>,
      %get3A_692 = arith.constant 16 : index
      %get3A_693 = tpu.vector_load %arg17[%get3A_692] {strides = array<i32>} : memref<112xf32, #tpu.memory_space<vmem>>, vector<16xf32>,
      %add3A_694 = arith.addf %get3A_691, %get3A_693 : vector<16xf32>
      %gt3A_695 = arith.constant 0.000000e+00 : f32
      %gt3A_696 = vector.broadcast %gt3A_695 : f32 to vector<16xf32>
      %gt3A_697 = arith.cmpf ogt, %add3A_694, %gt3A_696 : vector<16xf32>
      %neg3A_698 = arith.constant 0.000000e+00 : f32
      %neg3A_699 = vector.broadcast %neg3A_698 : f32 to vector<16xf32>
      %neg3A_700 = arith.subf %neg3A_699, %add3A_694 : vector<16xf32>
      %mul3A_701 = arith.constant -2.000000e-01 : f32
      %mul3A_702 = vector.broadcast %mul3A_701 : f32 to vector<16xf32>
      %mul3A_703 = arith.mulf %mul3A_702, %add3A_694 : vector<16xf32>
      %select_n3A_704 = arith.select %gt3A_697, %neg3A_700, %mul3A_703 : vector<16xi1>, vector<16xf32>
      %exp3A_705 = math.exp %select_n3A_704 : vector<16xf32>
      %swap3A_706 = arith.constant 16 : index
      %swap3A_707 = tpu.vector_load %arg13[%swap3A_706] {strides = array<i32>} : memref<112xf32, #tpu.memory_space<vmem>>, vector<16xf32>,
      tpu.vector_store %arg13[%swap3A_706], %exp3A_705 {strides = array<i32>} : memref<112xf32, #tpu.memory_space<vmem>>, vector<16xf32>,
      %get3A_708 = arith.constant 32 : index
      %get3A_709 = tpu.vector_load %arg15[%get3A_708] {strides = array<i32>} : memref<112xf32, #tpu.memory_space<vmem>>, vector<16xf32>,
      %get3A_710 = arith.constant 32 : index
      %get3A_711 = tpu.vector_load %arg17[%get3A_710] {strides = array<i32>} : memref<112xf32, #tpu.memory_space<vmem>>, vector<16xf32>,
      %add3A_712 = arith.addf %get3A_709, %get3A_711 : vector<16xf32>
      %gt3A_713 = arith.constant 0.000000e+00 : f32
      %gt3A_714 = vector.broadcast %gt3A_713 : f32 to vector<16xf32>
      %gt3A_715 = arith.cmpf ogt, %add3A_712, %gt3A_714 : vector<16xf32>
      %neg3A_716 = arith.constant 0.000000e+00 : f32
      %neg3A_717 = vector.broadcast %neg3A_716 : f32 to vector<16xf32>
      %neg3A_718 = arith.subf %neg3A_717, %add3A_712 : vector<16xf32>
      %mul3A_719 = arith.constant -2.000000e-01 : f32
      %mul3A_720 = vector.broadcast %mul3A_719 : f32 to vector<16xf32>
      %mul3A_721 = arith.mulf %mul3A_720, %add3A_712 : vector<16xf32>
      %select_n3A_722 = arith.select %gt3A_715, %neg3A_718, %mul3A_721 : vector<16xi1>, vector<16xf32>
      %exp3A_723 = math.exp %select_n3A_722 : vector<16xf32>
      %swap3A_724 = arith.constant 32 : index
      %swap3A_725 = tpu.vector_load %arg13[%swap3A_724] {strides = array<i32>} : memref<112xf32, #tpu.memory_space<vmem>>, vector<16xf32>,
      tpu.vector_store %arg13[%swap3A_724], %exp3A_723 {strides = array<i32>} : memref<112xf32, #tpu.memory_space<vmem>>, vector<16xf32>,
      %get3A_726 = arith.constant 48 : index
      %get3A_727 = tpu.vector_load %arg15[%get3A_726] {strides = array<i32>} : memref<112xf32, #tpu.memory_space<vmem>>, vector<16xf32>,
      %get3A_728 = arith.constant 48 : index
      %get3A_729 = tpu.vector_load %arg17[%get3A_728] {strides = array<i32>} : memref<112xf32, #tpu.memory_space<vmem>>, vector<16xf32>,
      %add3A_730 = arith.addf %get3A_727, %get3A_729 : vector<16xf32>
      %gt3A_731 = arith.constant 0.000000e+00 : f32
      %gt3A_732 = vector.broadcast %gt3A_731 : f32 to vector<16xf32>
      %gt3A_733 = arith.cmpf ogt, %add3A_730, %gt3A_732 : vector<16xf32>
      %neg3A_734 = arith.constant 0.000000e+00 : f32
      %neg3A_735 = vector.broadcast %neg3A_734 : f32 to vector<16xf32>
      %neg3A_736 = arith.subf %neg3A_735, %add3A_730 : vector<16xf32>
      %mul3A_737 = arith.constant -2.000000e-01 : f32
      %mul3A_738 = vector.broadcast %mul3A_737 : f32 to vector<16xf32>
      %mul3A_739 = arith.mulf %mul3A_738, %add3A_730 : vector<16xf32>
      %select_n3A_740 = arith.select %gt3A_733, %neg3A_736, %mul3A_739 : vector<16xi1>, vector<16xf32>
      %exp3A_741 = math.exp %select_n3A_740 : vector<16xf32>
      %swap3A_742 = arith.constant 48 : index
      %swap3A_743 = tpu.vector_load %arg13[%swap3A_742] {strides = array<i32>} : memref<112xf32, #tpu.memory_space<vmem>>, vector<16xf32>,
      tpu.vector_store %arg13[%swap3A_742], %exp3A_741 {strides = array<i32>} : memref<112xf32, #tpu.memory_space<vmem>>, vector<16xf32>,
      %get3A_744 = arith.constant 64 : index
      %get3A_745 = tpu.vector_load %arg15[%get3A_744] {strides = array<i32>} : memref<112xf32, #tpu.memory_space<vmem>>, vector<16xf32>,
      %get3A_746 = arith.constant 64 : index
      %get3A_747 = tpu.vector_load %arg17[%get3A_746] {strides = array<i32>} : memref<112xf32, #tpu.memory_space<vmem>>, vector<16xf32>,
      %add3A_748 = arith.addf %get3A_745, %get3A_747 : vector<16xf32>
      %gt3A_749 = arith.constant 0.000000e+00 : f32
      %gt3A_750 = vector.broadcast %gt3A_749 : f32 to vector<16xf32>
      %gt3A_751 = arith.cmpf ogt, %add3A_748, %gt3A_750 : vector<16xf32>
      %neg3A_752 = arith.constant 0.000000e+00 : f32
      %neg3A_753 = vector.broadcast %neg3A_752 : f32 to vector<16xf32>
      %neg3A_754 = arith.subf %neg3A_753, %add3A_748 : vector<16xf32>
      %mul3A_755 = arith.constant -2.000000e-01 : f32
      %mul3A_756 = vector.broadcast %mul3A_755 : f32 to vector<16xf32>
      %mul3A_757 = arith.mulf %mul3A_756, %add3A_748 : vector<16xf32>
      %select_n3A_758 = arith.select %gt3A_751, %neg3A_754, %mul3A_757 : vector<16xi1>, vector<16xf32>
      %exp3A_759 = math.exp %select_n3A_758 : vector<16xf32>
      %swap3A_760 = arith.constant 64 : index
      %swap3A_761 = tpu.vector_load %arg13[%swap3A_760] {strides = array<i32>} : memref<112xf32, #tpu.memory_space<vmem>>, vector<16xf32>,
      tpu.vector_store %arg13[%swap3A_760], %exp3A_759 {strides = array<i32>} : memref<112xf32, #tpu.memory_space<vmem>>, vector<16xf32>,
      %get3A_762 = arith.constant 80 : index
      %get3A_763 = tpu.vector_load %arg15[%get3A_762] {strides = array<i32>} : memref<112xf32, #tpu.memory_space<vmem>>, vector<16xf32>,
      %get3A_764 = arith.constant 80 : index
      %get3A_765 = tpu.vector_load %arg17[%get3A_764] {strides = array<i32>} : memref<112xf32, #tpu.memory_space<vmem>>, vector<16xf32>,
      %add3A_766 = arith.addf %get3A_763, %get3A_765 : vector<16xf32>
      %gt3A_767 = arith.constant 0.000000e+00 : f32
      %gt3A_768 = vector.broadcast %gt3A_767 : f32 to vector<16xf32>
      %gt3A_769 = arith.cmpf ogt, %add3A_766, %gt3A_768 : vector<16xf32>
      %neg3A_770 = arith.constant 0.000000e+00 : f32
      %neg3A_771 = vector.broadcast %neg3A_770 : f32 to vector<16xf32>
      %neg3A_772 = arith.subf %neg3A_771, %add3A_766 : vector<16xf32>
      %mul3A_773 = arith.constant -2.000000e-01 : f32
      %mul3A_774 = vector.broadcast %mul3A_773 : f32 to vector<16xf32>
      %mul3A_775 = arith.mulf %mul3A_774, %add3A_766 : vector<16xf32>
      %select_n3A_776 = arith.select %gt3A_769, %neg3A_772, %mul3A_775 : vector<16xi1>, vector<16xf32>
      %exp3A_777 = math.exp %select_n3A_776 : vector<16xf32>
      %swap3A_778 = arith.constant 80 : index
      %swap3A_779 = tpu.vector_load %arg13[%swap3A_778] {strides = array<i32>} : memref<112xf32, #tpu.memory_space<vmem>>, vector<16xf32>,
      tpu.vector_store %arg13[%swap3A_778], %exp3A_777 {strides = array<i32>} : memref<112xf32, #tpu.memory_space<vmem>>, vector<16xf32>,
      %get3A_780 = arith.constant 96 : index
      %get3A_781 = tpu.vector_load %arg15[%get3A_780] {strides = array<i32>} : memref<112xf32, #tpu.memory_space<vmem>>, vector<16xf32>,
      %get3A_782 = arith.constant 96 : index
      %get3A_783 = tpu.vector_load %arg17[%get3A_782] {strides = array<i32>} : memref<112xf32, #tpu.memory_space<vmem>>, vector<16xf32>,
      %add3A_784 = arith.addf %get3A_781, %get3A_783 : vector<16xf32>
      %gt3A_785 = arith.constant 0.000000e+00 : f32
      %gt3A_786 = vector.broadcast %gt3A_785 : f32 to vector<16xf32>
      %gt3A_787 = arith.cmpf ogt, %add3A_784, %gt3A_786 : vector<16xf32>
      %neg3A_788 = arith.constant 0.000000e+00 : f32
      %neg3A_789 = vector.broadcast %neg3A_788 : f32 to vector<16xf32>
      %neg3A_790 = arith.subf %neg3A_789, %add3A_784 : vector<16xf32>
      %mul3A_791 = arith.constant -2.000000e-01 : f32
      %mul3A_792 = vector.broadcast %mul3A_791 : f32 to vector<16xf32>
      %mul3A_793 = arith.mulf %mul3A_792, %add3A_784 : vector<16xf32>
      %select_n3A_794 = arith.select %gt3A_787, %neg3A_790, %mul3A_793 : vector<16xi1>, vector<16xf32>
      %exp3A_795 = math.exp %select_n3A_794 : vector<16xf32>
      %swap3A_796 = arith.constant 96 : index
      %swap3A_797 = tpu.vector_load %arg13[%swap3A_796] {strides = array<i32>} : memref<112xf32, #tpu.memory_space<vmem>>, vector<16xf32>,
      tpu.vector_store %arg13[%swap3A_796], %exp3A_795 {strides = array<i32>} : memref<112xf32, #tpu.memory_space<vmem>>, vector<16xf32>,
      %dma_wait3A_798 = arith.constant 0 : i32
      %dma_wait3A_799 = tpu.memref_slice %arg12[%add3A_657, %dma_wait3A_798] : memref<100x100xi32, #tpu.memory_space<vmem>> -> memref<1x100xi32, #tpu.memory_space<vmem>>
      %dma_wait3A_800 = tpu.memref_squeeze %dma_wait3A_799 : memref<1x100xi32, #tpu.memory_space<vmem>> -> memref<100xi32, #tpu.memory_space<vmem>>
      %dma_wait3A_801 = arith.constant 0 : i32
      %dma_wait3A_802 = arith.constant 0 : i32
      %dma_wait3A_803 = tpu.memref_slice %arg2[%dma_wait3A_801, %dma_wait3A_802] : memref<10000x128xf32, #tpu.memory_space<hbm>> -> memref<10000x128xf32, #tpu.memory_space<hbm>>
      tpu.wait_indirect_dma semaphore(%arg22 : memref<!tpu.dma_semaphore, #tpu.memory_space<semaphore_mem>>) src(%dma_wait3A_803 : memref<10000x128xf32, #tpu.memory_space<hbm>>) dst(%arg19 : memref<100x128xf32, #tpu.memory_space<vmem>>)
      %parallel_loop3A_804 = arith.constant 0 : i32
      %parallel_loop3A_805 = arith.constant 100 : i32
      %parallel_loop3A_806 = arith.constant 1 : i32
      scf.for %parallel_loop3A_807 = %parallel_loop3A_804 to %parallel_loop3A_805 step %parallel_loop3A_806  : i32 {
        %parallel_loop3A_808 = vector.broadcast %parallel_loop3A_807 : i32 to vector<16xi32>
        %parallel_loop3A_809 = tpu.vector_load_idx %arg13[%parallel_loop3A_808] : memref<112xf32, #tpu.memory_space<vmem>>[vector<16xi32>], vector<16xf32>,
        %parallel_loop3A_810 = arith.index_cast %parallel_loop3A_807 : i32 to index
        %parallel_loop3A_811 = arith.constant 0 : index
        %parallel_loop3A_812 = tpu.vector_load %arg19[%parallel_loop3A_810, %parallel_loop3A_811] {strides = array<i32>} : memref<100x128xf32, #tpu.memory_space<vmem>>, vector<16xf32>,
        %parallel_loop3A_813 = arith.mulf %parallel_loop3A_812, %parallel_loop3A_809 : vector<16xf32>
        %parallel_loop3A_814 = arith.index_cast %parallel_loop3A_807 : i32 to index
        %parallel_loop3A_815 = arith.constant 0 : index
        %parallel_loop3A_816 = tpu.vector_load %arg19[%parallel_loop3A_814, %parallel_loop3A_815] {strides = array<i32>} : memref<100x128xf32, #tpu.memory_space<vmem>>, vector<16xf32>,
        tpu.vector_store %arg19[%parallel_loop3A_814, %parallel_loop3A_815], %parallel_loop3A_813 {strides = array<i32>} : memref<100x128xf32, #tpu.memory_space<vmem>>, vector<16xf32>,
        %parallel_loop3A_817 = arith.index_cast %parallel_loop3A_807 : i32 to index
        %parallel_loop3A_818 = arith.constant 16 : index
        %parallel_loop3A_819 = tpu.vector_load %arg19[%parallel_loop3A_817, %parallel_loop3A_818] {strides = array<i32>} : memref<100x128xf32, #tpu.memory_space<vmem>>, vector<16xf32>,
        %parallel_loop3A_820 = arith.mulf %parallel_loop3A_819, %parallel_loop3A_809 : vector<16xf32>
        %parallel_loop3A_821 = arith.index_cast %parallel_loop3A_807 : i32 to index
        %parallel_loop3A_822 = arith.constant 16 : index
        %parallel_loop3A_823 = tpu.vector_load %arg19[%parallel_loop3A_821, %parallel_loop3A_822] {strides = array<i32>} : memref<100x128xf32, #tpu.memory_space<vmem>>, vector<16xf32>,
        tpu.vector_store %arg19[%parallel_loop3A_821, %parallel_loop3A_822], %parallel_loop3A_820 {strides = array<i32>} : memref<100x128xf32, #tpu.memory_space<vmem>>, vector<16xf32>,
        %parallel_loop3A_824 = arith.index_cast %parallel_loop3A_807 : i32 to index
        %parallel_loop3A_825 = arith.constant 32 : index
        %parallel_loop3A_826 = tpu.vector_load %arg19[%parallel_loop3A_824, %parallel_loop3A_825] {strides = array<i32>} : memref<100x128xf32, #tpu.memory_space<vmem>>, vector<16xf32>,
        %parallel_loop3A_827 = arith.mulf %parallel_loop3A_826, %parallel_loop3A_809 : vector<16xf32>
        %parallel_loop3A_828 = arith.index_cast %parallel_loop3A_807 : i32 to index
        %parallel_loop3A_829 = arith.constant 32 : index
        %parallel_loop3A_830 = tpu.vector_load %arg19[%parallel_loop3A_828, %parallel_loop3A_829] {strides = array<i32>} : memref<100x128xf32, #tpu.memory_space<vmem>>, vector<16xf32>,
        tpu.vector_store %arg19[%parallel_loop3A_828, %parallel_loop3A_829], %parallel_loop3A_827 {strides = array<i32>} : memref<100x128xf32, #tpu.memory_space<vmem>>, vector<16xf32>,
        %parallel_loop3A_831 = arith.index_cast %parallel_loop3A_807 : i32 to index
        %parallel_loop3A_832 = arith.constant 48 : index
        %parallel_loop3A_833 = tpu.vector_load %arg19[%parallel_loop3A_831, %parallel_loop3A_832] {strides = array<i32>} : memref<100x128xf32, #tpu.memory_space<vmem>>, vector<16xf32>,
        %parallel_loop3A_834 = arith.mulf %parallel_loop3A_833, %parallel_loop3A_809 : vector<16xf32>
        %parallel_loop3A_835 = arith.index_cast %parallel_loop3A_807 : i32 to index
        %parallel_loop3A_836 = arith.constant 48 : index
        %parallel_loop3A_837 = tpu.vector_load %arg19[%parallel_loop3A_835, %parallel_loop3A_836] {strides = array<i32>} : memref<100x128xf32, #tpu.memory_space<vmem>>, vector<16xf32>,
        tpu.vector_store %arg19[%parallel_loop3A_835, %parallel_loop3A_836], %parallel_loop3A_834 {strides = array<i32>} : memref<100x128xf32, #tpu.memory_space<vmem>>, vector<16xf32>,
        %parallel_loop3A_838 = arith.index_cast %parallel_loop3A_807 : i32 to index
        %parallel_loop3A_839 = arith.constant 64 : index
        %parallel_loop3A_840 = tpu.vector_load %arg19[%parallel_loop3A_838, %parallel_loop3A_839] {strides = array<i32>} : memref<100x128xf32, #tpu.memory_space<vmem>>, vector<16xf32>,
        %parallel_loop3A_841 = arith.mulf %parallel_loop3A_840, %parallel_loop3A_809 : vector<16xf32>
        %parallel_loop3A_842 = arith.index_cast %parallel_loop3A_807 : i32 to index
        %parallel_loop3A_843 = arith.constant 64 : index
        %parallel_loop3A_844 = tpu.vector_load %arg19[%parallel_loop3A_842, %parallel_loop3A_843] {strides = array<i32>} : memref<100x128xf32, #tpu.memory_space<vmem>>, vector<16xf32>,
        tpu.vector_store %arg19[%parallel_loop3A_842, %parallel_loop3A_843], %parallel_loop3A_841 {strides = array<i32>} : memref<100x128xf32, #tpu.memory_space<vmem>>, vector<16xf32>,
        %parallel_loop3A_845 = arith.index_cast %parallel_loop3A_807 : i32 to index
        %parallel_loop3A_846 = arith.constant 80 : index
        %parallel_loop3A_847 = tpu.vector_load %arg19[%parallel_loop3A_845, %parallel_loop3A_846] {strides = array<i32>} : memref<100x128xf32, #tpu.memory_space<vmem>>, vector<16xf32>,
        %parallel_loop3A_848 = arith.mulf %parallel_loop3A_847, %parallel_loop3A_809 : vector<16xf32>
        %parallel_loop3A_849 = arith.index_cast %parallel_loop3A_807 : i32 to index
        %parallel_loop3A_850 = arith.constant 80 : index
        %parallel_loop3A_851 = tpu.vector_load %arg19[%parallel_loop3A_849, %parallel_loop3A_850] {strides = array<i32>} : memref<100x128xf32, #tpu.memory_space<vmem>>, vector<16xf32>,
        tpu.vector_store %arg19[%parallel_loop3A_849, %parallel_loop3A_850], %parallel_loop3A_848 {strides = array<i32>} : memref<100x128xf32, #tpu.memory_space<vmem>>, vector<16xf32>,
        %parallel_loop3A_852 = arith.index_cast %parallel_loop3A_807 : i32 to index
        %parallel_loop3A_853 = arith.constant 96 : index
        %parallel_loop3A_854 = tpu.vector_load %arg19[%parallel_loop3A_852, %parallel_loop3A_853] {strides = array<i32>} : memref<100x128xf32, #tpu.memory_space<vmem>>, vector<16xf32>,
        %parallel_loop3A_855 = arith.mulf %parallel_loop3A_854, %parallel_loop3A_809 : vector<16xf32>
        %parallel_loop3A_856 = arith.index_cast %parallel_loop3A_807 : i32 to index
        %parallel_loop3A_857 = arith.constant 96 : index
        %parallel_loop3A_858 = tpu.vector_load %arg19[%parallel_loop3A_856, %parallel_loop3A_857] {strides = array<i32>} : memref<100x128xf32, #tpu.memory_space<vmem>>, vector<16xf32>,
        tpu.vector_store %arg19[%parallel_loop3A_856, %parallel_loop3A_857], %parallel_loop3A_855 {strides = array<i32>} : memref<100x128xf32, #tpu.memory_space<vmem>>, vector<16xf32>,
        %parallel_loop3A_859 = arith.index_cast %parallel_loop3A_807 : i32 to index
        %parallel_loop3A_860 = arith.constant 112 : index
        %parallel_loop3A_861 = tpu.vector_load %arg19[%parallel_loop3A_859, %parallel_loop3A_860] {strides = array<i32>} : memref<100x128xf32, #tpu.memory_space<vmem>>, vector<16xf32>,
        %parallel_loop3A_862 = arith.mulf %parallel_loop3A_861, %parallel_loop3A_809 : vector<16xf32>
        %parallel_loop3A_863 = arith.index_cast %parallel_loop3A_807 : i32 to index
        %parallel_loop3A_864 = arith.constant 112 : index
        %parallel_loop3A_865 = tpu.vector_load %arg19[%parallel_loop3A_863, %parallel_loop3A_864] {strides = array<i32>} : memref<100x128xf32, #tpu.memory_space<vmem>>, vector<16xf32>,
        tpu.vector_store %arg19[%parallel_loop3A_863, %parallel_loop3A_864], %parallel_loop3A_862 {strides = array<i32>} : memref<100x128xf32, #tpu.memory_space<vmem>>, vector<16xf32>,
      } {sc.loop_unroll_factor = 4 : i64, sc.parallel_access}
      "tpu.region"() ({
        %run_scoped3A_807 = tpu.sem_alloc : memref<!tpu.dma_semaphore, #tpu.memory_space<semaphore_mem>>
        %dma_start3A_808 = arith.constant 0 : i32
        %dma_start3A_809 = tpu.memref_slice %arg13[%dma_start3A_808] : memref<112xf32, #tpu.memory_space<vmem>> -> memref<100xf32, #tpu.memory_space<vmem>>
        %dma_start3A_810 = arith.constant 0 : i32
        %dma_start3A_811 = tpu.memref_slice %arg11[%add3A_657, %dma_start3A_810] : memref<100x100xi32, #tpu.memory_space<vmem>> -> memref<1x100xi32, #tpu.memory_space<vmem>>
        %dma_start3A_812 = tpu.memref_squeeze %dma_start3A_811 : memref<1x100xi32, #tpu.memory_space<vmem>> -> memref<100xi32, #tpu.memory_space<vmem>>
        %dma_start3A_813 = arith.constant 0 : i32
        %dma_start3A_814 = tpu.memref_slice %arg10[%dma_start3A_813] : memref<10240xf32, #tpu.memory_space<vmem_shared>> -> memref<10240xf32, #tpu.memory_space<vmem_shared>>
        tpu.enqueue_indirect_dma source(%dma_start3A_809 : memref<100xf32, #tpu.memory_space<vmem>>) target(%dma_start3A_814 : memref<10240xf32, #tpu.memory_space<vmem_shared>>) offsets(%dma_start3A_812 : memref<100xi32, #tpu.memory_space<vmem>>) semaphore(%run_scoped3A_807 : memref<!tpu.dma_semaphore, #tpu.memory_space<semaphore_mem>>) {add = true}
        %dma_wait3A_815 = arith.constant 0 : i32
        %dma_wait3A_816 = tpu.memref_slice %arg13[%dma_wait3A_815] : memref<112xf32, #tpu.memory_space<vmem>> -> memref<100xf32, #tpu.memory_space<vmem>>
        %dma_wait3A_817 = arith.constant 0 : i32
        %dma_wait3A_818 = tpu.memref_slice %arg11[%add3A_657, %dma_wait3A_817] : memref<100x100xi32, #tpu.memory_space<vmem>> -> memref<1x100xi32, #tpu.memory_space<vmem>>
        %dma_wait3A_819 = tpu.memref_squeeze %dma_wait3A_818 : memref<1x100xi32, #tpu.memory_space<vmem>> -> memref<100xi32, #tpu.memory_space<vmem>>
        %dma_wait3A_820 = arith.constant 0 : i32
        %dma_wait3A_821 = tpu.memref_slice %arg10[%dma_wait3A_820] : memref<10240xf32, #tpu.memory_space<vmem_shared>> -> memref<10240xf32, #tpu.memory_space<vmem_shared>>
        tpu.wait_indirect_dma semaphore(%run_scoped3A_807 : memref<!tpu.dma_semaphore, #tpu.memory_space<semaphore_mem>>) src(%dma_wait3A_816 : memref<100xf32, #tpu.memory_space<vmem>>) dst(%dma_wait3A_821 : memref<10240xf32, #tpu.memory_space<vmem_shared>>)
        tpu.yield
      }) : () -> ()
      "tpu.region"() ({
        %run_scoped3A_807 = tpu.sem_alloc : memref<!tpu.dma_semaphore, #tpu.memory_space<semaphore_mem>>
        %dma_start3A_808 = arith.constant 0 : i32
        %dma_start3A_809 = tpu.memref_slice %arg11[%add3A_657, %dma_start3A_808] : memref<100x100xi32, #tpu.memory_space<vmem>> -> memref<1x100xi32, #tpu.memory_space<vmem>>
        %dma_start3A_810 = tpu.memref_squeeze %dma_start3A_809 : memref<1x100xi32, #tpu.memory_space<vmem>> -> memref<100xi32, #tpu.memory_space<vmem>>
        %dma_start3A_811 = arith.constant 0 : i32
        %dma_start3A_812 = arith.constant 0 : i32
        %dma_start3A_813 = tpu.memref_slice %arg9[%dma_start3A_811, %dma_start3A_812] : memref<10000x128xf32, #tpu.memory_space<vmem_shared>> -> memref<10000x128xf32, #tpu.memory_space<vmem_shared>>
        tpu.enqueue_indirect_dma source(%arg19 : memref<100x128xf32, #tpu.memory_space<vmem>>) target(%dma_start3A_813 : memref<10000x128xf32, #tpu.memory_space<vmem_shared>>) offsets(%dma_start3A_810 : memref<100xi32, #tpu.memory_space<vmem>>) semaphore(%run_scoped3A_807 : memref<!tpu.dma_semaphore, #tpu.memory_space<semaphore_mem>>) {add = true}
        %dma_wait3A_814 = arith.constant 0 : i32
        %dma_wait3A_815 = tpu.memref_slice %arg11[%add3A_657, %dma_wait3A_814] : memref<100x100xi32, #tpu.memory_space<vmem>> -> memref<1x100xi32, #tpu.memory_space<vmem>>
        %dma_wait3A_816 = tpu.memref_squeeze %dma_wait3A_815 : memref<1x100xi32, #tpu.memory_space<vmem>> -> memref<100xi32, #tpu.memory_space<vmem>>
        %dma_wait3A_817 = arith.constant 0 : i32
        %dma_wait3A_818 = arith.constant 0 : i32
        %dma_wait3A_819 = tpu.memref_slice %arg9[%dma_wait3A_817, %dma_wait3A_818] : memref<10000x128xf32, #tpu.memory_space<vmem_shared>> -> memref<10000x128xf32, #tpu.memory_space<vmem_shared>>
        tpu.wait_indirect_dma semaphore(%run_scoped3A_807 : memref<!tpu.dma_semaphore, #tpu.memory_space<semaphore_mem>>) src(%arg19 : memref<100x128xf32, #tpu.memory_space<vmem>>) dst(%dma_wait3A_819 : memref<10000x128xf32, #tpu.memory_space<vmem_shared>>)
        tpu.yield
      }) : () -> ()
    }
    %scan3A_131 = arith.constant 49 : i32
    %dma_start3A_132 = arith.constant 99 : i32
    %dma_start3A_133 = arith.constant 0 : i32
    %dma_start3A_134 = tpu.memref_slice %arg12[%dma_start3A_132, %dma_start3A_133] : memref<100x100xi32, #tpu.memory_space<vmem>> -> memref<1x100xi32, #tpu.memory_space<vmem>>
    %dma_start3A_135 = tpu.memref_squeeze %dma_start3A_134 : memref<1x100xi32, #tpu.memory_space<vmem>> -> memref<100xi32, #tpu.memory_space<vmem>>
    %dma_start3A_136 = arith.constant 0 : i32
    %dma_start3A_137 = arith.constant 0 : i32
    %dma_start3A_138 = tpu.memref_slice %arg2[%dma_start3A_136, %dma_start3A_137] : memref<10000x128xf32, #tpu.memory_space<hbm>> -> memref<10000x128xf32, #tpu.memory_space<hbm>>
    tpu.enqueue_indirect_dma source(%dma_start3A_138 : memref<10000x128xf32, #tpu.memory_space<hbm>>) target(%arg19 : memref<100x128xf32, #tpu.memory_space<vmem>>) offsets(%dma_start3A_135 : memref<100xi32, #tpu.memory_space<vmem>>) semaphore(%arg22 : memref<!tpu.dma_semaphore, #tpu.memory_space<semaphore_mem>>)
    %dma_start3A_139 = arith.constant 99 : i32
    %dma_start3A_140 = arith.constant 0 : i32
    %dma_start3A_141 = tpu.memref_slice %arg15[%dma_start3A_140] : memref<112xf32, #tpu.memory_space<vmem>> -> memref<100xf32, #tpu.memory_space<vmem>>
    %dma_start3A_142 = arith.constant 0 : i32
    %dma_start3A_143 = tpu.memref_slice %arg11[%dma_start3A_139, %dma_start3A_142] : memref<100x100xi32, #tpu.memory_space<vmem>> -> memref<1x100xi32, #tpu.memory_space<vmem>>
    %dma_start3A_144 = tpu.memref_squeeze %dma_start3A_143 : memref<1x100xi32, #tpu.memory_space<vmem>> -> memref<100xi32, #tpu.memory_space<vmem>>
    %dma_start3A_145 = arith.constant 0 : i32
    %dma_start3A_146 = tpu.memref_slice %arg3[%dma_start3A_145] : memref<10000xf32, #tpu.memory_space<hbm>> -> memref<10000xf32, #tpu.memory_space<hbm>>
    tpu.enqueue_indirect_dma source(%dma_start3A_146 : memref<10000xf32, #tpu.memory_space<hbm>>) target(%dma_start3A_141 : memref<100xf32, #tpu.memory_space<vmem>>) offsets(%dma_start3A_144 : memref<100xi32, #tpu.memory_space<vmem>>) semaphore(%arg24 : memref<!tpu.dma_semaphore, #tpu.memory_space<semaphore_mem>>)
    %dma_start3A_147 = arith.constant 99 : i32
    %dma_start3A_148 = arith.constant 0 : i32
    %dma_start3A_149 = tpu.memref_slice %arg17[%dma_start3A_148] : memref<112xf32, #tpu.memory_space<vmem>> -> memref<100xf32, #tpu.memory_space<vmem>>
    %dma_start3A_150 = arith.constant 0 : i32
    %dma_start3A_151 = tpu.memref_slice %arg12[%dma_start3A_147, %dma_start3A_150] : memref<100x100xi32, #tpu.memory_space<vmem>> -> memref<1x100xi32, #tpu.memory_space<vmem>>
    %dma_start3A_152 = tpu.memref_squeeze %dma_start3A_151 : memref<1x100xi32, #tpu.memory_space<vmem>> -> memref<100xi32, #tpu.memory_space<vmem>>
    %dma_start3A_153 = arith.constant 0 : i32
    %dma_start3A_154 = tpu.memref_slice %arg4[%dma_start3A_153] : memref<10000xf32, #tpu.memory_space<hbm>> -> memref<10000xf32, #tpu.memory_space<hbm>>
    tpu.enqueue_indirect_dma source(%dma_start3A_154 : memref<10000xf32, #tpu.memory_space<hbm>>) target(%dma_start3A_149 : memref<100xf32, #tpu.memory_space<vmem>>) offsets(%dma_start3A_152 : memref<100xi32, #tpu.memory_space<vmem>>) semaphore(%arg26 : memref<!tpu.dma_semaphore, #tpu.memory_space<semaphore_mem>>)
    %dma_wait3A = arith.constant 98 : i32
    %dma_wait3A_155 = arith.constant 0 : i32
    %dma_wait3A_156 = tpu.memref_slice %arg14[%dma_wait3A_155] : memref<112xf32, #tpu.memory_space<vmem>> -> memref<100xf32, #tpu.memory_space<vmem>>
    %dma_wait3A_157 = arith.constant 0 : i32
    %dma_wait3A_158 = tpu.memref_slice %arg11[%dma_wait3A, %dma_wait3A_157] : memref<100x100xi32, #tpu.memory_space<vmem>> -> memref<1x100xi32, #tpu.memory_space<vmem>>
    %dma_wait3A_159 = tpu.memref_squeeze %dma_wait3A_158 : memref<1x100xi32, #tpu.memory_space<vmem>> -> memref<100xi32, #tpu.memory_space<vmem>>
    %dma_wait3A_160 = arith.constant 0 : i32
    %dma_wait3A_161 = tpu.memref_slice %arg3[%dma_wait3A_160] : memref<10000xf32, #tpu.memory_space<hbm>> -> memref<10000xf32, #tpu.memory_space<hbm>>
    tpu.wait_indirect_dma semaphore(%arg23 : memref<!tpu.dma_semaphore, #tpu.memory_space<semaphore_mem>>) src(%dma_wait3A_161 : memref<10000xf32, #tpu.memory_space<hbm>>) dst(%dma_wait3A_156 : memref<100xf32, #tpu.memory_space<vmem>>)
    %dma_wait3A_162 = arith.constant 98 : i32
    %dma_wait3A_163 = arith.constant 0 : i32
    %dma_wait3A_164 = tpu.memref_slice %arg16[%dma_wait3A_163] : memref<112xf32, #tpu.memory_space<vmem>> -> memref<100xf32, #tpu.memory_space<vmem>>
    %dma_wait3A_165 = arith.constant 0 : i32
    %dma_wait3A_166 = tpu.memref_slice %arg12[%dma_wait3A_162, %dma_wait3A_165] : memref<100x100xi32, #tpu.memory_space<vmem>> -> memref<1x100xi32, #tpu.memory_space<vmem>>
    %dma_wait3A_167 = tpu.memref_squeeze %dma_wait3A_166 : memref<1x100xi32, #tpu.memory_space<vmem>> -> memref<100xi32, #tpu.memory_space<vmem>>
    %dma_wait3A_168 = arith.constant 0 : i32
    %dma_wait3A_169 = tpu.memref_slice %arg4[%dma_wait3A_168] : memref<10000xf32, #tpu.memory_space<hbm>> -> memref<10000xf32, #tpu.memory_space<hbm>>
    tpu.wait_indirect_dma semaphore(%arg25 : memref<!tpu.dma_semaphore, #tpu.memory_space<semaphore_mem>>) src(%dma_wait3A_169 : memref<10000xf32, #tpu.memory_space<hbm>>) dst(%dma_wait3A_164 : memref<100xf32, #tpu.memory_space<vmem>>)
    %get3A = arith.constant 0 : index
    %get3A_170 = tpu.vector_load %arg14[%get3A] {strides = array<i32>} : memref<112xf32, #tpu.memory_space<vmem>>, vector<16xf32>,
    %get3A_171 = arith.constant 0 : index
    %get3A_172 = tpu.vector_load %arg16[%get3A_171] {strides = array<i32>} : memref<112xf32, #tpu.memory_space<vmem>>, vector<16xf32>,
    %add3A_173 = arith.addf %get3A_170, %get3A_172 : vector<16xf32>
    %gt3A = arith.constant 0.000000e+00 : f32
    %gt3A_174 = vector.broadcast %gt3A : f32 to vector<16xf32>
    %gt3A_175 = arith.cmpf ogt, %add3A_173, %gt3A_174 : vector<16xf32>
    %neg3A = arith.constant 0.000000e+00 : f32
    %neg3A_176 = vector.broadcast %neg3A : f32 to vector<16xf32>
    %neg3A_177 = arith.subf %neg3A_176, %add3A_173 : vector<16xf32>
    %mul3A_178 = arith.constant -2.000000e-01 : f32
    %mul3A_179 = vector.broadcast %mul3A_178 : f32 to vector<16xf32>
    %mul3A_180 = arith.mulf %mul3A_179, %add3A_173 : vector<16xf32>
    %select_n3A = arith.select %gt3A_175, %neg3A_177, %mul3A_180 : vector<16xi1>, vector<16xf32>
    %exp3A = math.exp %select_n3A : vector<16xf32>
    %swap3A_181 = arith.constant 0 : index
    %swap3A_182 = tpu.vector_load %arg13[%swap3A_181] {strides = array<i32>} : memref<112xf32, #tpu.memory_space<vmem>>, vector<16xf32>,
    tpu.vector_store %arg13[%swap3A_181], %exp3A {strides = array<i32>} : memref<112xf32, #tpu.memory_space<vmem>>, vector<16xf32>,
    %get3A_183 = arith.constant 16 : index
    %get3A_184 = tpu.vector_load %arg14[%get3A_183] {strides = array<i32>} : memref<112xf32, #tpu.memory_space<vmem>>, vector<16xf32>,
    %get3A_185 = arith.constant 16 : index
    %get3A_186 = tpu.vector_load %arg16[%get3A_185] {strides = array<i32>} : memref<112xf32, #tpu.memory_space<vmem>>, vector<16xf32>,
    %add3A_187 = arith.addf %get3A_184, %get3A_186 : vector<16xf32>
    %gt3A_188 = arith.constant 0.000000e+00 : f32
    %gt3A_189 = vector.broadcast %gt3A_188 : f32 to vector<16xf32>
    %gt3A_190 = arith.cmpf ogt, %add3A_187, %gt3A_189 : vector<16xf32>
    %neg3A_191 = arith.constant 0.000000e+00 : f32
    %neg3A_192 = vector.broadcast %neg3A_191 : f32 to vector<16xf32>
    %neg3A_193 = arith.subf %neg3A_192, %add3A_187 : vector<16xf32>
    %mul3A_194 = arith.constant -2.000000e-01 : f32
    %mul3A_195 = vector.broadcast %mul3A_194 : f32 to vector<16xf32>
    %mul3A_196 = arith.mulf %mul3A_195, %add3A_187 : vector<16xf32>
    %select_n3A_197 = arith.select %gt3A_190, %neg3A_193, %mul3A_196 : vector<16xi1>, vector<16xf32>
    %exp3A_198 = math.exp %select_n3A_197 : vector<16xf32>
    %swap3A_199 = arith.constant 16 : index
    %swap3A_200 = tpu.vector_load %arg13[%swap3A_199] {strides = array<i32>} : memref<112xf32, #tpu.memory_space<vmem>>, vector<16xf32>,
    tpu.vector_store %arg13[%swap3A_199], %exp3A_198 {strides = array<i32>} : memref<112xf32, #tpu.memory_space<vmem>>, vector<16xf32>,
    %get3A_201 = arith.constant 32 : index
    %get3A_202 = tpu.vector_load %arg14[%get3A_201] {strides = array<i32>} : memref<112xf32, #tpu.memory_space<vmem>>, vector<16xf32>,
    %get3A_203 = arith.constant 32 : index
    %get3A_204 = tpu.vector_load %arg16[%get3A_203] {strides = array<i32>} : memref<112xf32, #tpu.memory_space<vmem>>, vector<16xf32>,
    %add3A_205 = arith.addf %get3A_202, %get3A_204 : vector<16xf32>
    %gt3A_206 = arith.constant 0.000000e+00 : f32
    %gt3A_207 = vector.broadcast %gt3A_206 : f32 to vector<16xf32>
    %gt3A_208 = arith.cmpf ogt, %add3A_205, %gt3A_207 : vector<16xf32>
    %neg3A_209 = arith.constant 0.000000e+00 : f32
    %neg3A_210 = vector.broadcast %neg3A_209 : f32 to vector<16xf32>
    %neg3A_211 = arith.subf %neg3A_210, %add3A_205 : vector<16xf32>
    %mul3A_212 = arith.constant -2.000000e-01 : f32
    %mul3A_213 = vector.broadcast %mul3A_212 : f32 to vector<16xf32>
    %mul3A_214 = arith.mulf %mul3A_213, %add3A_205 : vector<16xf32>
    %select_n3A_215 = arith.select %gt3A_208, %neg3A_211, %mul3A_214 : vector<16xi1>, vector<16xf32>
    %exp3A_216 = math.exp %select_n3A_215 : vector<16xf32>
    %swap3A_217 = arith.constant 32 : index
    %swap3A_218 = tpu.vector_load %arg13[%swap3A_217] {strides = array<i32>} : memref<112xf32, #tpu.memory_space<vmem>>, vector<16xf32>,
    tpu.vector_store %arg13[%swap3A_217], %exp3A_216 {strides = array<i32>} : memref<112xf32, #tpu.memory_space<vmem>>, vector<16xf32>,
    %get3A_219 = arith.constant 48 : index
    %get3A_220 = tpu.vector_load %arg14[%get3A_219] {strides = array<i32>} : memref<112xf32, #tpu.memory_space<vmem>>, vector<16xf32>,
    %get3A_221 = arith.constant 48 : index
    %get3A_222 = tpu.vector_load %arg16[%get3A_221] {strides = array<i32>} : memref<112xf32, #tpu.memory_space<vmem>>, vector<16xf32>,
    %add3A_223 = arith.addf %get3A_220, %get3A_222 : vector<16xf32>
    %gt3A_224 = arith.constant 0.000000e+00 : f32
    %gt3A_225 = vector.broadcast %gt3A_224 : f32 to vector<16xf32>
    %gt3A_226 = arith.cmpf ogt, %add3A_223, %gt3A_225 : vector<16xf32>
    %neg3A_227 = arith.constant 0.000000e+00 : f32
    %neg3A_228 = vector.broadcast %neg3A_227 : f32 to vector<16xf32>
    %neg3A_229 = arith.subf %neg3A_228, %add3A_223 : vector<16xf32>
    %mul3A_230 = arith.constant -2.000000e-01 : f32
    %mul3A_231 = vector.broadcast %mul3A_230 : f32 to vector<16xf32>
    %mul3A_232 = arith.mulf %mul3A_231, %add3A_223 : vector<16xf32>
    %select_n3A_233 = arith.select %gt3A_226, %neg3A_229, %mul3A_232 : vector<16xi1>, vector<16xf32>
    %exp3A_234 = math.exp %select_n3A_233 : vector<16xf32>
    %swap3A_235 = arith.constant 48 : index
    %swap3A_236 = tpu.vector_load %arg13[%swap3A_235] {strides = array<i32>} : memref<112xf32, #tpu.memory_space<vmem>>, vector<16xf32>,
    tpu.vector_store %arg13[%swap3A_235], %exp3A_234 {strides = array<i32>} : memref<112xf32, #tpu.memory_space<vmem>>, vector<16xf32>,
    %get3A_237 = arith.constant 64 : index
    %get3A_238 = tpu.vector_load %arg14[%get3A_237] {strides = array<i32>} : memref<112xf32, #tpu.memory_space<vmem>>, vector<16xf32>,
    %get3A_239 = arith.constant 64 : index
    %get3A_240 = tpu.vector_load %arg16[%get3A_239] {strides = array<i32>} : memref<112xf32, #tpu.memory_space<vmem>>, vector<16xf32>,
    %add3A_241 = arith.addf %get3A_238, %get3A_240 : vector<16xf32>
    %gt3A_242 = arith.constant 0.000000e+00 : f32
    %gt3A_243 = vector.broadcast %gt3A_242 : f32 to vector<16xf32>
    %gt3A_244 = arith.cmpf ogt, %add3A_241, %gt3A_243 : vector<16xf32>
    %neg3A_245 = arith.constant 0.000000e+00 : f32
    %neg3A_246 = vector.broadcast %neg3A_245 : f32 to vector<16xf32>
    %neg3A_247 = arith.subf %neg3A_246, %add3A_241 : vector<16xf32>
    %mul3A_248 = arith.constant -2.000000e-01 : f32
    %mul3A_249 = vector.broadcast %mul3A_248 : f32 to vector<16xf32>
    %mul3A_250 = arith.mulf %mul3A_249, %add3A_241 : vector<16xf32>
    %select_n3A_251 = arith.select %gt3A_244, %neg3A_247, %mul3A_250 : vector<16xi1>, vector<16xf32>
    %exp3A_252 = math.exp %select_n3A_251 : vector<16xf32>
    %swap3A_253 = arith.constant 64 : index
    %swap3A_254 = tpu.vector_load %arg13[%swap3A_253] {strides = array<i32>} : memref<112xf32, #tpu.memory_space<vmem>>, vector<16xf32>,
    tpu.vector_store %arg13[%swap3A_253], %exp3A_252 {strides = array<i32>} : memref<112xf32, #tpu.memory_space<vmem>>, vector<16xf32>,
    %get3A_255 = arith.constant 80 : index
    %get3A_256 = tpu.vector_load %arg14[%get3A_255] {strides = array<i32>} : memref<112xf32, #tpu.memory_space<vmem>>, vector<16xf32>,
    %get3A_257 = arith.constant 80 : index
    %get3A_258 = tpu.vector_load %arg16[%get3A_257] {strides = array<i32>} : memref<112xf32, #tpu.memory_space<vmem>>, vector<16xf32>,
    %add3A_259 = arith.addf %get3A_256, %get3A_258 : vector<16xf32>
    %gt3A_260 = arith.constant 0.000000e+00 : f32
    %gt3A_261 = vector.broadcast %gt3A_260 : f32 to vector<16xf32>
    %gt3A_262 = arith.cmpf ogt, %add3A_259, %gt3A_261 : vector<16xf32>
    %neg3A_263 = arith.constant 0.000000e+00 : f32
    %neg3A_264 = vector.broadcast %neg3A_263 : f32 to vector<16xf32>
    %neg3A_265 = arith.subf %neg3A_264, %add3A_259 : vector<16xf32>
    %mul3A_266 = arith.constant -2.000000e-01 : f32
    %mul3A_267 = vector.broadcast %mul3A_266 : f32 to vector<16xf32>
    %mul3A_268 = arith.mulf %mul3A_267, %add3A_259 : vector<16xf32>
    %select_n3A_269 = arith.select %gt3A_262, %neg3A_265, %mul3A_268 : vector<16xi1>, vector<16xf32>
    %exp3A_270 = math.exp %select_n3A_269 : vector<16xf32>
    %swap3A_271 = arith.constant 80 : index
    %swap3A_272 = tpu.vector_load %arg13[%swap3A_271] {strides = array<i32>} : memref<112xf32, #tpu.memory_space<vmem>>, vector<16xf32>,
    tpu.vector_store %arg13[%swap3A_271], %exp3A_270 {strides = array<i32>} : memref<112xf32, #tpu.memory_space<vmem>>, vector<16xf32>,
    %get3A_273 = arith.constant 96 : index
    %get3A_274 = tpu.vector_load %arg14[%get3A_273] {strides = array<i32>} : memref<112xf32, #tpu.memory_space<vmem>>, vector<16xf32>,
    %get3A_275 = arith.constant 96 : index
    %get3A_276 = tpu.vector_load %arg16[%get3A_275] {strides = array<i32>} : memref<112xf32, #tpu.memory_space<vmem>>, vector<16xf32>,
    %add3A_277 = arith.addf %get3A_274, %get3A_276 : vector<16xf32>
    %gt3A_278 = arith.constant 0.000000e+00 : f32
    %gt3A_279 = vector.broadcast %gt3A_278 : f32 to vector<16xf32>
    %gt3A_280 = arith.cmpf ogt, %add3A_277, %gt3A_279 : vector<16xf32>
    %neg3A_281 = arith.constant 0.000000e+00 : f32
    %neg3A_282 = vector.broadcast %neg3A_281 : f32 to vector<16xf32>
    %neg3A_283 = arith.subf %neg3A_282, %add3A_277 : vector<16xf32>
    %mul3A_284 = arith.constant -2.000000e-01 : f32
    %mul3A_285 = vector.broadcast %mul3A_284 : f32 to vector<16xf32>
    %mul3A_286 = arith.mulf %mul3A_285, %add3A_277 : vector<16xf32>
    %select_n3A_287 = arith.select %gt3A_280, %neg3A_283, %mul3A_286 : vector<16xi1>, vector<16xf32>
    %exp3A_288 = math.exp %select_n3A_287 : vector<16xf32>
    %swap3A_289 = arith.constant 96 : index
    %swap3A_290 = tpu.vector_load %arg13[%swap3A_289] {strides = array<i32>} : memref<112xf32, #tpu.memory_space<vmem>>, vector<16xf32>,
    tpu.vector_store %arg13[%swap3A_289], %exp3A_288 {strides = array<i32>} : memref<112xf32, #tpu.memory_space<vmem>>, vector<16xf32>,
    %dma_wait3A_291 = arith.constant 98 : i32
    %dma_wait3A_292 = arith.constant 0 : i32
    %dma_wait3A_293 = tpu.memref_slice %arg12[%dma_wait3A_291, %dma_wait3A_292] : memref<100x100xi32, #tpu.memory_space<vmem>> -> memref<1x100xi32, #tpu.memory_space<vmem>>
    %dma_wait3A_294 = tpu.memref_squeeze %dma_wait3A_293 : memref<1x100xi32, #tpu.memory_space<vmem>> -> memref<100xi32, #tpu.memory_space<vmem>>
    %dma_wait3A_295 = arith.constant 0 : i32
    %dma_wait3A_296 = arith.constant 0 : i32
    %dma_wait3A_297 = tpu.memref_slice %arg2[%dma_wait3A_295, %dma_wait3A_296] : memref<10000x128xf32, #tpu.memory_space<hbm>> -> memref<10000x128xf32, #tpu.memory_space<hbm>>
    tpu.wait_indirect_dma semaphore(%arg21 : memref<!tpu.dma_semaphore, #tpu.memory_space<semaphore_mem>>) src(%dma_wait3A_297 : memref<10000x128xf32, #tpu.memory_space<hbm>>) dst(%arg18 : memref<100x128xf32, #tpu.memory_space<vmem>>)
    %parallel_loop3A = arith.constant 0 : i32
    %parallel_loop3A_298 = arith.constant 100 : i32
    %parallel_loop3A_299 = arith.constant 1 : i32
    scf.for %parallel_loop3A_460 = %parallel_loop3A to %parallel_loop3A_298 step %parallel_loop3A_299  : i32 {
      %parallel_loop3A_461 = vector.broadcast %parallel_loop3A_460 : i32 to vector<16xi32>
      %parallel_loop3A_462 = tpu.vector_load_idx %arg13[%parallel_loop3A_461] : memref<112xf32, #tpu.memory_space<vmem>>[vector<16xi32>], vector<16xf32>,
      %parallel_loop3A_463 = arith.index_cast %parallel_loop3A_460 : i32 to index
      %parallel_loop3A_464 = arith.constant 0 : index
      %parallel_loop3A_465 = tpu.vector_load %arg18[%parallel_loop3A_463, %parallel_loop3A_464] {strides = array<i32>} : memref<100x128xf32, #tpu.memory_space<vmem>>, vector<16xf32>,
      %parallel_loop3A_466 = arith.mulf %parallel_loop3A_465, %parallel_loop3A_462 : vector<16xf32>
      %parallel_loop3A_467 = arith.index_cast %parallel_loop3A_460 : i32 to index
      %parallel_loop3A_468 = arith.constant 0 : index
      %parallel_loop3A_469 = tpu.vector_load %arg18[%parallel_loop3A_467, %parallel_loop3A_468] {strides = array<i32>} : memref<100x128xf32, #tpu.memory_space<vmem>>, vector<16xf32>,
      tpu.vector_store %arg18[%parallel_loop3A_467, %parallel_loop3A_468], %parallel_loop3A_466 {strides = array<i32>} : memref<100x128xf32, #tpu.memory_space<vmem>>, vector<16xf32>,
      %parallel_loop3A_470 = arith.index_cast %parallel_loop3A_460 : i32 to index
      %parallel_loop3A_471 = arith.constant 16 : index
      %parallel_loop3A_472 = tpu.vector_load %arg18[%parallel_loop3A_470, %parallel_loop3A_471] {strides = array<i32>} : memref<100x128xf32, #tpu.memory_space<vmem>>, vector<16xf32>,
      %parallel_loop3A_473 = arith.mulf %parallel_loop3A_472, %parallel_loop3A_462 : vector<16xf32>
      %parallel_loop3A_474 = arith.index_cast %parallel_loop3A_460 : i32 to index
      %parallel_loop3A_475 = arith.constant 16 : index
      %parallel_loop3A_476 = tpu.vector_load %arg18[%parallel_loop3A_474, %parallel_loop3A_475] {strides = array<i32>} : memref<100x128xf32, #tpu.memory_space<vmem>>, vector<16xf32>,
      tpu.vector_store %arg18[%parallel_loop3A_474, %parallel_loop3A_475], %parallel_loop3A_473 {strides = array<i32>} : memref<100x128xf32, #tpu.memory_space<vmem>>, vector<16xf32>,
      %parallel_loop3A_477 = arith.index_cast %parallel_loop3A_460 : i32 to index
      %parallel_loop3A_478 = arith.constant 32 : index
      %parallel_loop3A_479 = tpu.vector_load %arg18[%parallel_loop3A_477, %parallel_loop3A_478] {strides = array<i32>} : memref<100x128xf32, #tpu.memory_space<vmem>>, vector<16xf32>,
      %parallel_loop3A_480 = arith.mulf %parallel_loop3A_479, %parallel_loop3A_462 : vector<16xf32>
      %parallel_loop3A_481 = arith.index_cast %parallel_loop3A_460 : i32 to index
      %parallel_loop3A_482 = arith.constant 32 : index
      %parallel_loop3A_483 = tpu.vector_load %arg18[%parallel_loop3A_481, %parallel_loop3A_482] {strides = array<i32>} : memref<100x128xf32, #tpu.memory_space<vmem>>, vector<16xf32>,
      tpu.vector_store %arg18[%parallel_loop3A_481, %parallel_loop3A_482], %parallel_loop3A_480 {strides = array<i32>} : memref<100x128xf32, #tpu.memory_space<vmem>>, vector<16xf32>,
      %parallel_loop3A_484 = arith.index_cast %parallel_loop3A_460 : i32 to index
      %parallel_loop3A_485 = arith.constant 48 : index
      %parallel_loop3A_486 = tpu.vector_load %arg18[%parallel_loop3A_484, %parallel_loop3A_485] {strides = array<i32>} : memref<100x128xf32, #tpu.memory_space<vmem>>, vector<16xf32>,
      %parallel_loop3A_487 = arith.mulf %parallel_loop3A_486, %parallel_loop3A_462 : vector<16xf32>
      %parallel_loop3A_488 = arith.index_cast %parallel_loop3A_460 : i32 to index
      %parallel_loop3A_489 = arith.constant 48 : index
      %parallel_loop3A_490 = tpu.vector_load %arg18[%parallel_loop3A_488, %parallel_loop3A_489] {strides = array<i32>} : memref<100x128xf32, #tpu.memory_space<vmem>>, vector<16xf32>,
      tpu.vector_store %arg18[%parallel_loop3A_488, %parallel_loop3A_489], %parallel_loop3A_487 {strides = array<i32>} : memref<100x128xf32, #tpu.memory_space<vmem>>, vector<16xf32>,
      %parallel_loop3A_491 = arith.index_cast %parallel_loop3A_460 : i32 to index
      %parallel_loop3A_492 = arith.constant 64 : index
      %parallel_loop3A_493 = tpu.vector_load %arg18[%parallel_loop3A_491, %parallel_loop3A_492] {strides = array<i32>} : memref<100x128xf32, #tpu.memory_space<vmem>>, vector<16xf32>,
      %parallel_loop3A_494 = arith.mulf %parallel_loop3A_493, %parallel_loop3A_462 : vector<16xf32>
      %parallel_loop3A_495 = arith.index_cast %parallel_loop3A_460 : i32 to index
      %parallel_loop3A_496 = arith.constant 64 : index
      %parallel_loop3A_497 = tpu.vector_load %arg18[%parallel_loop3A_495, %parallel_loop3A_496] {strides = array<i32>} : memref<100x128xf32, #tpu.memory_space<vmem>>, vector<16xf32>,
      tpu.vector_store %arg18[%parallel_loop3A_495, %parallel_loop3A_496], %parallel_loop3A_494 {strides = array<i32>} : memref<100x128xf32, #tpu.memory_space<vmem>>, vector<16xf32>,
      %parallel_loop3A_498 = arith.index_cast %parallel_loop3A_460 : i32 to index
      %parallel_loop3A_499 = arith.constant 80 : index
      %parallel_loop3A_500 = tpu.vector_load %arg18[%parallel_loop3A_498, %parallel_loop3A_499] {strides = array<i32>} : memref<100x128xf32, #tpu.memory_space<vmem>>, vector<16xf32>,
      %parallel_loop3A_501 = arith.mulf %parallel_loop3A_500, %parallel_loop3A_462 : vector<16xf32>
      %parallel_loop3A_502 = arith.index_cast %parallel_loop3A_460 : i32 to index
      %parallel_loop3A_503 = arith.constant 80 : index
      %parallel_loop3A_504 = tpu.vector_load %arg18[%parallel_loop3A_502, %parallel_loop3A_503] {strides = array<i32>} : memref<100x128xf32, #tpu.memory_space<vmem>>, vector<16xf32>,
      tpu.vector_store %arg18[%parallel_loop3A_502, %parallel_loop3A_503], %parallel_loop3A_501 {strides = array<i32>} : memref<100x128xf32, #tpu.memory_space<vmem>>, vector<16xf32>,
      %parallel_loop3A_505 = arith.index_cast %parallel_loop3A_460 : i32 to index
      %parallel_loop3A_506 = arith.constant 96 : index
      %parallel_loop3A_507 = tpu.vector_load %arg18[%parallel_loop3A_505, %parallel_loop3A_506] {strides = array<i32>} : memref<100x128xf32, #tpu.memory_space<vmem>>, vector<16xf32>,
      %parallel_loop3A_508 = arith.mulf %parallel_loop3A_507, %parallel_loop3A_462 : vector<16xf32>
      %parallel_loop3A_509 = arith.index_cast %parallel_loop3A_460 : i32 to index
      %parallel_loop3A_510 = arith.constant 96 : index
      %parallel_loop3A_511 = tpu.vector_load %arg18[%parallel_loop3A_509, %parallel_loop3A_510] {strides = array<i32>} : memref<100x128xf32, #tpu.memory_space<vmem>>, vector<16xf32>,
      tpu.vector_store %arg18[%parallel_loop3A_509, %parallel_loop3A_510], %parallel_loop3A_508 {strides = array<i32>} : memref<100x128xf32, #tpu.memory_space<vmem>>, vector<16xf32>,
      %parallel_loop3A_512 = arith.index_cast %parallel_loop3A_460 : i32 to index
      %parallel_loop3A_513 = arith.constant 112 : index
      %parallel_loop3A_514 = tpu.vector_load %arg18[%parallel_loop3A_512, %parallel_loop3A_513] {strides = array<i32>} : memref<100x128xf32, #tpu.memory_space<vmem>>, vector<16xf32>,
      %parallel_loop3A_515 = arith.mulf %parallel_loop3A_514, %parallel_loop3A_462 : vector<16xf32>
      %parallel_loop3A_516 = arith.index_cast %parallel_loop3A_460 : i32 to index
      %parallel_loop3A_517 = arith.constant 112 : index
      %parallel_loop3A_518 = tpu.vector_load %arg18[%parallel_loop3A_516, %parallel_loop3A_517] {strides = array<i32>} : memref<100x128xf32, #tpu.memory_space<vmem>>, vector<16xf32>,
      tpu.vector_store %arg18[%parallel_loop3A_516, %parallel_loop3A_517], %parallel_loop3A_515 {strides = array<i32>} : memref<100x128xf32, #tpu.memory_space<vmem>>, vector<16xf32>,
    } {sc.loop_unroll_factor = 4 : i64, sc.parallel_access}
    %run_scoped3A = arith.constant 98 : i32
    "tpu.region"() ({
      %run_scoped3A_460 = tpu.sem_alloc : memref<!tpu.dma_semaphore, #tpu.memory_space<semaphore_mem>>
      %dma_start3A_461 = arith.constant 0 : i32
      %dma_start3A_462 = tpu.memref_slice %arg13[%dma_start3A_461] : memref<112xf32, #tpu.memory_space<vmem>> -> memref<100xf32, #tpu.memory_space<vmem>>
      %dma_start3A_463 = arith.constant 0 : i32
      %dma_start3A_464 = tpu.memref_slice %arg11[%run_scoped3A, %dma_start3A_463] : memref<100x100xi32, #tpu.memory_space<vmem>> -> memref<1x100xi32, #tpu.memory_space<vmem>>
      %dma_start3A_465 = tpu.memref_squeeze %dma_start3A_464 : memref<1x100xi32, #tpu.memory_space<vmem>> -> memref<100xi32, #tpu.memory_space<vmem>>
      %dma_start3A_466 = arith.constant 0 : i32
      %dma_start3A_467 = tpu.memref_slice %arg10[%dma_start3A_466] : memref<10240xf32, #tpu.memory_space<vmem_shared>> -> memref<10240xf32, #tpu.memory_space<vmem_shared>>
      tpu.enqueue_indirect_dma source(%dma_start3A_462 : memref<100xf32, #tpu.memory_space<vmem>>) target(%dma_start3A_467 : memref<10240xf32, #tpu.memory_space<vmem_shared>>) offsets(%dma_start3A_465 : memref<100xi32, #tpu.memory_space<vmem>>) semaphore(%run_scoped3A_460 : memref<!tpu.dma_semaphore, #tpu.memory_space<semaphore_mem>>) {add = true}
      %dma_wait3A_468 = arith.constant 0 : i32
      %dma_wait3A_469 = tpu.memref_slice %arg13[%dma_wait3A_468] : memref<112xf32, #tpu.memory_space<vmem>> -> memref<100xf32, #tpu.memory_space<vmem>>
      %dma_wait3A_470 = arith.constant 0 : i32
      %dma_wait3A_471 = tpu.memref_slice %arg11[%run_scoped3A, %dma_wait3A_470] : memref<100x100xi32, #tpu.memory_space<vmem>> -> memref<1x100xi32, #tpu.memory_space<vmem>>
      %dma_wait3A_472 = tpu.memref_squeeze %dma_wait3A_471 : memref<1x100xi32, #tpu.memory_space<vmem>> -> memref<100xi32, #tpu.memory_space<vmem>>
      %dma_wait3A_473 = arith.constant 0 : i32
      %dma_wait3A_474 = tpu.memref_slice %arg10[%dma_wait3A_473] : memref<10240xf32, #tpu.memory_space<vmem_shared>> -> memref<10240xf32, #tpu.memory_space<vmem_shared>>
      tpu.wait_indirect_dma semaphore(%run_scoped3A_460 : memref<!tpu.dma_semaphore, #tpu.memory_space<semaphore_mem>>) src(%dma_wait3A_469 : memref<100xf32, #tpu.memory_space<vmem>>) dst(%dma_wait3A_474 : memref<10240xf32, #tpu.memory_space<vmem_shared>>)
      tpu.yield
    }) : () -> ()
    %run_scoped3A_300 = arith.constant 98 : i32
    "tpu.region"() ({
      %run_scoped3A_460 = tpu.sem_alloc : memref<!tpu.dma_semaphore, #tpu.memory_space<semaphore_mem>>
      %dma_start3A_461 = arith.constant 0 : i32
      %dma_start3A_462 = tpu.memref_slice %arg11[%run_scoped3A_300, %dma_start3A_461] : memref<100x100xi32, #tpu.memory_space<vmem>> -> memref<1x100xi32, #tpu.memory_space<vmem>>
      %dma_start3A_463 = tpu.memref_squeeze %dma_start3A_462 : memref<1x100xi32, #tpu.memory_space<vmem>> -> memref<100xi32, #tpu.memory_space<vmem>>
      %dma_start3A_464 = arith.constant 0 : i32
      %dma_start3A_465 = arith.constant 0 : i32
      %dma_start3A_466 = tpu.memref_slice %arg9[%dma_start3A_464, %dma_start3A_465] : memref<10000x128xf32, #tpu.memory_space<vmem_shared>> -> memref<10000x128xf32, #tpu.memory_space<vmem_shared>>
      tpu.enqueue_indirect_dma source(%arg18 : memref<100x128xf32, #tpu.memory_space<vmem>>) target(%dma_start3A_466 : memref<10000x128xf32, #tpu.memory_space<vmem_shared>>) offsets(%dma_start3A_463 : memref<100xi32, #tpu.memory_space<vmem>>) semaphore(%run_scoped3A_460 : memref<!tpu.dma_semaphore, #tpu.memory_space<semaphore_mem>>) {add = true}
      %dma_wait3A_467 = arith.constant 0 : i32
      %dma_wait3A_468 = tpu.memref_slice %arg11[%run_scoped3A_300, %dma_wait3A_467] : memref<100x100xi32, #tpu.memory_space<vmem>> -> memref<1x100xi32, #tpu.memory_space<vmem>>
      %dma_wait3A_469 = tpu.memref_squeeze %dma_wait3A_468 : memref<1x100xi32, #tpu.memory_space<vmem>> -> memref<100xi32, #tpu.memory_space<vmem>>
      %dma_wait3A_470 = arith.constant 0 : i32
      %dma_wait3A_471 = arith.constant 0 : i32
      %dma_wait3A_472 = tpu.memref_slice %arg9[%dma_wait3A_470, %dma_wait3A_471] : memref<10000x128xf32, #tpu.memory_space<vmem_shared>> -> memref<10000x128xf32, #tpu.memory_space<vmem_shared>>
      tpu.wait_indirect_dma semaphore(%run_scoped3A_460 : memref<!tpu.dma_semaphore, #tpu.memory_space<semaphore_mem>>) src(%arg18 : memref<100x128xf32, #tpu.memory_space<vmem>>) dst(%dma_wait3A_472 : memref<10000x128xf32, #tpu.memory_space<vmem_shared>>)
      tpu.yield
    }) : () -> ()
    %dma_wait3A_301 = arith.constant 99 : i32
    %dma_wait3A_302 = arith.constant 0 : i32
    %dma_wait3A_303 = tpu.memref_slice %arg15[%dma_wait3A_302] : memref<112xf32, #tpu.memory_space<vmem>> -> memref<100xf32, #tpu.memory_space<vmem>>
    %dma_wait3A_304 = arith.constant 0 : i32
    %dma_wait3A_305 = tpu.memref_slice %arg11[%dma_wait3A_301, %dma_wait3A_304] : memref<100x100xi32, #tpu.memory_space<vmem>> -> memref<1x100xi32, #tpu.memory_space<vmem>>
    %dma_wait3A_306 = tpu.memref_squeeze %dma_wait3A_305 : memref<1x100xi32, #tpu.memory_space<vmem>> -> memref<100xi32, #tpu.memory_space<vmem>>
    %dma_wait3A_307 = arith.constant 0 : i32
    %dma_wait3A_308 = tpu.memref_slice %arg3[%dma_wait3A_307] : memref<10000xf32, #tpu.memory_space<hbm>> -> memref<10000xf32, #tpu.memory_space<hbm>>
    tpu.wait_indirect_dma semaphore(%arg24 : memref<!tpu.dma_semaphore, #tpu.memory_space<semaphore_mem>>) src(%dma_wait3A_308 : memref<10000xf32, #tpu.memory_space<hbm>>) dst(%dma_wait3A_303 : memref<100xf32, #tpu.memory_space<vmem>>)
    %dma_wait3A_309 = arith.constant 99 : i32
    %dma_wait3A_310 = arith.constant 0 : i32
    %dma_wait3A_311 = tpu.memref_slice %arg17[%dma_wait3A_310] : memref<112xf32, #tpu.memory_space<vmem>> -> memref<100xf32, #tpu.memory_space<vmem>>
    %dma_wait3A_312 = arith.constant 0 : i32
    %dma_wait3A_313 = tpu.memref_slice %arg12[%dma_wait3A_309, %dma_wait3A_312] : memref<100x100xi32, #tpu.memory_space<vmem>> -> memref<1x100xi32, #tpu.memory_space<vmem>>
    %dma_wait3A_314 = tpu.memref_squeeze %dma_wait3A_313 : memref<1x100xi32, #tpu.memory_space<vmem>> -> memref<100xi32, #tpu.memory_space<vmem>>
    %dma_wait3A_315 = arith.constant 0 : i32
    %dma_wait3A_316 = tpu.memref_slice %arg4[%dma_wait3A_315] : memref<10000xf32, #tpu.memory_space<hbm>> -> memref<10000xf32, #tpu.memory_space<hbm>>
    tpu.wait_indirect_dma semaphore(%arg26 : memref<!tpu.dma_semaphore, #tpu.memory_space<semaphore_mem>>) src(%dma_wait3A_316 : memref<10000xf32, #tpu.memory_space<hbm>>) dst(%dma_wait3A_311 : memref<100xf32, #tpu.memory_space<vmem>>)
    %get3A_317 = arith.constant 0 : index
    %get3A_318 = tpu.vector_load %arg15[%get3A_317] {strides = array<i32>} : memref<112xf32, #tpu.memory_space<vmem>>, vector<16xf32>,
    %get3A_319 = arith.constant 0 : index
    %get3A_320 = tpu.vector_load %arg17[%get3A_319] {strides = array<i32>} : memref<112xf32, #tpu.memory_space<vmem>>, vector<16xf32>,
    %add3A_321 = arith.addf %get3A_318, %get3A_320 : vector<16xf32>
    %gt3A_322 = arith.constant 0.000000e+00 : f32
    %gt3A_323 = vector.broadcast %gt3A_322 : f32 to vector<16xf32>
    %gt3A_324 = arith.cmpf ogt, %add3A_321, %gt3A_323 : vector<16xf32>
    %neg3A_325 = arith.constant 0.000000e+00 : f32
    %neg3A_326 = vector.broadcast %neg3A_325 : f32 to vector<16xf32>
    %neg3A_327 = arith.subf %neg3A_326, %add3A_321 : vector<16xf32>
    %mul3A_328 = arith.constant -2.000000e-01 : f32
    %mul3A_329 = vector.broadcast %mul3A_328 : f32 to vector<16xf32>
    %mul3A_330 = arith.mulf %mul3A_329, %add3A_321 : vector<16xf32>
    %select_n3A_331 = arith.select %gt3A_324, %neg3A_327, %mul3A_330 : vector<16xi1>, vector<16xf32>
    %exp3A_332 = math.exp %select_n3A_331 : vector<16xf32>
    %swap3A_333 = arith.constant 0 : index
    %swap3A_334 = tpu.vector_load %arg13[%swap3A_333] {strides = array<i32>} : memref<112xf32, #tpu.memory_space<vmem>>, vector<16xf32>,
    tpu.vector_store %arg13[%swap3A_333], %exp3A_332 {strides = array<i32>} : memref<112xf32, #tpu.memory_space<vmem>>, vector<16xf32>,
    %get3A_335 = arith.constant 16 : index
    %get3A_336 = tpu.vector_load %arg15[%get3A_335] {strides = array<i32>} : memref<112xf32, #tpu.memory_space<vmem>>, vector<16xf32>,
    %get3A_337 = arith.constant 16 : index
    %get3A_338 = tpu.vector_load %arg17[%get3A_337] {strides = array<i32>} : memref<112xf32, #tpu.memory_space<vmem>>, vector<16xf32>,
    %add3A_339 = arith.addf %get3A_336, %get3A_338 : vector<16xf32>
    %gt3A_340 = arith.constant 0.000000e+00 : f32
    %gt3A_341 = vector.broadcast %gt3A_340 : f32 to vector<16xf32>
    %gt3A_342 = arith.cmpf ogt, %add3A_339, %gt3A_341 : vector<16xf32>
    %neg3A_343 = arith.constant 0.000000e+00 : f32
    %neg3A_344 = vector.broadcast %neg3A_343 : f32 to vector<16xf32>
    %neg3A_345 = arith.subf %neg3A_344, %add3A_339 : vector<16xf32>
    %mul3A_346 = arith.constant -2.000000e-01 : f32
    %mul3A_347 = vector.broadcast %mul3A_346 : f32 to vector<16xf32>
    %mul3A_348 = arith.mulf %mul3A_347, %add3A_339 : vector<16xf32>
    %select_n3A_349 = arith.select %gt3A_342, %neg3A_345, %mul3A_348 : vector<16xi1>, vector<16xf32>
    %exp3A_350 = math.exp %select_n3A_349 : vector<16xf32>
    %swap3A_351 = arith.constant 16 : index
    %swap3A_352 = tpu.vector_load %arg13[%swap3A_351] {strides = array<i32>} : memref<112xf32, #tpu.memory_space<vmem>>, vector<16xf32>,
    tpu.vector_store %arg13[%swap3A_351], %exp3A_350 {strides = array<i32>} : memref<112xf32, #tpu.memory_space<vmem>>, vector<16xf32>,
    %get3A_353 = arith.constant 32 : index
    %get3A_354 = tpu.vector_load %arg15[%get3A_353] {strides = array<i32>} : memref<112xf32, #tpu.memory_space<vmem>>, vector<16xf32>,
    %get3A_355 = arith.constant 32 : index
    %get3A_356 = tpu.vector_load %arg17[%get3A_355] {strides = array<i32>} : memref<112xf32, #tpu.memory_space<vmem>>, vector<16xf32>,
    %add3A_357 = arith.addf %get3A_354, %get3A_356 : vector<16xf32>
    %gt3A_358 = arith.constant 0.000000e+00 : f32
    %gt3A_359 = vector.broadcast %gt3A_358 : f32 to vector<16xf32>
    %gt3A_360 = arith.cmpf ogt, %add3A_357, %gt3A_359 : vector<16xf32>
    %neg3A_361 = arith.constant 0.000000e+00 : f32
    %neg3A_362 = vector.broadcast %neg3A_361 : f32 to vector<16xf32>
    %neg3A_363 = arith.subf %neg3A_362, %add3A_357 : vector<16xf32>
    %mul3A_364 = arith.constant -2.000000e-01 : f32
    %mul3A_365 = vector.broadcast %mul3A_364 : f32 to vector<16xf32>
    %mul3A_366 = arith.mulf %mul3A_365, %add3A_357 : vector<16xf32>
    %select_n3A_367 = arith.select %gt3A_360, %neg3A_363, %mul3A_366 : vector<16xi1>, vector<16xf32>
    %exp3A_368 = math.exp %select_n3A_367 : vector<16xf32>
    %swap3A_369 = arith.constant 32 : index
    %swap3A_370 = tpu.vector_load %arg13[%swap3A_369] {strides = array<i32>} : memref<112xf32, #tpu.memory_space<vmem>>, vector<16xf32>,
    tpu.vector_store %arg13[%swap3A_369], %exp3A_368 {strides = array<i32>} : memref<112xf32, #tpu.memory_space<vmem>>, vector<16xf32>,
    %get3A_371 = arith.constant 48 : index
    %get3A_372 = tpu.vector_load %arg15[%get3A_371] {strides = array<i32>} : memref<112xf32, #tpu.memory_space<vmem>>, vector<16xf32>,
    %get3A_373 = arith.constant 48 : index
    %get3A_374 = tpu.vector_load %arg17[%get3A_373] {strides = array<i32>} : memref<112xf32, #tpu.memory_space<vmem>>, vector<16xf32>,
    %add3A_375 = arith.addf %get3A_372, %get3A_374 : vector<16xf32>
    %gt3A_376 = arith.constant 0.000000e+00 : f32
    %gt3A_377 = vector.broadcast %gt3A_376 : f32 to vector<16xf32>
    %gt3A_378 = arith.cmpf ogt, %add3A_375, %gt3A_377 : vector<16xf32>
    %neg3A_379 = arith.constant 0.000000e+00 : f32
    %neg3A_380 = vector.broadcast %neg3A_379 : f32 to vector<16xf32>
    %neg3A_381 = arith.subf %neg3A_380, %add3A_375 : vector<16xf32>
    %mul3A_382 = arith.constant -2.000000e-01 : f32
    %mul3A_383 = vector.broadcast %mul3A_382 : f32 to vector<16xf32>
    %mul3A_384 = arith.mulf %mul3A_383, %add3A_375 : vector<16xf32>
    %select_n3A_385 = arith.select %gt3A_378, %neg3A_381, %mul3A_384 : vector<16xi1>, vector<16xf32>
    %exp3A_386 = math.exp %select_n3A_385 : vector<16xf32>
    %swap3A_387 = arith.constant 48 : index
    %swap3A_388 = tpu.vector_load %arg13[%swap3A_387] {strides = array<i32>} : memref<112xf32, #tpu.memory_space<vmem>>, vector<16xf32>,
    tpu.vector_store %arg13[%swap3A_387], %exp3A_386 {strides = array<i32>} : memref<112xf32, #tpu.memory_space<vmem>>, vector<16xf32>,
    %get3A_389 = arith.constant 64 : index
    %get3A_390 = tpu.vector_load %arg15[%get3A_389] {strides = array<i32>} : memref<112xf32, #tpu.memory_space<vmem>>, vector<16xf32>,
    %get3A_391 = arith.constant 64 : index
    %get3A_392 = tpu.vector_load %arg17[%get3A_391] {strides = array<i32>} : memref<112xf32, #tpu.memory_space<vmem>>, vector<16xf32>,
    %add3A_393 = arith.addf %get3A_390, %get3A_392 : vector<16xf32>
    %gt3A_394 = arith.constant 0.000000e+00 : f32
    %gt3A_395 = vector.broadcast %gt3A_394 : f32 to vector<16xf32>
    %gt3A_396 = arith.cmpf ogt, %add3A_393, %gt3A_395 : vector<16xf32>
    %neg3A_397 = arith.constant 0.000000e+00 : f32
    %neg3A_398 = vector.broadcast %neg3A_397 : f32 to vector<16xf32>
    %neg3A_399 = arith.subf %neg3A_398, %add3A_393 : vector<16xf32>
    %mul3A_400 = arith.constant -2.000000e-01 : f32
    %mul3A_401 = vector.broadcast %mul3A_400 : f32 to vector<16xf32>
    %mul3A_402 = arith.mulf %mul3A_401, %add3A_393 : vector<16xf32>
    %select_n3A_403 = arith.select %gt3A_396, %neg3A_399, %mul3A_402 : vector<16xi1>, vector<16xf32>
    %exp3A_404 = math.exp %select_n3A_403 : vector<16xf32>
    %swap3A_405 = arith.constant 64 : index
    %swap3A_406 = tpu.vector_load %arg13[%swap3A_405] {strides = array<i32>} : memref<112xf32, #tpu.memory_space<vmem>>, vector<16xf32>,
    tpu.vector_store %arg13[%swap3A_405], %exp3A_404 {strides = array<i32>} : memref<112xf32, #tpu.memory_space<vmem>>, vector<16xf32>,
    %get3A_407 = arith.constant 80 : index
    %get3A_408 = tpu.vector_load %arg15[%get3A_407] {strides = array<i32>} : memref<112xf32, #tpu.memory_space<vmem>>, vector<16xf32>,
    %get3A_409 = arith.constant 80 : index
    %get3A_410 = tpu.vector_load %arg17[%get3A_409] {strides = array<i32>} : memref<112xf32, #tpu.memory_space<vmem>>, vector<16xf32>,
    %add3A_411 = arith.addf %get3A_408, %get3A_410 : vector<16xf32>
    %gt3A_412 = arith.constant 0.000000e+00 : f32
    %gt3A_413 = vector.broadcast %gt3A_412 : f32 to vector<16xf32>
    %gt3A_414 = arith.cmpf ogt, %add3A_411, %gt3A_413 : vector<16xf32>
    %neg3A_415 = arith.constant 0.000000e+00 : f32
    %neg3A_416 = vector.broadcast %neg3A_415 : f32 to vector<16xf32>
    %neg3A_417 = arith.subf %neg3A_416, %add3A_411 : vector<16xf32>
    %mul3A_418 = arith.constant -2.000000e-01 : f32
    %mul3A_419 = vector.broadcast %mul3A_418 : f32 to vector<16xf32>
    %mul3A_420 = arith.mulf %mul3A_419, %add3A_411 : vector<16xf32>
    %select_n3A_421 = arith.select %gt3A_414, %neg3A_417, %mul3A_420 : vector<16xi1>, vector<16xf32>
    %exp3A_422 = math.exp %select_n3A_421 : vector<16xf32>
    %swap3A_423 = arith.constant 80 : index
    %swap3A_424 = tpu.vector_load %arg13[%swap3A_423] {strides = array<i32>} : memref<112xf32, #tpu.memory_space<vmem>>, vector<16xf32>,
    tpu.vector_store %arg13[%swap3A_423], %exp3A_422 {strides = array<i32>} : memref<112xf32, #tpu.memory_space<vmem>>, vector<16xf32>,
    %get3A_425 = arith.constant 96 : index
    %get3A_426 = tpu.vector_load %arg15[%get3A_425] {strides = array<i32>} : memref<112xf32, #tpu.memory_space<vmem>>, vector<16xf32>,
    %get3A_427 = arith.constant 96 : index
    %get3A_428 = tpu.vector_load %arg17[%get3A_427] {strides = array<i32>} : memref<112xf32, #tpu.memory_space<vmem>>, vector<16xf32>,
    %add3A_429 = arith.addf %get3A_426, %get3A_428 : vector<16xf32>
    %gt3A_430 = arith.constant 0.000000e+00 : f32
    %gt3A_431 = vector.broadcast %gt3A_430 : f32 to vector<16xf32>
    %gt3A_432 = arith.cmpf ogt, %add3A_429, %gt3A_431 : vector<16xf32>
    %neg3A_433 = arith.constant 0.000000e+00 : f32
    %neg3A_434 = vector.broadcast %neg3A_433 : f32 to vector<16xf32>
    %neg3A_435 = arith.subf %neg3A_434, %add3A_429 : vector<16xf32>
    %mul3A_436 = arith.constant -2.000000e-01 : f32
    %mul3A_437 = vector.broadcast %mul3A_436 : f32 to vector<16xf32>
    %mul3A_438 = arith.mulf %mul3A_437, %add3A_429 : vector<16xf32>
    %select_n3A_439 = arith.select %gt3A_432, %neg3A_435, %mul3A_438 : vector<16xi1>, vector<16xf32>
    %exp3A_440 = math.exp %select_n3A_439 : vector<16xf32>
    %swap3A_441 = arith.constant 96 : index
    %swap3A_442 = tpu.vector_load %arg13[%swap3A_441] {strides = array<i32>} : memref<112xf32, #tpu.memory_space<vmem>>, vector<16xf32>,
    tpu.vector_store %arg13[%swap3A_441], %exp3A_440 {strides = array<i32>} : memref<112xf32, #tpu.memory_space<vmem>>, vector<16xf32>,
    %dma_wait3A_443 = arith.constant 99 : i32
    %dma_wait3A_444 = arith.constant 0 : i32
    %dma_wait3A_445 = tpu.memref_slice %arg12[%dma_wait3A_443, %dma_wait3A_444] : memref<100x100xi32, #tpu.memory_space<vmem>> -> memref<1x100xi32, #tpu.memory_space<vmem>>
    %dma_wait3A_446 = tpu.memref_squeeze %dma_wait3A_445 : memref<1x100xi32, #tpu.memory_space<vmem>> -> memref<100xi32, #tpu.memory_space<vmem>>
    %dma_wait3A_447 = arith.constant 0 : i32
    %dma_wait3A_448 = arith.constant 0 : i32
    %dma_wait3A_449 = tpu.memref_slice %arg2[%dma_wait3A_447, %dma_wait3A_448] : memref<10000x128xf32, #tpu.memory_space<hbm>> -> memref<10000x128xf32, #tpu.memory_space<hbm>>
    tpu.wait_indirect_dma semaphore(%arg22 : memref<!tpu.dma_semaphore, #tpu.memory_space<semaphore_mem>>) src(%dma_wait3A_449 : memref<10000x128xf32, #tpu.memory_space<hbm>>) dst(%arg19 : memref<100x128xf32, #tpu.memory_space<vmem>>)
    %parallel_loop3A_450 = arith.constant 0 : i32
    %parallel_loop3A_451 = arith.constant 100 : i32
    %parallel_loop3A_452 = arith.constant 1 : i32
    scf.for %parallel_loop3A_460 = %parallel_loop3A_450 to %parallel_loop3A_451 step %parallel_loop3A_452  : i32 {
      %parallel_loop3A_461 = vector.broadcast %parallel_loop3A_460 : i32 to vector<16xi32>
      %parallel_loop3A_462 = tpu.vector_load_idx %arg13[%parallel_loop3A_461] : memref<112xf32, #tpu.memory_space<vmem>>[vector<16xi32>], vector<16xf32>,
      %parallel_loop3A_463 = arith.index_cast %parallel_loop3A_460 : i32 to index
      %parallel_loop3A_464 = arith.constant 0 : index
      %parallel_loop3A_465 = tpu.vector_load %arg19[%parallel_loop3A_463, %parallel_loop3A_464] {strides = array<i32>} : memref<100x128xf32, #tpu.memory_space<vmem>>, vector<16xf32>,
      %parallel_loop3A_466 = arith.mulf %parallel_loop3A_465, %parallel_loop3A_462 : vector<16xf32>
      %parallel_loop3A_467 = arith.index_cast %parallel_loop3A_460 : i32 to index
      %parallel_loop3A_468 = arith.constant 0 : index
      %parallel_loop3A_469 = tpu.vector_load %arg19[%parallel_loop3A_467, %parallel_loop3A_468] {strides = array<i32>} : memref<100x128xf32, #tpu.memory_space<vmem>>, vector<16xf32>,
      tpu.vector_store %arg19[%parallel_loop3A_467, %parallel_loop3A_468], %parallel_loop3A_466 {strides = array<i32>} : memref<100x128xf32, #tpu.memory_space<vmem>>, vector<16xf32>,
      %parallel_loop3A_470 = arith.index_cast %parallel_loop3A_460 : i32 to index
      %parallel_loop3A_471 = arith.constant 16 : index
      %parallel_loop3A_472 = tpu.vector_load %arg19[%parallel_loop3A_470, %parallel_loop3A_471] {strides = array<i32>} : memref<100x128xf32, #tpu.memory_space<vmem>>, vector<16xf32>,
      %parallel_loop3A_473 = arith.mulf %parallel_loop3A_472, %parallel_loop3A_462 : vector<16xf32>
      %parallel_loop3A_474 = arith.index_cast %parallel_loop3A_460 : i32 to index
      %parallel_loop3A_475 = arith.constant 16 : index
      %parallel_loop3A_476 = tpu.vector_load %arg19[%parallel_loop3A_474, %parallel_loop3A_475] {strides = array<i32>} : memref<100x128xf32, #tpu.memory_space<vmem>>, vector<16xf32>,
      tpu.vector_store %arg19[%parallel_loop3A_474, %parallel_loop3A_475], %parallel_loop3A_473 {strides = array<i32>} : memref<100x128xf32, #tpu.memory_space<vmem>>, vector<16xf32>,
      %parallel_loop3A_477 = arith.index_cast %parallel_loop3A_460 : i32 to index
      %parallel_loop3A_478 = arith.constant 32 : index
      %parallel_loop3A_479 = tpu.vector_load %arg19[%parallel_loop3A_477, %parallel_loop3A_478] {strides = array<i32>} : memref<100x128xf32, #tpu.memory_space<vmem>>, vector<16xf32>,
      %parallel_loop3A_480 = arith.mulf %parallel_loop3A_479, %parallel_loop3A_462 : vector<16xf32>
      %parallel_loop3A_481 = arith.index_cast %parallel_loop3A_460 : i32 to index
      %parallel_loop3A_482 = arith.constant 32 : index
      %parallel_loop3A_483 = tpu.vector_load %arg19[%parallel_loop3A_481, %parallel_loop3A_482] {strides = array<i32>} : memref<100x128xf32, #tpu.memory_space<vmem>>, vector<16xf32>,
      tpu.vector_store %arg19[%parallel_loop3A_481, %parallel_loop3A_482], %parallel_loop3A_480 {strides = array<i32>} : memref<100x128xf32, #tpu.memory_space<vmem>>, vector<16xf32>,
      %parallel_loop3A_484 = arith.index_cast %parallel_loop3A_460 : i32 to index
      %parallel_loop3A_485 = arith.constant 48 : index
      %parallel_loop3A_486 = tpu.vector_load %arg19[%parallel_loop3A_484, %parallel_loop3A_485] {strides = array<i32>} : memref<100x128xf32, #tpu.memory_space<vmem>>, vector<16xf32>,
      %parallel_loop3A_487 = arith.mulf %parallel_loop3A_486, %parallel_loop3A_462 : vector<16xf32>
      %parallel_loop3A_488 = arith.index_cast %parallel_loop3A_460 : i32 to index
      %parallel_loop3A_489 = arith.constant 48 : index
      %parallel_loop3A_490 = tpu.vector_load %arg19[%parallel_loop3A_488, %parallel_loop3A_489] {strides = array<i32>} : memref<100x128xf32, #tpu.memory_space<vmem>>, vector<16xf32>,
      tpu.vector_store %arg19[%parallel_loop3A_488, %parallel_loop3A_489], %parallel_loop3A_487 {strides = array<i32>} : memref<100x128xf32, #tpu.memory_space<vmem>>, vector<16xf32>,
      %parallel_loop3A_491 = arith.index_cast %parallel_loop3A_460 : i32 to index
      %parallel_loop3A_492 = arith.constant 64 : index
      %parallel_loop3A_493 = tpu.vector_load %arg19[%parallel_loop3A_491, %parallel_loop3A_492] {strides = array<i32>} : memref<100x128xf32, #tpu.memory_space<vmem>>, vector<16xf32>,
      %parallel_loop3A_494 = arith.mulf %parallel_loop3A_493, %parallel_loop3A_462 : vector<16xf32>
      %parallel_loop3A_495 = arith.index_cast %parallel_loop3A_460 : i32 to index
      %parallel_loop3A_496 = arith.constant 64 : index
      %parallel_loop3A_497 = tpu.vector_load %arg19[%parallel_loop3A_495, %parallel_loop3A_496] {strides = array<i32>} : memref<100x128xf32, #tpu.memory_space<vmem>>, vector<16xf32>,
      tpu.vector_store %arg19[%parallel_loop3A_495, %parallel_loop3A_496], %parallel_loop3A_494 {strides = array<i32>} : memref<100x128xf32, #tpu.memory_space<vmem>>, vector<16xf32>,
      %parallel_loop3A_498 = arith.index_cast %parallel_loop3A_460 : i32 to index
      %parallel_loop3A_499 = arith.constant 80 : index
      %parallel_loop3A_500 = tpu.vector_load %arg19[%parallel_loop3A_498, %parallel_loop3A_499] {strides = array<i32>} : memref<100x128xf32, #tpu.memory_space<vmem>>, vector<16xf32>,
      %parallel_loop3A_501 = arith.mulf %parallel_loop3A_500, %parallel_loop3A_462 : vector<16xf32>
      %parallel_loop3A_502 = arith.index_cast %parallel_loop3A_460 : i32 to index
      %parallel_loop3A_503 = arith.constant 80 : index
      %parallel_loop3A_504 = tpu.vector_load %arg19[%parallel_loop3A_502, %parallel_loop3A_503] {strides = array<i32>} : memref<100x128xf32, #tpu.memory_space<vmem>>, vector<16xf32>,
      tpu.vector_store %arg19[%parallel_loop3A_502, %parallel_loop3A_503], %parallel_loop3A_501 {strides = array<i32>} : memref<100x128xf32, #tpu.memory_space<vmem>>, vector<16xf32>,
      %parallel_loop3A_505 = arith.index_cast %parallel_loop3A_460 : i32 to index
      %parallel_loop3A_506 = arith.constant 96 : index
      %parallel_loop3A_507 = tpu.vector_load %arg19[%parallel_loop3A_505, %parallel_loop3A_506] {strides = array<i32>} : memref<100x128xf32, #tpu.memory_space<vmem>>, vector<16xf32>,
      %parallel_loop3A_508 = arith.mulf %parallel_loop3A_507, %parallel_loop3A_462 : vector<16xf32>
      %parallel_loop3A_509 = arith.index_cast %parallel_loop3A_460 : i32 to index
      %parallel_loop3A_510 = arith.constant 96 : index
      %parallel_loop3A_511 = tpu.vector_load %arg19[%parallel_loop3A_509, %parallel_loop3A_510] {strides = array<i32>} : memref<100x128xf32, #tpu.memory_space<vmem>>, vector<16xf32>,
      tpu.vector_store %arg19[%parallel_loop3A_509, %parallel_loop3A_510], %parallel_loop3A_508 {strides = array<i32>} : memref<100x128xf32, #tpu.memory_space<vmem>>, vector<16xf32>,
      %parallel_loop3A_512 = arith.index_cast %parallel_loop3A_460 : i32 to index
      %parallel_loop3A_513 = arith.constant 112 : index
      %parallel_loop3A_514 = tpu.vector_load %arg19[%parallel_loop3A_512, %parallel_loop3A_513] {strides = array<i32>} : memref<100x128xf32, #tpu.memory_space<vmem>>, vector<16xf32>,
      %parallel_loop3A_515 = arith.mulf %parallel_loop3A_514, %parallel_loop3A_462 : vector<16xf32>
      %parallel_loop3A_516 = arith.index_cast %parallel_loop3A_460 : i32 to index
      %parallel_loop3A_517 = arith.constant 112 : index
      %parallel_loop3A_518 = tpu.vector_load %arg19[%parallel_loop3A_516, %parallel_loop3A_517] {strides = array<i32>} : memref<100x128xf32, #tpu.memory_space<vmem>>, vector<16xf32>,
      tpu.vector_store %arg19[%parallel_loop3A_516, %parallel_loop3A_517], %parallel_loop3A_515 {strides = array<i32>} : memref<100x128xf32, #tpu.memory_space<vmem>>, vector<16xf32>,
    } {sc.loop_unroll_factor = 4 : i64, sc.parallel_access}
    %run_scoped3A_453 = arith.constant 99 : i32
    "tpu.region"() ({
      %run_scoped3A_460 = tpu.sem_alloc : memref<!tpu.dma_semaphore, #tpu.memory_space<semaphore_mem>>
      %dma_start3A_461 = arith.constant 0 : i32
      %dma_start3A_462 = tpu.memref_slice %arg13[%dma_start3A_461] : memref<112xf32, #tpu.memory_space<vmem>> -> memref<100xf32, #tpu.memory_space<vmem>>
      %dma_start3A_463 = arith.constant 0 : i32
      %dma_start3A_464 = tpu.memref_slice %arg11[%run_scoped3A_453, %dma_start3A_463] : memref<100x100xi32, #tpu.memory_space<vmem>> -> memref<1x100xi32, #tpu.memory_space<vmem>>
      %dma_start3A_465 = tpu.memref_squeeze %dma_start3A_464 : memref<1x100xi32, #tpu.memory_space<vmem>> -> memref<100xi32, #tpu.memory_space<vmem>>
      %dma_start3A_466 = arith.constant 0 : i32
      %dma_start3A_467 = tpu.memref_slice %arg10[%dma_start3A_466] : memref<10240xf32, #tpu.memory_space<vmem_shared>> -> memref<10240xf32, #tpu.memory_space<vmem_shared>>
      tpu.enqueue_indirect_dma source(%dma_start3A_462 : memref<100xf32, #tpu.memory_space<vmem>>) target(%dma_start3A_467 : memref<10240xf32, #tpu.memory_space<vmem_shared>>) offsets(%dma_start3A_465 : memref<100xi32, #tpu.memory_space<vmem>>) semaphore(%run_scoped3A_460 : memref<!tpu.dma_semaphore, #tpu.memory_space<semaphore_mem>>) {add = true}
      %dma_wait3A_468 = arith.constant 0 : i32
      %dma_wait3A_469 = tpu.memref_slice %arg13[%dma_wait3A_468] : memref<112xf32, #tpu.memory_space<vmem>> -> memref<100xf32, #tpu.memory_space<vmem>>
      %dma_wait3A_470 = arith.constant 0 : i32
      %dma_wait3A_471 = tpu.memref_slice %arg11[%run_scoped3A_453, %dma_wait3A_470] : memref<100x100xi32, #tpu.memory_space<vmem>> -> memref<1x100xi32, #tpu.memory_space<vmem>>
      %dma_wait3A_472 = tpu.memref_squeeze %dma_wait3A_471 : memref<1x100xi32, #tpu.memory_space<vmem>> -> memref<100xi32, #tpu.memory_space<vmem>>
      %dma_wait3A_473 = arith.constant 0 : i32
      %dma_wait3A_474 = tpu.memref_slice %arg10[%dma_wait3A_473] : memref<10240xf32, #tpu.memory_space<vmem_shared>> -> memref<10240xf32, #tpu.memory_space<vmem_shared>>
      tpu.wait_indirect_dma semaphore(%run_scoped3A_460 : memref<!tpu.dma_semaphore, #tpu.memory_space<semaphore_mem>>) src(%dma_wait3A_469 : memref<100xf32, #tpu.memory_space<vmem>>) dst(%dma_wait3A_474 : memref<10240xf32, #tpu.memory_space<vmem_shared>>)
      tpu.yield
    }) : () -> ()
    %run_scoped3A_454 = arith.constant 99 : i32
    "tpu.region"() ({
      %run_scoped3A_460 = tpu.sem_alloc : memref<!tpu.dma_semaphore, #tpu.memory_space<semaphore_mem>>
      %dma_start3A_461 = arith.constant 0 : i32
      %dma_start3A_462 = tpu.memref_slice %arg11[%run_scoped3A_454, %dma_start3A_461] : memref<100x100xi32, #tpu.memory_space<vmem>> -> memref<1x100xi32, #tpu.memory_space<vmem>>
      %dma_start3A_463 = tpu.memref_squeeze %dma_start3A_462 : memref<1x100xi32, #tpu.memory_space<vmem>> -> memref<100xi32, #tpu.memory_space<vmem>>
      %dma_start3A_464 = arith.constant 0 : i32
      %dma_start3A_465 = arith.constant 0 : i32
      %dma_start3A_466 = tpu.memref_slice %arg9[%dma_start3A_464, %dma_start3A_465] : memref<10000x128xf32, #tpu.memory_space<vmem_shared>> -> memref<10000x128xf32, #tpu.memory_space<vmem_shared>>
      tpu.enqueue_indirect_dma source(%arg19 : memref<100x128xf32, #tpu.memory_space<vmem>>) target(%dma_start3A_466 : memref<10000x128xf32, #tpu.memory_space<vmem_shared>>) offsets(%dma_start3A_463 : memref<100xi32, #tpu.memory_space<vmem>>) semaphore(%run_scoped3A_460 : memref<!tpu.dma_semaphore, #tpu.memory_space<semaphore_mem>>) {add = true}
      %dma_wait3A_467 = arith.constant 0 : i32
      %dma_wait3A_468 = tpu.memref_slice %arg11[%run_scoped3A_454, %dma_wait3A_467] : memref<100x100xi32, #tpu.memory_space<vmem>> -> memref<1x100xi32, #tpu.memory_space<vmem>>
      %dma_wait3A_469 = tpu.memref_squeeze %dma_wait3A_468 : memref<1x100xi32, #tpu.memory_space<vmem>> -> memref<100xi32, #tpu.memory_space<vmem>>
      %dma_wait3A_470 = arith.constant 0 : i32
      %dma_wait3A_471 = arith.constant 0 : i32
      %dma_wait3A_472 = tpu.memref_slice %arg9[%dma_wait3A_470, %dma_wait3A_471] : memref<10000x128xf32, #tpu.memory_space<vmem_shared>> -> memref<10000x128xf32, #tpu.memory_space<vmem_shared>>
      tpu.wait_indirect_dma semaphore(%run_scoped3A_460 : memref<!tpu.dma_semaphore, #tpu.memory_space<semaphore_mem>>) src(%arg19 : memref<100x128xf32, #tpu.memory_space<vmem>>) dst(%dma_wait3A_472 : memref<10000x128xf32, #tpu.memory_space<vmem_shared>>)
      tpu.yield
    }) : () -> ()
    %barrier3A_455 = arith.constant 0 : index
    tpu.barrier barrier_id(%barrier3A_455)
    "tpu.region"() ({
      %run_scoped3A_460 = tpu.sem_alloc : memref<!tpu.dma_semaphore, #tpu.memory_space<semaphore_mem>>
      %dma_start3A_461 = arith.constant 0 : i32
      %dma_start3A_462 = tpu.memref_slice %arg7[%arg0, %mul3A_87, %dma_start3A_461] : memref<2x10000x128xf32, #tpu.memory_space<hbm>> -> memref<1x625x128xf32, #tpu.memory_space<hbm>>
      %dma_start3A_463 = tpu.memref_squeeze %dma_start3A_462 : memref<1x625x128xf32, #tpu.memory_space<hbm>> -> memref<625x128xf32, #tpu.memory_space<hbm>>
      %dma_start3A_464 = arith.constant 0 : i32
      %dma_start3A_465 = tpu.memref_slice %arg9[%mul3A_87, %dma_start3A_464] : memref<10000x128xf32, #tpu.memory_space<vmem_shared>> -> memref<625x128xf32, #tpu.memory_space<vmem_shared>>
      tpu.enqueue_dma source(%dma_start3A_465 : memref<625x128xf32, #tpu.memory_space<vmem_shared>>) target(%dma_start3A_463 : memref<625x128xf32, #tpu.memory_space<hbm>>) target_semaphore(%run_scoped3A_460 : memref<!tpu.dma_semaphore, #tpu.memory_space<semaphore_mem>>)
      %dma_wait3A_466 = arith.constant 0 : i32
      %dma_wait3A_467 = tpu.memref_slice %arg7[%arg0, %mul3A_87, %dma_wait3A_466] : memref<2x10000x128xf32, #tpu.memory_space<hbm>> -> memref<1x625x128xf32, #tpu.memory_space<hbm>>
      %dma_wait3A_468 = tpu.memref_squeeze %dma_wait3A_467 : memref<1x625x128xf32, #tpu.memory_space<hbm>> -> memref<625x128xf32, #tpu.memory_space<hbm>>
      %dma_wait3A_469 = arith.constant 0 : i32
      %dma_wait3A_470 = tpu.memref_slice %arg9[%mul3A_87, %dma_wait3A_469] : memref<10000x128xf32, #tpu.memory_space<vmem_shared>> -> memref<625x128xf32, #tpu.memory_space<vmem_shared>>
      tpu.wait_dma2 semaphore(%run_scoped3A_460 : memref<!tpu.dma_semaphore, #tpu.memory_space<semaphore_mem>>) src(%dma_wait3A_470 : memref<625x128xf32, #tpu.memory_space<vmem_shared>>) dst(%dma_wait3A_468 : memref<625x128xf32, #tpu.memory_space<hbm>>)
      tpu.yield
    }) : () -> ()
    %mul3A_456 = arith.constant 640 : i32
    %mul3A_457 = arith.muli %arg1, %mul3A_456 : i32
    %mul3A_458 = arith.constant 640 : i32
    %mul3A_459 = arith.muli %arg1, %mul3A_458 : i32
    "tpu.region"() ({
      %run_scoped3A_460 = tpu.sem_alloc : memref<!tpu.dma_semaphore, #tpu.memory_space<semaphore_mem>>
      %dma_start3A_461 = tpu.memref_slice %arg8[%arg0, %mul3A_459] : memref<2x10240xf32, #tpu.memory_space<hbm>> -> memref<1x640xf32, #tpu.memory_space<hbm>>
      %dma_start3A_462 = tpu.memref_squeeze %dma_start3A_461 : memref<1x640xf32, #tpu.memory_space<hbm>> -> memref<640xf32, #tpu.memory_space<hbm>>
      %dma_start3A_463 = tpu.memref_slice %arg10[%mul3A_457] : memref<10240xf32, #tpu.memory_space<vmem_shared>> -> memref<640xf32, #tpu.memory_space<vmem_shared>>
      tpu.enqueue_dma source(%dma_start3A_463 : memref<640xf32, #tpu.memory_space<vmem_shared>>) target(%dma_start3A_462 : memref<640xf32, #tpu.memory_space<hbm>>) target_semaphore(%run_scoped3A_460 : memref<!tpu.dma_semaphore, #tpu.memory_space<semaphore_mem>>)
      %dma_wait3A_464 = tpu.memref_slice %arg8[%arg0, %mul3A_459] : memref<2x10240xf32, #tpu.memory_space<hbm>> -> memref<1x640xf32, #tpu.memory_space<hbm>>
      %dma_wait3A_465 = tpu.memref_squeeze %dma_wait3A_464 : memref<1x640xf32, #tpu.memory_space<hbm>> -> memref<640xf32, #tpu.memory_space<hbm>>
      %dma_wait3A_466 = tpu.memref_slice %arg10[%mul3A_457] : memref<10240xf32, #tpu.memory_space<vmem_shared>> -> memref<640xf32, #tpu.memory_space<vmem_shared>>
      tpu.wait_dma2 semaphore(%run_scoped3A_460 : memref<!tpu.dma_semaphore, #tpu.memory_space<semaphore_mem>>) src(%dma_wait3A_466 : memref<640xf32, #tpu.memory_space<vmem_shared>>) dst(%dma_wait3A_465 : memref<640xf32, #tpu.memory_space<hbm>>)
      tpu.yield
    }) : () -> ()
    return
  }
}

module attributes {stable_mosaic.version = 14 : i64} {
  func.func @_prep_body(%arg0: memref<10000x128xf32, #tpu.memory_space<vmem>>, %arg1: memref<128x128xf32, #tpu.memory_space<vmem>>, %arg2: memref<1x256xf32, #tpu.memory_space<vmem>>, %arg3: memref<10000x128xf32, #tpu.memory_space<vmem>>, %arg4: memref<10000xf32, #tpu.memory_space<vmem>>, %arg5: memref<10000xf32, #tpu.memory_space<vmem>>) attributes {dimension_semantics = [], scalar_prefetch = 0 : i64, scratch_operands = 0 : i64, tpu.core_type = #tpu.core_type<tc>} {
    %get3A = arith.constant 0 : index
    %get3A_0 = arith.constant 0 : index
    %get3A_1 = vector.load %arg0[%get3A, %get3A_0] : memref<10000x128xf32, #tpu.memory_space<vmem>>, vector<10000x128xf32>
    %get3A_2 = arith.constant 0 : index
    %get3A_3 = arith.constant 0 : index
    %get3A_4 = vector.load %arg1[%get3A_2, %get3A_3] : memref<128x128xf32, #tpu.memory_space<vmem>>, vector<128x128xf32>
    %dot_general3A = arith.constant dense<0.000000e+00> : vector<10000x128xf32>
    %dot_general3A_5 = tpu.matmul %get3A_1, %get3A_4, %dot_general3A {dimension_numbers = #tpu.dot_dimension_numbers<[1], [0], [0], [1], [0, 0, 1, 1], [], []>, transpose_lhs_hint = false} : vector<10000x128xf32>, vector<128x128xf32>, vector<10000x128xf32> -> vector<10000x128xf32>
    %swap3A = arith.constant 0 : index
    %swap3A_6 = arith.constant 0 : index
    %swap3A_7 = vector.load %arg3[%swap3A, %swap3A_6] : memref<10000x128xf32, #tpu.memory_space<vmem>>, vector<10000x128xf32>
    tpu.vector_store %arg3[%swap3A, %swap3A_6], %dot_general3A_5 {strides = array<i32>} : memref<10000x128xf32, #tpu.memory_space<vmem>>, vector<10000x128xf32>,
    %get3A_8 = arith.constant 0 : index
    %get3A_9 = arith.constant 0 : index
    %get3A_10 = vector.load %arg2[%get3A_8, %get3A_9] : memref<1x256xf32, #tpu.memory_space<vmem>>, vector<1x128xf32>
    %get3A_11 = vector.shape_cast %get3A_10 : vector<1x128xf32> to vector<128xf32>
    %dot_general3A_12 = arith.constant dense<0.000000e+00> : vector<10000xf32>
    %dot_general3A_13 = tpu.matmul %dot_general3A_5, %get3A_11, %dot_general3A_12 {dimension_numbers = #tpu.dot_dimension_numbers<[1], [0], [0], [], [0, 0], [], []>, transpose_lhs_hint = false} : vector<10000x128xf32>, vector<128xf32>, vector<10000xf32> -> vector<10000xf32>
    %swap3A_14 = arith.constant 0 : index
    %swap3A_15 = vector.load %arg4[%swap3A_14] : memref<10000xf32, #tpu.memory_space<vmem>>, vector<10000xf32>
    tpu.vector_store %arg4[%swap3A_14], %dot_general3A_13 {strides = array<i32>} : memref<10000xf32, #tpu.memory_space<vmem>>, vector<10000xf32>,
    %get3A_16 = arith.constant 0 : index
    %get3A_17 = arith.constant 128 : index
    %get3A_18 = vector.load %arg2[%get3A_16, %get3A_17] : memref<1x256xf32, #tpu.memory_space<vmem>>, vector<1x128xf32>
    %get3A_19 = vector.shape_cast %get3A_18 : vector<1x128xf32> to vector<128xf32>
    %dot_general3A_20 = arith.constant dense<0.000000e+00> : vector<10000xf32>
    %dot_general3A_21 = tpu.matmul %dot_general3A_5, %get3A_19, %dot_general3A_20 {dimension_numbers = #tpu.dot_dimension_numbers<[1], [0], [0], [], [0, 0], [], []>, transpose_lhs_hint = false} : vector<10000x128xf32>, vector<128xf32>, vector<10000xf32> -> vector<10000xf32>
    %swap3A_22 = arith.constant 0 : index
    %swap3A_23 = vector.load %arg5[%swap3A_22] : memref<10000xf32, #tpu.memory_space<vmem>>, vector<10000xf32>
    tpu.vector_store %arg5[%swap3A_22], %dot_general3A_21 {strides = array<i32>} : memref<10000xf32, #tpu.memory_space<vmem>>, vector<10000xf32>,
    return
  }
}

module attributes {stable_mosaic.version = 14 : i64} {
  func.func @_fin_body(%arg0: memref<2x10000x128xf32, #tpu.memory_space<vmem>>, %arg1: memref<2x10240xf32, #tpu.memory_space<vmem>>, %arg2: memref<10000x128xf32, #tpu.memory_space<vmem>>) attributes {dimension_semantics = [], scalar_prefetch = 0 : i64, scratch_operands = 0 : i64, tpu.core_type = #tpu.core_type<tc>} {
    %get3A = arith.constant 0 : index
    %get3A_0 = arith.constant 0 : index
    %get3A_1 = arith.constant 0 : index
    %get3A_2 = vector.load %arg0[%get3A, %get3A_0, %get3A_1] : memref<2x10000x128xf32, #tpu.memory_space<vmem>>, vector<1x10000x128xf32>
    %get3A_3 = vector.shape_cast %get3A_2 : vector<1x10000x128xf32> to vector<10000x128xf32>
    %get3A_4 = arith.constant 1 : index
    %get3A_5 = arith.constant 0 : index
    %get3A_6 = arith.constant 0 : index
    %get3A_7 = vector.load %arg0[%get3A_4, %get3A_5, %get3A_6] : memref<2x10000x128xf32, #tpu.memory_space<vmem>>, vector<1x10000x128xf32>
    %get3A_8 = vector.shape_cast %get3A_7 : vector<1x10000x128xf32> to vector<10000x128xf32>
    %add3A = arith.addf %get3A_3, %get3A_8 : vector<10000x128xf32>
    %get3A_9 = arith.constant 0 : index
    %get3A_10 = arith.constant 0 : index
    %get3A_11 = vector.load %arg1[%get3A_9, %get3A_10] : memref<2x10240xf32, #tpu.memory_space<vmem>>, vector<1x10000xf32>
    %get3A_12 = vector.shape_cast %get3A_11 : vector<1x10000xf32> to vector<10000xf32>
    %get3A_13 = arith.constant 1 : index
    %get3A_14 = arith.constant 0 : index
    %get3A_15 = vector.load %arg1[%get3A_13, %get3A_14] : memref<2x10240xf32, #tpu.memory_space<vmem>>, vector<1x10000xf32>
    %get3A_16 = vector.shape_cast %get3A_15 : vector<1x10000xf32> to vector<10000xf32>
    %add3A_17 = arith.addf %get3A_12, %get3A_16 : vector<10000xf32>
    %reshape3A = vector.shape_cast %add3A_17 : vector<10000xf32> to vector<10000x1xf32>
    %div3A = vector.broadcast %reshape3A : vector<10000x1xf32> to vector<10000x128xf32>
    %div3A_18 = arith.divf %add3A, %div3A : vector<10000x128xf32>
    %gt3A = arith.constant 0.000000e+00 : f32
    %gt3A_19 = vector.broadcast %gt3A : f32 to vector<10000x128xf32>
    %gt3A_20 = arith.cmpf ogt, %div3A_18, %gt3A_19 : vector<10000x128xf32>
    %exp3A = math.exp %div3A_18 : vector<10000x128xf32>
    %sub3A = arith.constant 1.000000e+00 : f32
    %sub3A_21 = vector.broadcast %sub3A : f32 to vector<10000x128xf32>
    %sub3A_22 = arith.subf %exp3A, %sub3A_21 : vector<10000x128xf32>
    %select_n3A = arith.select %gt3A_20, %div3A_18, %sub3A_22 : vector<10000x128xi1>, vector<10000x128xf32>
    %swap3A = arith.constant 0 : index
    %swap3A_23 = arith.constant 0 : index
    %swap3A_24 = vector.load %arg2[%swap3A, %swap3A_23] : memref<10000x128xf32, #tpu.memory_space<vmem>>, vector<10000x128xf32>
    tpu.vector_store %arg2[%swap3A, %swap3A_23], %select_n3A {strides = array<i32>} : memref<10000x128xf32, #tpu.memory_space<vmem>>, vector<10000x128xf32>,
    return
  }
}

</mosaic_0001>

<sc_bundles>
// kernel: kernel.5.cloned.1.call-start
scs
__scs_entry_jumppad:
0x0: {  	(pc) =	sbr.rel $0x88, $3  }
0x1: {  	(tag) =	ssettag $0x0;
	lr =	simm.s32 $0x1  }
0x2: {  	[smem:$0x3F9D] =	sst lr;
	_ =	strace $0xD0000000  }
0x3: {  	_ = 	snop  }
0x4: {  	_ = 	snop  }
0x5: {  	_ = 	snop  }
0x6: {  	_ = 	snop  }
0x7: {  	_ = 	snop  }
__scs_overlays_trampoline_lowered:
0x8: {  	[smem:$0x3FAC] =	sst s0  }
0x9: {  	[smem:$0x3FAD] =	sst s1  }
0xa: {  	[smem:$0x3FAE] =	sst s2  }
0xb: {  	[smem:$0x3FAF] =	sst s3  }
0xc: {  	[smem:$0x3FB0] =	sst s4  }
0xd: {  	[smem:$0x3FB1] =	sst s5  }
0xe: {  	[smem:$0x3FB2] =	sst s6  }
0xf: {  	[smem:$0x3FB3] =	sst s7  }
0x10: {  	[smem:$0x3FB4] =	sst s8  }
0x11: {  	[smem:$0x3FB5] =	sst s9;
	s0 =	simm.s32 @!p0 $0x0  }
0x12: {  	s1 =	sld [smem:$0x3F9B];
	s0 =	simm.s32 @p0 $0x1  }
0x13: {  	[smem:$0x3FB6] =	sst s0;
	s0 =	simm.s32 @!p1 $0x0  }
0x14: {  	s2 =	sld [smem:$0x3F9A];
	s0 =	simm.s32 @p1 $0x1  }
0x15: {  	[smem:$0x3FB7] =	sst s0;
	s0 =	simm.s32 @!p2 $0x0  }
0x16: {  	s3 =	sld [smem:$0x3FDB];
	s0 =	simm.s32 @p2 $0x1  }
0x17: {  	s4 =	simm.s32 $0x1BF5;
	[smem:$0x3FB9] =	sst s0  }
0x18: {  	s0 =	sld [smem:$0x3F9C];
	_ =	swait.ge [sflag:s4], $0x0  }
0x19: {  	s7 =	sld [smem:$0x3F9D]  }
0x1a: {  	s8 =	sadd.s32 $0xFFFFE003, lr  }
0x1b: {  	s9 =	sadd.s32 $0xFFFFFEF7, lr;
	s5 =	simm.s32 $0xFFFFFFFF;
	p2 =	slt.u32 s8, $0xFFFFF086  }
0x1c: {  	p1 =	slt.u32 s9, $0xF7A;
	s5 =	simm.s32 @!p2 $0x0  }
0x1d: {  	s5 =	simm.s32 @p1 $0x1;
	p0 =	seq.s32 s7, s2  }
0x1e: {  	s7 =	smul.u32 @!p0 $0xF7A, s2;
	p2 =	seq.s32 @!p0 s5, $0x0  }
0x1f: {  	s9 =	smul.u32 $0xF7A, s1;
	s8 =	simm.s32 @!p0 $0x1BF5;
	p2 =	por !p2, p0  }
0x20: {  	[sflag:s8] =	ssyncset.s32 @!p0 $0xFFFFF086;
	s6 =	sadd.s32 @!p0 s3, s7;
	s7 =	simm.s32 @!p0 $0x108  }
0x21: {  	s3 =	sadd.s32 s3, s9;
	s6 =	sadd.s32 @!p0 $0x88, s6;
	s7 =	simm.s32 @p2 $0x1082  }
0x22: {  	[simem:s7], [sflag:s8] =	dma.local @!p0 [hbm:s6], $0xF7A  }
0x23: {  	s9 =	sor.u32 $0xD0000000, s2;
	s6 =	simm.s32 $0x108;
	_ =	swait.ge @!p0 [sflag:s8], $0x0  }
0x24: {  	s3 =	sadd.s32 $0x88, s3;
	s6 =	simm.s32 @!p1 $0x1082;
	[sflag:s4] =	ssyncset.s32 $0xFFFFF086  }
0x25: {  	[simem:s6], [sflag:s4] =	dma.local [hbm:s3], $0xF7A  }
0x26: {  	[smem:$0x3F9D] =	sst s1;
	(tag) =	ssettag s2;
	_ =	strace s9  }
0x27: {  	s1 =	sld [smem:$0x3FAD]  }
0x28: {  	s2 =	sld [smem:$0x3FAE]  }
0x29: {  	s4 =	sld [smem:$0x3FB0]  }
0x2a: {  	p0 =	seq.s32 s5, $0x0;
	s5 =	sld [smem:$0x3FB1]  }
0x2b: {  	s6 =	sld [smem:$0x3FB2]  }
0x2c: {  	s7 =	sld [smem:$0x3FB3]  }
0x2d: {  	s3 =	simm.s32 $0x108;
	s8 =	sld [smem:$0x3FB4]  }
0x2e: {  	s3 =	simm.s32 @!p0 $0x1082;
	s9 =	sld [smem:$0x3FB5]  }
0x2f: {  	lr =	sadd.s32 s0, s3;
	s0 =	sld [smem:$0x3FAC]  }
0x30: {  	s3 =	sld [smem:$0x3FAF]  }
0x31: {  	[smem:$0x3FB8] =	sst s10  }
0x32: {  	s10 =	sld [smem:$0x3FB6];
	_ =	sdelay $0x3  }
0x33: {  	p0 =	seq.s32 s10, $0x1;
	s10 =	sld [smem:$0x3FB8];
	_ =	sdelay $0x3  }
0x34: {  	[smem:$0x3FB8] =	sst s10  }
0x35: {  	s10 =	sld [smem:$0x3FB7];
	_ =	sdelay $0x3  }
0x36: {  	p1 =	seq.s32 s10, $0x1;
	s10 =	sld [smem:$0x3FB8];
	_ =	sdelay $0x3  }
0x37: {  	[smem:$0x3FB8] =	sst s10  }
0x38: {  	s10 =	sld [smem:$0x3FB9]  }
0x39: {  	_ = 	snop;
	(pc) =	sbr.ind lr, $3  }
0x3a: {  	_ = 	snop  }
0x3b: {  	_ = 	snop  }
0x3c: {  	p2 =	seq.s32 s10, $0x1;
	s10 =	sld [smem:$0x3FB8]  }
0x3d: {  	_ =	shalt  }
0x3e: {  	_ =	shalt  }
0x3f: {  	_ =	shalt  }
0x40: {  	_ =	shalt  }
0x41: {  	_ =	shalt  }
0x42: {  	_ =	shalt  }
0x43: {  	_ =	shalt  }
0x44: {  	_ =	shalt  }
0x45: {  	_ =	shalt  }
0x46: {  	_ =	shalt  }
0x47: {  	_ =	shalt  }
0x48: {  	_ =	shalt  }
0x49: {  	_ =	shalt  }
0x4a: {  	_ =	shalt  }
0x4b: {  	_ =	shalt  }
0x4c: {  	_ =	shalt  }
0x4d: {  	_ =	shalt  }
0x4e: {  	_ =	shalt  }
0x4f: {  	_ =	shalt  }
0x50: {  	_ =	shalt  }
0x51: {  	_ =	shalt  }
0x52: {  	_ =	shalt  }
0x53: {  	_ =	shalt  }
0x54: {  	_ =	shalt  }
0x55: {  	_ =	shalt  }
0x56: {  	_ =	shalt  }
0x57: {  	_ =	shalt  }
0x58: {  	_ =	shalt  }
0x59: {  	_ =	shalt  }
0x5a: {  	_ =	shalt  }
0x5b: {  	_ =	shalt  }
0x5c: {  	_ =	shalt  }
0x5d: {  	_ =	shalt  }
0x5e: {  	_ =	shalt  }
0x5f: {  	_ =	shalt  }
0x60: {  	_ =	shalt  }
0x61: {  	_ =	shalt  }
0x62: {  	_ =	shalt  }
0x63: {  	_ =	shalt  }
0x64: {  	_ =	shalt  }
0x65: {  	_ =	shalt  }
0x66: {  	_ =	shalt  }
0x67: {  	_ =	shalt  }
0x68: {  	_ =	shalt  }
0x69: {  	_ =	shalt  }
0x6a: {  	_ =	shalt  }
0x6b: {  	_ =	shalt  }
0x6c: {  	_ =	shalt  }
0x6d: {  	_ =	shalt  }
0x6e: {  	_ =	shalt  }
0x6f: {  	_ =	shalt  }
0x70: {  	_ =	shalt  }
0x71: {  	_ =	shalt  }
0x72: {  	_ =	shalt  }
0x73: {  	_ =	shalt  }
0x74: {  	_ =	shalt  }
0x75: {  	_ =	shalt  }
0x76: {  	_ =	shalt  }
0x77: {  	_ =	shalt  }
0x78: {  	_ =	shalt  }
0x79: {  	_ =	shalt  }
0x7a: {  	_ =	shalt  }
0x7b: {  	_ =	shalt  }
0x7c: {  	_ =	shalt  }
0x7d: {  	_ =	shalt  }
0x7e: {  	_ =	shalt  }
0x7f: {  	_ =	shalt  }
0x80: {  	_ =	shalt  }
0x81: {  	_ =	shalt  }
0x82: {  	_ =	shalt  }
0x83: {  	_ =	shalt  }
0x84: {  	_ =	shalt  }
0x85: {  	_ =	shalt  }
0x86: {  	_ =	shalt  }
0x87: {  	_ =	shalt  }
.Lfunc_end0:
.L_simem_size_0:
called_computation_lowered:
.L_overlay_start_0:
0x88: {  	s2 =	sld [smem:$0x3FD9]  }
0x89: {  	s3 =	sld [smem:$0x3FFE];
	_ =	sdelay $0x1  }
0x8a: {  	s1 =	srdreg.scid  }
0x8b: {  	s0 =	sand.u32 $0x1, s1  }
0x8c: {  	s17 =	sshll.u32 s0, $0xA;
	s2 =	sadd.s32 s3, s2  }
0x8d: {  	s2 =	sadd.s32 s2, s17  }
0x8e: {  	[smem:$0x3FC4] =	sst s2  }
0x8f: {  	_ = 	snop  }
0x90: {  	s2 =	sld [smem:$0x3FD0];
	(tm) =	ssettm $0x1  }
0x91: {  	s18 =	sld [smem:$0x3FFB];
	_ =	sdelay $0x3  }
0x92: {  	_ =	strace s18  }
0x93: {  	s3 =	sld [smem:$0x3FFC];
	_ =	sdelay $0x3  }
0x94: {  	_ =	strace s3  }
0x95: {  	s3 =	sld [smem:$0x3FFD];
	_ =	sdelay $0x3  }
0x96: {  	_ =	strace s3  }
0x97: {  	_ =	strace $0x8FFFFFFF  }
0x98: {  	s19 =	sld [smem:$0x3FDB];
	_ =	sdelay $0x1  }
0x99: {  	s4 =	simm.s32 $_scs_section_size  }
0x9a: {  	s5 =	simm.s32 $_size__tile_overlayer_lowered;
	s6 =	simm.s32 $_tile_overlayer_lowered  }
0x9b: {  	s22 =	simm.s32 $0x1BFF;
	s21 =	sshll.u32 s6, $0x1;
	s3 =	sadd.s32 s4, s19  }
0x9c: {  	s7 =	simm.s32 $0x0;
	s20 =	sshll.u32 s5, $0x1;
	s5 =	sadd.s32 s21, s3  }
0x9d: {  	[timem:s7], [sflag:s22] =	dma.local [hbm:s5], s20  }
0x9e: {  	_ =	swait.ge [sflag:s22], s20  }
0x9f: {  	s4 =	ssub.s32 $0x0, s20;
	[sflag:s22] =	ssyncset.done $0x0  }
0xa0: {  	[sflag:s22] =	ssyncadd.s32 s4;
	_ =	sdelay $0x1  }
0xa1: {  	s23 =	simm.s32 $0x1B8B  }
0xa2: {  	_ =	swait.ge [sflag:s23], $0x1  }
0xa3: {  	[sflag:s23] =	ssyncset.done $0x0  }
0xa4: {  	s25 =	simm.s32 $0x1B8E;
	s24 =	sld [smem:$0x3FFE];
	[sflag:s23] =	ssyncadd.s32 $0xFFFFFFFF  }
0xa5: {  	s26 =	simm.s32 $execute0_lowered;
	[smem:$0x3FD2] =	sst s25  }
0xa6: {  	s5 =	sshll.u32 s26, $0x1;
	_ =	strace $0x80000046;
	[dreg:$0x1] =	wrdreg $0xFFFFFFFF  }
0xa7: {  	s28 =	simm.s32 $_size_execute0_lowered;
	s3 =	sadd.s32 s3, s5;
	[dreg:$0x0] =	wrdreg $0x0  }
0xa8: {  	s5 =	sshll.u32 s28, $0x1;
	[dreg:$0x2] =	wrdreg s3  }
0xa9: {  	[dreg:$0x3] =	wrdreg s5  }
0xaa: {  	[dreg:$0x4] =	wrdreg $0xC0  }
0xab: {  	_ =	task [dreg:s7], $0x5FFFF  }
0xac: {  	[dreg:$0x1] =	wrdreg $0xFFFFFFFF  }
0xad: {  	[dreg:$0x0] =	wrdreg $0x60  }
0xae: {  	[dreg:$0x2] =	wrdreg s2  }
0xaf: {  	[dreg:$0x3] =	wrdreg s24  }
0xb0: {  	[dreg:$0x4] =	wrdreg $0x0  }
0xb1: {  	[dreg:$0x5] =	wrdreg $0x138800  }
0xb2: {  	[dreg:$0x6] =	wrdreg $0x9  }
0xb3: {  	_ =	task.clear_ibuf [dreg:s7], $0x7FFFF;
	_ =	strace $0x90000046  }
0xb4: {  	s29 =	simm.s32 $0x9;
	_ =	strace $0x80000048  }
0xb5: {  	_ =	swait.ge [sflag:s29], $0x1  }
0xb6: {  	[sflag:s29] =	ssyncadd.s32 $0xFFFFFFFF  }
0xb7: {  	_ =	strace $0x90000048  }
0xb8: {  	_ =	sfence  }
0xb9: {  	s30 =	sld [smem:$0x0];
	_ =	sdelay $0x2  }
0xba: {  	s31 =	sshll.u32 s1, $0xD;
	s1 =	sshrl.u32 s1, $0x2  }
0xbb: {  	s3 =	sand.u32 $0x4000, s31;
	s1 =	sadd.s32 s1, s30  }
0xbc: {  	s0 =	sor.u32 s3, s0;
	s1 =	sshll.u32 s1, $0x11  }
0xbd: {  	s0 =	sor.u32 s1, s0  }
0xbe: {  	s0 =	sadd.s32 $0x8F2B, s0  }
0xbf: {  	[sflag:s0] =	ssyncadd.remote.s32 $0x1  }
0xc0: {  	_ =	sfence.sel $0xFFFF  }
0xc1: {  	[dreg:$0x0] =	wrdreg $0xFFFFFFFF;
	(pc) =	sbr.abs _section_cstart, $3  }
0xc2: {  	[dreg:$0x1] =	wrdreg $0xFFFFFFFF  }
0xc3: {  	_ =	task.clear_ibuf [dreg:s7], $0x2FFFF;
	_ =	strace $0x9FFFFFFF  }
0xc4: {  	(tm) =	ssettm $0x7FFFFFFF  }
0xc5: {  	_ =	shalt  }
tec
execute0_lowered:
.L_overlay_start_1:
0x0: {  	(tag) =	ssettag $0x1  }
0x1: {  	s1 =	rddreg [dreg:$0x0]  }
0x2: {  	s8 =	rddreg [dreg:$0x1]  }
0x3: {  	s0 =	srdreg.scid;
	s3 =	rddreg [dreg:$0x2]  }
0x4: {  	s13 =	stileid.u32;
	s4 =	rddreg [dreg:$0x3]  }
0x5: {  	s5 =	simm.s32 $0x0;
	s28 =	simm.s32 $0x18CB0;
	s29 =	simm.s32 $0x18D90  }
0x6: {  	s30 =	simm.s32 $0x1C070;
	s31 =	simm.s32 $0x18D20;
	s9 =	smul.u32 $0x13880, s13  }
0x7: {  	s0 =	sand.u32 $0x1, s0;
	[smem:$0x7FF] =	sst s5;
	s11 =	smul.u32 $0x280, s13  }
0x8: {  	s6 =	sadd.s32 $0x15E00, s8;
	s7 =	sadd.s32 $0x16400, s8;
	s10 =	smul.u32 $0x138800, s0  }
0x9: {  	s2 =	sshll.u32 s0, $0x4;
	_ =	strace $0x80000047;
	s12 =	smul.u32 $0x2800, s0  }
0xa: {  	s0 =	ssub.s32 $0x2, s0;
	s2 =	sor.u32 s13, s2;
	s13 =	smul.u32 $0x4E200, s13  }
0xb: {  	s15 =	sshrl.u32 s0, $0x1;
	s17 =	sadd.s32 s9, s3;
	s2 =	smul.u32 $0x514, s2  }
0xc: {  	s10 =	sadd.s32 s9, s10;
	s0 =	ssub.s32 s0, s15;
	s13 =	sshrl.u32 s13, $0x2  }
0xd: {  	[dreg:$0xb] =	wrdreg s17;
	s0 =	smax.u32 s0, $0x1;
	s16 =	sadd.s32 s13, s3  }
0xe: {  	s12 =	sadd.s32 s11, s12;
	[dreg:$0x10] =	wrdreg s0;
	s18 =	sadd.s32 $0x3200, s16  }
0xf: {  	s9 =	simm.s32 $0x18C40;
	s19 =	sadd.s32 $0x6400, s16;
	[dreg:$0x5] =	wrdreg s18  }
0x10: {  	s10 =	sshrl.u32 s10, $0x3;
	s20 =	sadd.s32 $0x9600, s16;
	[dreg:$0x6] =	wrdreg s19  }
0x11: {  	s12 =	sshrl.u32 s12, $0x3;
	s21 =	sadd.s32 $0xC800, s16;
	[dreg:$0x7] =	wrdreg s20  }
0x12: {  	s2 =	sadd.s32 s2, s8;
	s22 =	sadd.s32 $0xFA00, s16;
	[dreg:$0x8] =	wrdreg s21  }
0x13: {  	s10 =	sadd.s32 s10, s8;
	s23 =	sadd.s32 $0x12C00, s16;
	[dreg:$0x9] =	wrdreg s22  }
0x14: {  	s12 =	sadd.s32 s12, s8;
	s24 =	sadd.s32 $0xBA00, s2;
	[dreg:$0xa] =	wrdreg s23  }
0x15: {  	s0 =	simm.s32 $0x5;
	s2 =	sadd.s32 $0x1600, s2;
	[dreg:$0xc] =	wrdreg s24  }
0x16: {  	s25 =	sadd.s32 $0x17400, s10;
	s26 =	sadd.s32 $0x16A00, s12;
	[dreg:$0xd] =	wrdreg s2  }
0x17: {  	s10 =	simm.s32 $0x4;
	s12 =	simm.s32 $0x2;
	[dreg:$0xe] =	wrdreg s25  }
0x18: {  	s18 =	sadd.s32 s11, s4;
	[dreg:$0xf] =	wrdreg s26;
	s21 =	simm.s32 $0x18E70  }
0x19: {  	s22 =	simm.s32 $0x7;
	s26 =	simm.s32 $0x64;
	s2 =	simm.s32 $0x18E00  }
0x1a: {  	v0 =	vimm.f32 $0.0e+00;
	s23 =	simm.s32 $0x3;
	s24 =	simm.s32 $0x1;
	s11 =	simm.s32 $0x6  }
.LBB2_1:
0x1b: {  	s14 =	simm.s32 $0x0;
	s16 =	simm.s32 $0x200  }
.LBB2_2:
0x1c: {  	p0 =	sne.s32 s16, $0xC600;
	[tilespmem:s14+$0x18EE0] =	vst v0  }
0x1d: {  	[tilespmem:s14+$0x18E70] =	vst v0  }
0x1e: {  	[tilespmem:s14+$0x18E80] =	vst v0  }
.Ltmp0:
0x1f: {  	[tilespmem:s14+$0x18E90] =	vst v0;
	(pc) =	sbr.rel @p0 .LBB2_2-.Ltmp0, $4  }
0x20: {  	[tilespmem:s14+$0x18EA0] =	vst v0  }
0x21: {  	[tilespmem:s14+$0x18EB0] =	vst v0  }
0x22: {  	[tilespmem:s14+$0x18EC0] =	vst v0  }
0x23: {  	[tilespmem:s14+$0x18ED0] =	vst v0;
	s14 =	sshra.s32 s16, $0x2;
	s16 =	sadd.s32 $0x200, s16  }
0x24: {  	[tilespmem:s14+$0x18EE0] =	vst v0  }
0x25: {  	[tilespmem:s14+$0x18E70] =	vst v0  }
0x26: {  	[tilespmem:s14+$0x18E80] =	vst v0  }
0x27: {  	[tilespmem:s14+$0x18E90] =	vst v0  }
0x28: {  	[tilespmem:s14+$0x18EA0] =	vst v0  }
0x29: {  	[tilespmem:s14+$0x18EB0] =	vst v0  }
0x2a: {  	[tilespmem:s14+$0x18EC0] =	vst v0  }
0x2b: {  	[tilespmem:s14+$0x18ED0] =	vst v0  }
0x2c: {  	[tilespmem:$0x1F270] =	vst v0  }
0x2d: {  	[tilespmem:$0x1F280] =	vst v0  }
0x2e: {  	[tilespmem:$0x1F290] =	vst v0  }
0x2f: {  	[tilespmem:$0x1F2A0] =	vst v0  }
0x30: {  	[tilespmem:$0x1F2B0] =	vst v0  }
0x31: {  	[tilespmem:$0x1F2C0] =	vst v0  }
0x32: {  	[tilespmem:$0x1F2D0] =	vst v0  }
0x33: {  	[tilespmem:$0x1F2E0] =	vst v0  }
0x34: {  	[tilespmem:$0x1F2F0] =	vst v0  }
0x35: {  	[tilespmem:$0x1F300] =	vst v0  }
0x36: {  	[tilespmem:$0x1F310] =	vst v0  }
0x37: {  	[tilespmem:$0x1F320] =	vst v0  }
0x38: {  	[tilespmem:$0x1F330] =	vst v0  }
0x39: {  	[tilespmem:$0x1F340] =	vst v0  }
0x3a: {  	[tilespmem:$0x1F350] =	vst v0  }
0x3b: {  	[tilespmem:$0x1F360] =	vst v0  }
0x3c: {  	[tilespmem:$0x1F370] =	vst v0  }
0x3d: {  	[tilespmem:$0x1F380] =	vst v0  }
0x3e: {  	[tilespmem:$0x1F390] =	vst v0  }
0x3f: {  	[tilespmem:$0x1F3A0] =	vst v0  }
0x40: {  	[tilespmem:$0x1F3B0] =	vst v0  }
0x41: {  	[tilespmem:$0x1F3C0] =	vst v0  }
0x42: {  	[tilespmem:$0x1F3D0] =	vst v0  }
0x43: {  	[tilespmem:$0x1F3E0] =	vst v0  }
0x44: {  	[tilespmem:$0x1F3F0] =	vst v0  }
0x45: {  	[tilespmem:$0x1F400] =	vst v0  }
0x46: {  	[tilespmem:$0x1F410] =	vst v0  }
0x47: {  	[tilespmem:$0x1F420] =	vst v0  }
0x48: {  	[tilespmem:$0x1F430] =	vst v0  }
0x49: {  	[tilespmem:$0x1F440] =	vst v0  }
0x4a: {  	[tilespmem:$0x1F450] =	vst v0  }
0x4b: {  	[tilespmem:$0x1F460] =	vst v0  }
0x4c: {  	[tilespmem:$0x1F470] =	vst v0  }
0x4d: {  	[tilespmem:$0x1F480] =	vst v0  }
0x4e: {  	[tilespmem:$0x1F490] =	vst v0  }
0x4f: {  	[tilespmem:$0x1F4A0] =	vst v0  }
0x50: {  	[tilespmem:$0x1F4B0] =	vst v0  }
0x51: {  	[tilespmem:$0x1F4C0] =	vst v0  }
0x52: {  	[tilespmem:$0x1F4D0] =	vst v0  }
0x53: {  	[tilespmem:$0x1F4E0] =	vst v0  }
0x54: {  	[spmem:s17] =	stream.linear.scatter [tilespmem:s21], [sflag:$0x7], $0x3200, $0x38;
	[tilespmem:$0x1F4F0] =	vst v63  }
0x55: {  	_ =	swait.ge [sflag:s22], $0x3200  }
0x56: {  	[sflag:s22] =	ssyncset.done $0x0  }
0x57: {  	s8 =	rddreg [dreg:$0x5];
	[sflag:s22] =	ssyncadd.s32 $0xFFFFCE00  }
0x58: {  	[spmem:s8] =	stream.linear.scatter [tilespmem:s21], [sflag:$0x7], $0x3200, $0x38;
	[tilespmem:$0x1F4F0] =	vst v63  }
0x59: {  	_ =	swait.ge [sflag:s22], $0x3200  }
0x5a: {  	[sflag:s22] =	ssyncset.done $0x0  }
0x5b: {  	s13 =	rddreg [dreg:$0x6];
	[sflag:s22] =	ssyncadd.s32 $0xFFFFCE00  }
0x5c: {  	[spmem:s13] =	stream.linear.scatter [tilespmem:s21], [sflag:$0x7], $0x3200, $0x38;
	[tilespmem:$0x1F4F0] =	vst v63  }
0x5d: {  	_ =	swait.ge [sflag:s22], $0x3200  }
0x5e: {  	[sflag:s22] =	ssyncset.done $0x0  }
0x5f: {  	s14 =	rddreg [dreg:$0x7];
	[sflag:s22] =	ssyncadd.s32 $0xFFFFCE00  }
0x60: {  	[spmem:s14] =	stream.linear.scatter [tilespmem:s21], [sflag:$0x7], $0x3200, $0x38;
	[tilespmem:$0x1F4F0] =	vst v63  }
0x61: {  	_ =	swait.ge [sflag:s22], $0x3200  }
0x62: {  	[sflag:s22] =	ssyncset.done $0x0  }
0x63: {  	s15 =	rddreg [dreg:$0x8];
	[sflag:s22] =	ssyncadd.s32 $0xFFFFCE00  }
0x64: {  	[spmem:s15] =	stream.linear.scatter [tilespmem:s21], [sflag:$0x7], $0x3200, $0x38;
	[tilespmem:$0x1F4F0] =	vst v63  }
0x65: {  	_ =	swait.ge [sflag:s22], $0x3200  }
0x66: {  	[sflag:s22] =	ssyncset.done $0x0  }
0x67: {  	s16 =	rddreg [dreg:$0x9];
	[sflag:s22] =	ssyncadd.s32 $0xFFFFCE00  }
0x68: {  	[spmem:s16] =	stream.linear.scatter [tilespmem:s21], [sflag:$0x7], $0x3200, $0x38;
	[tilespmem:$0x1F4F0] =	vst v63  }
0x69: {  	_ =	swait.ge [sflag:s22], $0x3200  }
0x6a: {  	[sflag:s22] =	ssyncset.done $0x0  }
0x6b: {  	s17 =	rddreg [dreg:$0xa];
	[sflag:s22] =	ssyncadd.s32 $0xFFFFCE00  }
0x6c: {  	[spmem:s17] =	stream.linear.scatter [tilespmem:s21], [sflag:$0x7], $0xC80, $0x38;
	[tilespmem:$0x1F4F0] =	vst v63  }
0x6d: {  	_ =	swait.ge [sflag:s22], $0xC80  }
0x6e: {  	[sflag:s22] =	ssyncset.done $0x0  }
0x6f: {  	s19 =	simm.s32 $0x1F270;
	[sflag:s22] =	ssyncadd.s32 $0xFFFFF380  }
0x70: {  	[spmem:s18] =	stream.linear.scatter [tilespmem:s19], [sflag:$0x7], $0x280, $0x38;
	[tilespmem:$0x1F4F0] =	vst v63  }
0x71: {  	_ =	swait.ge [sflag:s22], $0x280  }
0x72: {  	s13 =	simm.s32 $0x13B00;
	[sflag:s22] =	ssyncset.done $0x0  }
0x73: {  	s14 =	simm.s32 $0x0;
	s20 =	rddreg [dreg:$0xc];
	[sflag:s22] =	ssyncadd.s32 $0xFFFFFD80  }
0x74: {  	[tilespmem:s13], [sflag:$0x7] =	stream.linear.gather [hbm4b:s20+s14], $0x28A0, $0x38;
	[tilespmem:$0x1F4F0] =	vst v63  }
0x75: {  	_ =	swait.ge [sflag:s22], $0x28A0  }
0x76: {  	[sflag:s22] =	ssyncset.done $0x0  }
0x77: {  	s16 =	simm.s32 $0x163A0;
	s25 =	rddreg [dreg:$0xd];
	[sflag:s22] =	ssyncadd.s32 $0xFFFFD760  }
0x78: {  	[tilespmem:s16], [sflag:$0x7] =	stream.linear.gather [hbm4b:s25+s14], $0x28A0, $0x38;
	[tilespmem:$0x1F4F0] =	vst v63  }
0x79: {  	_ =	swait.ge [sflag:s22], $0x28A0  }
0x7a: {  	[sflag:s22] =	ssyncset.done $0x0  }
0x7b: {  	[sflag:s22] =	ssyncadd.s32 $0xFFFFD760  }
0x7c: {  	[bflag:$0x0] =	sbarrier.arrive $0xFFFF  }
0x7d: {  	[tilespmem:s21], [sflag:$0x1] =	stream.indirect.gather [hbm4b:s1+s26], $0x80, s16, s26, $0xb8;
	[tilespmem:$0x1F4F0] =	vst v63  }
0x7e: {  	_ = 	snop  }
0x7f: {  	[tilespmem:s28], [sflag:$0x3] =	stream.indirect.gather [hbm4b:s6+s26], $0x1, s13, s26, $0xb8;
	[tilespmem:$0x1F4F0] =	vst v63  }
0x80: {  	_ = 	snop  }
0x81: {  	[tilespmem:s29], [sflag:$0x5] =	stream.indirect.gather [hbm4b:s7+s26], $0x1, s16, s26, $0xb8;
	[tilespmem:$0x1F4F0] =	vst v63  }
0x82: {  	s15 =	smov.u32 s18;
	s16 =	simm.s32 $0x0  }
.LBB2_4:
0x83: {  	s18 =	smul.u32 $0xD0, s16;
	_ =	sdelay $0x1  }
0x84: {  	s13 =	sadd.s32 $0x16408, s18  }
0x85: {  	[tilespmem:s30], [sflag:$0x2] =	stream.indirect.gather [hbm4b:s1+s26], $0x80, s13, s26, $0xb8;
	[tilespmem:$0x1F4F0] =	vst v63  }
0x86: {  	s17 =	sadd.s32 $0x13B68, s18  }
0x87: {  	[tilespmem:s31], [sflag:$0x4] =	stream.indirect.gather [hbm4b:s6+s26], $0x1, s17, s26, $0xb8;
	[tilespmem:$0x1F4F0] =	vst v63  }
0x88: {  	_ = 	snop  }
0x89: {  	[tilespmem:s2], [sflag:$0x6] =	stream.indirect.gather [hbm4b:s7+s26], $0x1, s13, s26, $0xb8;
	[tilespmem:$0x1F4F0] =	vst v63  }
0x8a: {  	_ =	swait.ge [sflag:s23], $0x64  }
0x8b: {  	[sflag:s23] =	ssyncset.done $0x0  }
0x8c: {  	[sflag:s23] =	ssyncadd.s32 $0xFFFFFF9C  }
0x8d: {  	_ =	swait.ge [sflag:s0], $0x64  }
0x8e: {  	[sflag:s0] =	ssyncset.done $0x0  }
0x8f: {  	[sflag:s0] =	ssyncadd.s32 $0xFFFFFF9C  }
0x90: {  	v1 =	vld [tilespmem:$0x18CB0]  }
0x91: {  	v2 =	vld [tilespmem:$0x18D90]  }
0x92: {  	v3 =	vld [tilespmem:$0x18CC0]  }
0x93: {  	v5 =	vld [tilespmem:$0x18CD0]  }
0x94: {  	v6 =	vld [tilespmem:$0x18DB0]  }
0x95: {  	v4 =	vld [tilespmem:$0x18DA0];
	_ =	sdelay $0x1  }
0x96: {  	v9 =	vld [tilespmem:$0x18DC0];
	v1 =	vadd.f32 v2, v1  }
0x97: {  	v2 =	vld [tilespmem:$0x18CE0]  }
0x98: {  	v10 =	vld [tilespmem:$0x18D00];
	v5 =	vadd.f32 v6, v5;
	v7 =	vsub.f32 $0.0e+00, v1  }
0x99: {  	v6 =	vld [tilespmem:$0x18DD0];
	v8 =	vmul.f32 $-2.000000030e-01, v1;
	vm0 =	vgt.f32 v1, $0.0e+00;
	v1 =	vadd.f32 v4, v3  }
0x9a: {  	v3 =	vld [tilespmem:$0x18CF0];
	v11 =	vmul.f32 $-2.000000030e-01, v5  }
0x9b: {  	v12 =	vld [tilespmem:$0x18DE0];
	v4 =	vsel vm0, v7, v8;
	v7 =	vsub.f32 $0.0e+00, v1;
	v8 =	vmul.f32 $-2.000000030e-01, v1  }
0x9c: {  	vm10 =	vgt.f32 v1, $0.0e+00;
	v4 =	vmul.f32 $1.442695020e+00, v4;
	v2 =	vadd.f32 v9, v2  }
0x9d: {  	vm11 =	vgt.f32 v5, $0.0e+00;
	v1 =	vsub.f32 $0.0e+00, v5;
	v5 =	vld [tilespmem:$0x18D10];
	v7 =	vsel vm10, v7, v8  }
0x9e: {  	(erf) = vpow2.f32 v4;
	v4 =	vmul.f32 $1.442695020e+00, v7;
	v7 =	vld [tilespmem:$0x18DF0];
	v8 =	vsub.f32 $0.0e+00, v2  }
0x9f: {  	v9 =	vmul.f32 $-2.000000030e-01, v2;
	vm12 =	vgt.f32 v2, $0.0e+00;
	v2 =	vadd.f32 v6, v3  }
0xa0: {  	v1 =	vsel vm11, v1, v11;
	v6 =	vadd.f32 v12, v10  }
0xa1: {  	v1 =	vmul.f32 $1.442695020e+00, v1;
	(erf) = vpow2.f32 v4;
	v3 =	vsub.f32 $0.0e+00, v2  }
0xa2: {  	v4 =	vmul.f32 $-2.000000030e-01, v2;
	vm13 =	vgt.f32 v2, $0.0e+00;
	vm14 =	vgt.f32 v6, $0.0e+00  }
0xa3: {  	(erf) = vpow2.f32 v1;
	v1 =	vsel vm12, v8, v9;
	v2 =	vadd.f32 v7, v5  }
0xa4: {  	v3 =	vsel vm13, v3, v4;
	v4 =	vsub.f32 $0.0e+00, v6;
	v5 =	vmul.f32 $-2.000000030e-01, v6  }
0xa5: {  	v1 =	vmul.f32 $1.442695020e+00, v1;
	v6 =	vsub.f32 $0.0e+00, v2;
	v7 =	vmul.f32 $-2.000000030e-01, v2  }
0xa6: {  	v3 =	vmul.f32 $1.442695020e+00, v3;
	v4 =	vsel vm14, v4, v5;
	vm15 =	vgt.f32 v2, $0.0e+00  }
0xa7: {  	(erf) = vpow2.f32 v1;
	v1 =	vmul.f32 $1.442695020e+00, v4;
	v2 =	vsel vm15, v6, v7  }
0xa8: {  	(erf) = vpow2.f32 v3;
	v2 =	vmul.f32 $1.442695020e+00, v2  }
0xa9: {  	(erf) = vpow2.f32 v1  }
0xaa: {  	(erf) = vpow2.f32 v2;
	_ =	sdelay $0x2  }
0xab: {  	v1 =	vpop (erf)  }
0xac: {  	[tilespmem:$0x18C40] =	vst v1;
	v2 =	vpop (erf)  }
0xad: {  	v1 =	vpop (erf);
	[tilespmem:$0x18C50] =	vst v2  }
0xae: {  	s20 =	simm.s32 $0x2;
	v2 =	vpop (erf);
	[tilespmem:$0x18C60] =	vst v1;
	v1 =	vmov s14  }
0xaf: {  	v3 =	vpop (erf);
	[tilespmem:$0x18C70] =	vst v2;
	v1 =	vand.u32 $0xFFFFFFFC, v1;
	v2 =	vmov s20  }
0xb0: {  	[tilespmem:$0x18C80] =	vst v3;
	v1 =	vbroadcast v1, $0x0;
	v2 =	vand.u32 $0xFFFFFFFE, v2;
	v4 =	vpop (erf)  }
0xb1: {  	v2 =	vbroadcast v2, $0x0;
	[tilespmem:$0x18C90] =	vst v4;
	v3 =	vpop (erf)  }
0xb2: {  	[tilespmem:$0x18CA0] =	vst v3  }
0xb3: {  	_ =	swait.ge [sflag:s24], $0x3200  }
0xb4: {  	[sflag:s24] =	ssyncset.done $0x0  }
0xb5: {  	[sflag:s24] =	ssyncadd.s32 $0xFFFFCE00  }
0xb6: {  	v1 =	vld.idx.msk [tilespmem:v1+s9+$0x0], $0xffff  }
0xb7: {  	s19 =	simm.s32 $0x18F70;
	v2 =	vld.idx.msk [tilespmem:v2+s9+$0x0], $0xffff  }
0xb8: {  	s25 =	simm.s32 $0x1;
	v4 =	vld [tilespmem:s19+$0x70]  }
0xb9: {  	v3 =	vmov s25;
	v5 =	vld [tilespmem:s19+$0xFFFFFF00]  }
0xba: {  	v3 =	vand.u32 $0xFFFFFFFD, v3;
	v6 =	vld [tilespmem:s19+$0xFFFFFF10]  }
0xbb: {  	v3 =	vbroadcast v3, $0x0;
	v7 =	vld [tilespmem:s19+$0xFFFFFF20]  }
0xbc: {  	v8 =	vld [tilespmem:s19+$0xFFFFFF30]  }
0xbd: {  	v9 =	vld [tilespmem:s19+$0xFFFFFF40]  }
0xbe: {  	v10 =	vld [tilespmem:s19+$0xFFFFFF50]  }
0xbf: {  	v11 =	vld [tilespmem:s19+$0xFFFFFF60];
	v5 =	vmul.f32 v5, v1  }
0xc0: {  	v13 =	vld [tilespmem:s19+$0x40];
	v4 =	vmul.f32 v4, v2  }
0xc1: {  	v3 =	vld.idx.msk [tilespmem:v3+s9+$0x0], $0xffff;
	[tilespmem:s19+$0xFFFFFF00] =	vst v5;
	v5 =	vmul.f32 v6, v1  }
0xc2: {  	v6 =	vld [tilespmem:s19+$0xFFFFFF70];
	[tilespmem:s19+$0x70] =	vst v4;
	v4 =	vmul.f32 v7, v1  }
0xc3: {  	v7 =	vld [tilespmem:s19+$0xFFFFFF80];
	[tilespmem:s19+$0xFFFFFF10] =	vst v5;
	v5 =	vmul.f32 v8, v1  }
0xc4: {  	v8 =	vld [tilespmem:s19+$0xFFFFFF90];
	[tilespmem:s19+$0xFFFFFF20] =	vst v4;
	v4 =	vmul.f32 v9, v1  }
0xc5: {  	v9 =	vld [tilespmem:s19+$0xFFFFFFA0];
	[tilespmem:s19+$0xFFFFFF30] =	vst v5;
	v5 =	vmul.f32 v10, v1  }
0xc6: {  	v10 =	vld [tilespmem:s19+$0xFFFFFFB0];
	[tilespmem:s19+$0xFFFFFF40] =	vst v4;
	v4 =	vmul.f32 v11, v1  }
0xc7: {  	v11 =	vld [tilespmem:s19+$0xFFFFFFC0];
	v6 =	vmul.f32 v6, v1;
	[tilespmem:s19+$0xFFFFFF50] =	vst v5  }
0xc8: {  	v5 =	vmul.f32 v7, v3;
	v7 =	vld [tilespmem:s19+$0xFFFFFFD0];
	[tilespmem:s19+$0xFFFFFF60] =	vst v4  }
0xc9: {  	s8 =	simm.s32 $0x3;
	v4 =	vld [tilespmem:s19+$0xFFFFFFE0];
	v8 =	vmul.f32 v8, v3;
	[tilespmem:s19+$0xFFFFFF70] =	vst v6  }
0xca: {  	v12 =	vmov s8;
	v6 =	vld [tilespmem:s19+$0xFFFFFFF0];
	[tilespmem:s19+$0xFFFFFF80] =	vst v5;
	v5 =	vmul.f32 v9, v3  }
0xcb: {  	v9 =	vld [tilespmem:s19+$0x0];
	[tilespmem:s19+$0xFFFFFF90] =	vst v8;
	v8 =	vmul.f32 v10, v3  }
0xcc: {  	v10 =	vld [tilespmem:s19+$0x10];
	[tilespmem:s19+$0xFFFFFFA0] =	vst v5;
	v5 =	vmul.f32 v11, v3  }
0xcd: {  	[tilespmem:s19+$0xFFFFFFB0] =	vst v8;
	v7 =	vmul.f32 v7, v3;
	v8 =	vld [tilespmem:s19+$0x20]  }
0xce: {  	v11 =	vld [tilespmem:s19+$0x30];
	v4 =	vmul.f32 v4, v3;
	[tilespmem:s19+$0xFFFFFFC0] =	vst v5  }
0xcf: {  	v1 =	vld.idx.msk [tilespmem:v12+s9+$0x0], $0xffff;
	v3 =	vmul.f32 v6, v3;
	[tilespmem:s19+$0xFFFFFFD0] =	vst v7  }
0xd0: {  	[tilespmem:s19+$0xFFFFFFE0] =	vst v4;
	v5 =	vmul.f32 v9, v2;
	v4 =	vld [tilespmem:s19+$0x50]  }
0xd1: {  	s20 =	simm.s32 $0x4;
	[tilespmem:s19+$0xFFFFFFF0] =	vst v3;
	v6 =	vmul.f32 v10, v2;
	v3 =	vld [tilespmem:s19+$0x60]  }
0xd2: {  	s25 =	simm.s32 $0x7;
	v7 =	vmov s20;
	[tilespmem:s19+$0x0] =	vst v5;
	v9 =	vmul.f32 v8, v2;
	v8 =	vld [tilespmem:s19+$0x80]  }
0xd3: {  	s20 =	simm.s32 $0x5;
	v12 =	vand.u32 $0xFFFFFFFC, v7;
	v7 =	vld [tilespmem:s19+$0x90];
	v5 =	vmov s25;
	v10 =	vmul.f32 v11, v2;
	[tilespmem:s19+$0x10] =	vst v6  }
0xd4: {  	s13 =	simm.s32 $0x6;
	s25 =	simm.s32 $0x8;
	v11 =	vmul.f32 v13, v2;
	v6 =	vbroadcast v12, $0x0;
	v12 =	vmov s20;
	s20 =	simm.s32 $0x18F70;
	[tilespmem:s19+$0x20] =	vst v9;
	v9 =	vld [tilespmem:s19+$0xA0]  }
.LBB2_5:
0xd5: {  	p0 =	slt.u32 s25, $0x60;
	v12 =	vand.u32 $0xFFFFFFFD, v12;
	v13 =	vmov s13;
	[tilespmem:s19+$0x30] =	vst v10;
	v4 =	vmul.f32 v4, v2;
	v10 =	vld [tilespmem:s19+$0xB0]  }
0xd6: {  	v12 =	vbroadcast v12, $0x0;
	v13 =	vand.u32 $0xFFFFFFFE, v13;
	[tilespmem:s19+$0x40] =	vst v11;
	v2 =	vmul.f32 v3, v2;
	v3 =	vld [tilespmem:s19+$0xC0]  }
0xd7: {  	v11 =	vbroadcast v13, $0x0;
	[tilespmem:s19+$0x50] =	vst v4;
	v4 =	vmul.f32 v8, v1;
	v8 =	vld [tilespmem:s19+$0xD0]  }
0xd8: {  	[tilespmem:s19+$0x60] =	vst v2;
	v2 =	vmul.f32 v7, v1;
	v7 =	vld [tilespmem:s19+$0xE0]  }
0xd9: {  	[tilespmem:s19+$0x80] =	vst v4;
	v4 =	vmul.f32 v9, v1;
	v9 =	vld [tilespmem:s19+$0xF0]  }
0xda: {  	v5 =	vld.idx.msk [tilespmem:v5+s9+$0x0], $0xffff;
	[tilespmem:s19+$0x90] =	vst v2;
	v2 =	vmul.f32 v10, v1  }
0xdb: {  	v6 =	vld.idx.msk [tilespmem:v6+s9+$0x0], $0xffff;
	[tilespmem:s19+$0xA0] =	vst v4;
	v3 =	vmul.f32 v3, v1  }
0xdc: {  	v4 =	vld.idx.msk [tilespmem:v12+s9+$0x0], $0xffff;
	[tilespmem:s19+$0xB0] =	vst v2;
	v8 =	vmul.f32 v8, v1  }
0xdd: {  	s19 =	sadd.s32 $0x200, s19;
	v2 =	vld.idx.msk [tilespmem:v11+s9+$0x0], $0xffff;
	[tilespmem:s20+$0xC0] =	vst v3;
	v3 =	vmul.f32 v7, v1  }
0xde: {  	v7 =	vld [tilespmem:s19+$0x70];
	[tilespmem:s20+$0xD0] =	vst v8;
	v9 =	vmul.f32 v9, v1  }
0xdf: {  	v8 =	vld [tilespmem:s19+$0xFFFFFF00];
	[tilespmem:s20+$0xE0] =	vst v3  }
0xe0: {  	v1 =	vmov v5;
	v3 =	vld [tilespmem:s19+$0xFFFFFF10];
	[tilespmem:s20+$0xF0] =	vst v9;
	s20 =	smov.u32 s19  }
0xe1: {  	v5 =	vld [tilespmem:s19+$0xFFFFFF20]  }
0xe2: {  	v9 =	vld [tilespmem:s19+$0xFFFFFF30]  }
0xe3: {  	v10 =	vld [tilespmem:s19+$0xFFFFFF40];
	v7 =	vmul.f32 v7, v2  }
0xe4: {  	v8 =	vmul.f32 v8, v6;
	v11 =	vld [tilespmem:s19+$0xFFFFFF50]  }
0xe5: {  	v3 =	vmul.f32 v3, v6;
	v12 =	vld [tilespmem:s19+$0xFFFFFF60];
	[tilespmem:s19+$0x70] =	vst v7  }
0xe6: {  	[tilespmem:s19+$0xFFFFFF00] =	vst v8;
	v5 =	vmul.f32 v5, v6;
	v7 =	vld [tilespmem:s19+$0xFFFFFF70]  }
0xe7: {  	[tilespmem:s19+$0xFFFFFF10] =	vst v3;
	v3 =	vmul.f32 v9, v6;
	v8 =	vld [tilespmem:s19+$0xFFFFFF80]  }
0xe8: {  	[tilespmem:s19+$0xFFFFFF20] =	vst v5;
	v5 =	vmul.f32 v10, v6;
	v9 =	vld [tilespmem:s19+$0xFFFFFF90]  }
0xe9: {  	[tilespmem:s19+$0xFFFFFF30] =	vst v3;
	v3 =	vmul.f32 v11, v6;
	v10 =	vld [tilespmem:s19+$0xFFFFFFA0]  }
0xea: {  	[tilespmem:s19+$0xFFFFFF40] =	vst v5;
	v5 =	vmul.f32 v12, v6;
	v11 =	vld [tilespmem:s19+$0xFFFFFFB0]  }
0xeb: {  	[tilespmem:s19+$0xFFFFFF50] =	vst v3;
	v3 =	vmul.f32 v7, v6;
	v6 =	vld [tilespmem:s19+$0xFFFFFFC0]  }
0xec: {  	[tilespmem:s19+$0xFFFFFF60] =	vst v5;
	v5 =	vmul.f32 v8, v4;
	v7 =	vld [tilespmem:s19+$0xFFFFFFD0]  }
0xed: {  	[tilespmem:s19+$0xFFFFFF70] =	vst v3;
	v3 =	vmul.f32 v9, v4;
	v8 =	vld [tilespmem:s19+$0xFFFFFFE0]  }
0xee: {  	[tilespmem:s19+$0xFFFFFF80] =	vst v5;
	v5 =	vmul.f32 v10, v4;
	v9 =	vld [tilespmem:s19+$0xFFFFFFF0]  }
0xef: {  	[tilespmem:s19+$0xFFFFFF90] =	vst v3;
	v3 =	vmul.f32 v11, v4;
	v10 =	vld [tilespmem:s19+$0x0]  }
0xf0: {  	[tilespmem:s19+$0xFFFFFFA0] =	vst v5;
	v5 =	vmul.f32 v6, v4;
	v6 =	vld [tilespmem:s19+$0x10]  }
0xf1: {  	[tilespmem:s19+$0xFFFFFFB0] =	vst v3;
	v3 =	vmul.f32 v7, v4;
	v7 =	vld [tilespmem:s19+$0x20]  }
0xf2: {  	[tilespmem:s19+$0xFFFFFFC0] =	vst v5;
	v5 =	vmul.f32 v8, v4;
	v11 =	vld [tilespmem:s19+$0x30]  }
0xf3: {  	[tilespmem:s19+$0xFFFFFFD0] =	vst v3;
	v3 =	vmul.f32 v9, v4;
	v9 =	vld [tilespmem:s19+$0x40]  }
.Ltmp1:
0xf4: {  	[tilespmem:s19+$0xFFFFFFE0] =	vst v5;
	v5 =	vmul.f32 v10, v2;
	v4 =	vld [tilespmem:s19+$0x50];
	(pc) =	sbr.rel @p0 .LBB2_5-.Ltmp1, $4  }
0xf5: {  	[tilespmem:s19+$0xFFFFFFF0] =	vst v3;
	v6 =	vmul.f32 v6, v2;
	v3 =	vld [tilespmem:s19+$0x60]  }
0xf6: {  	s13 =	sadd.s32 $0x3, s25;
	v10 =	vmov s25;
	[tilespmem:s19+$0x0] =	vst v5;
	v13 =	vmul.f32 v7, v2;
	v8 =	vld [tilespmem:s19+$0x80]  }
0xf7: {  	s8 =	sadd.s32 $0x1, s25;
	v12 =	vand.u32 $0xFFFFFFFC, v10;
	v5 =	vmov s13;
	[tilespmem:s19+$0x10] =	vst v6;
	v10 =	vmul.f32 v11, v2;
	v7 =	vld [tilespmem:s19+$0x90]  }
0xf8: {  	s13 =	sadd.s32 $0x2, s25;
	s25 =	sadd.s32 $0x4, s25;
	v6 =	vbroadcast v12, $0x0;
	v12 =	vmov s8;
	[tilespmem:s19+$0x20] =	vst v13;
	v11 =	vmul.f32 v9, v2;
	v9 =	vld [tilespmem:s19+$0xA0]  }
0xf9: {  	v13 =	vld [tilespmem:s19+$0xB0]  }
0xfa: {  	v15 =	vld [tilespmem:s19+$0xC0]  }
0xfb: {  	v14 =	vmov s13;
	v16 =	vld [tilespmem:s19+$0xD0]  }
0xfc: {  	v17 =	vld [tilespmem:s19+$0xE0];
	[tilespmem:s19+$0x30] =	vst v10;
	v4 =	vmul.f32 v4, v2;
	v14 =	vand.u32 $0xFFFFFFFE, v14  }
0xfd: {  	v12 =	vand.u32 $0xFFFFFFFD, v12;
	v5 =	vld.idx.msk [tilespmem:v5+s9+$0x0], $0xffff;
	[tilespmem:s19+$0x40] =	vst v11;
	v2 =	vmul.f32 v3, v2;
	v14 =	vbroadcast v14, $0x0  }
0xfe: {  	s25 =	sadd.s32 $0x200, s19;
	v12 =	vbroadcast v12, $0x0;
	v3 =	vld.idx.msk [tilespmem:v6+s9+$0x0], $0xffff;
	v8 =	vmul.f32 v8, v1;
	[tilespmem:s19+$0x50] =	vst v4  }
0xff: {  	v10 =	vld [tilespmem:s25+$0xFFFFFF00];
	v4 =	vmul.f32 v7, v1;
	[tilespmem:s19+$0x60] =	vst v2  }
0x100: {  	[tilespmem:s19+$0x80] =	vst v8;
	v8 =	vld [tilespmem:s19+$0xF0];
	v2 =	vmul.f32 v9, v1  }
0x101: {  	v11 =	vld [tilespmem:s25+$0xFFFFFF10];
	[tilespmem:s19+$0x90] =	vst v4;
	v4 =	vmul.f32 v13, v1  }
0x102: {  	v9 =	vld [tilespmem:s25+$0x70];
	[tilespmem:s19+$0xA0] =	vst v2;
	v2 =	vmul.f32 v15, v1  }
0x103: {  	[tilespmem:s19+$0xB0] =	vst v4;
	v4 =	vmul.f32 v16, v1;
	v7 =	vld.idx.msk [tilespmem:v14+s9+$0x0], $0xffff  }
0x104: {  	v6 =	vld.idx.msk [tilespmem:v12+s9+$0x0], $0xffff;
	[tilespmem:s20+$0xC0] =	vst v2;
	v2 =	vmul.f32 v17, v1  }
0x105: {  	v12 =	vld [tilespmem:s25+$0xFFFFFF20];
	[tilespmem:s20+$0xD0] =	vst v4;
	v1 =	vmul.f32 v8, v1  }
0x106: {  	v4 =	vld [tilespmem:s25+$0xFFFFFF30];
	[tilespmem:s20+$0xE0] =	vst v2  }
0x107: {  	v2 =	vld [tilespmem:s25+$0xFFFFFF40];
	[tilespmem:s20+$0xF0] =	vst v1;
	v1 =	vmul.f32 v10, v3  }
0x108: {  	v8 =	vmul.f32 v9, v7;
	v9 =	vld [tilespmem:s25+$0xFFFFFF50]  }
0x109: {  	v10 =	vmul.f32 v11, v3;
	v11 =	vld [tilespmem:s25+$0xFFFFFF60];
	[tilespmem:s25+$0xFFFFFF00] =	vst v1  }
0x10a: {  	v1 =	vmul.f32 v12, v3;
	[tilespmem:s25+$0x70] =	vst v8;
	v8 =	vld [tilespmem:s25+$0xFFFFFF70]  }
0x10b: {  	[tilespmem:s25+$0xFFFFFF10] =	vst v10;
	v10 =	vld [tilespmem:s25+$0xFFFFFF80];
	v4 =	vmul.f32 v4, v3  }
0x10c: {  	[tilespmem:s25+$0xFFFFFF20] =	vst v1;
	v1 =	vmul.f32 v2, v3;
	v2 =	vld [tilespmem:s25+$0xFFFFFF90]  }
0x10d: {  	[tilespmem:s25+$0xFFFFFF30] =	vst v4;
	v4 =	vmul.f32 v9, v3;
	v9 =	vld [tilespmem:s25+$0xFFFFFFA0]  }
0x10e: {  	[tilespmem:s25+$0xFFFFFF40] =	vst v1;
	v1 =	vmul.f32 v11, v3;
	v11 =	vld [tilespmem:s25+$0xFFFFFFB0]  }
0x10f: {  	[tilespmem:s25+$0xFFFFFF50] =	vst v4;
	v3 =	vmul.f32 v8, v3;
	v4 =	vld [tilespmem:s25+$0xFFFFFFC0]  }
0x110: {  	[tilespmem:s25+$0xFFFFFF60] =	vst v1;
	v1 =	vmul.f32 v10, v6;
	v8 =	vld [tilespmem:s25+$0xFFFFFFD0]  }
0x111: {  	v2 =	vmul.f32 v2, v6;
	[tilespmem:s25+$0xFFFFFF70] =	vst v3;
	v3 =	vld [tilespmem:s25+$0xFFFFFFE0]  }
0x112: {  	[tilespmem:s25+$0xFFFFFF80] =	vst v1;
	v1 =	vmul.f32 v9, v6;
	v9 =	vld [tilespmem:s25+$0xFFFFFFF0]  }
0x113: {  	v10 =	vld [tilespmem:s25+$0x0];
	[tilespmem:s25+$0xFFFFFF90] =	vst v2;
	v2 =	vmul.f32 v11, v6  }
0x114: {  	[tilespmem:s25+$0xFFFFFFA0] =	vst v1;
	v1 =	vmul.f32 v4, v6;
	v4 =	vld [tilespmem:s25+$0x10]  }
0x115: {  	[tilespmem:s25+$0xFFFFFFB0] =	vst v2;
	v2 =	vmul.f32 v8, v6;
	v8 =	vld [tilespmem:s25+$0x20]  }
0x116: {  	[tilespmem:s25+$0xFFFFFFC0] =	vst v1;
	v1 =	vmul.f32 v3, v6;
	v3 =	vld [tilespmem:s25+$0x30]  }
0x117: {  	[tilespmem:s25+$0xFFFFFFD0] =	vst v2;
	v2 =	vmul.f32 v9, v6;
	v6 =	vld [tilespmem:s25+$0x40]  }
0x118: {  	v9 =	vld [tilespmem:s25+$0x50];
	[tilespmem:s25+$0xFFFFFFE0] =	vst v1;
	v1 =	vmul.f32 v10, v7  }
0x119: {  	[tilespmem:s25+$0xFFFFFFF0] =	vst v2;
	v2 =	vmul.f32 v4, v7;
	v4 =	vld [tilespmem:s25+$0x60]  }
0x11a: {  	[tilespmem:s25+$0x0] =	vst v1;
	v1 =	vmul.f32 v8, v7;
	v8 =	vld [tilespmem:s25+$0x80]  }
0x11b: {  	[tilespmem:s25+$0x10] =	vst v2;
	v2 =	vmul.f32 v3, v7;
	v3 =	vld [tilespmem:s25+$0x90]  }
0x11c: {  	[tilespmem:s25+$0x20] =	vst v1;
	v1 =	vmul.f32 v6, v7;
	v6 =	vld [tilespmem:s25+$0xA0]  }
0x11d: {  	[tilespmem:s25+$0x30] =	vst v2;
	v2 =	vmul.f32 v9, v7;
	v9 =	vld [tilespmem:s25+$0xB0]  }
0x11e: {  	[tilespmem:s25+$0x40] =	vst v1;
	v1 =	vmul.f32 v4, v7;
	v4 =	vld [tilespmem:s25+$0xC0]  }
0x11f: {  	v7 =	vld [tilespmem:s25+$0xD0];
	[tilespmem:s25+$0x50] =	vst v2;
	v2 =	vmul.f32 v8, v5  }
0x120: {  	[tilespmem:s25+$0x60] =	vst v1;
	v1 =	vmul.f32 v3, v5;
	v3 =	vld [tilespmem:s25+$0xE0]  }
0x121: {  	[tilespmem:s25+$0x80] =	vst v2;
	v2 =	vmul.f32 v6, v5;
	v6 =	vld [tilespmem:s25+$0xF0]  }
0x122: {  	[tilespmem:s25+$0x90] =	vst v1;
	v1 =	vmul.f32 v9, v5  }
0x123: {  	[tilespmem:s25+$0xA0] =	vst v2;
	v2 =	vmul.f32 v4, v5  }
0x124: {  	[tilespmem:s25+$0xB0] =	vst v1;
	v1 =	vmul.f32 v7, v5  }
0x125: {  	s8 =	smul.u32 $0x340, s16;
	[tilespmem:s25+$0xC0] =	vst v2;
	v2 =	vmul.f32 v3, v5  }
0x126: {  	[tilespmem:s25+$0xD0] =	vst v1;
	v1 =	vmul.f32 v6, v5  }
0x127: {  	s8 =	sshra.s32 s8, $0x2;
	[tilespmem:s25+$0xE0] =	vst v2  }
0x128: {  	s8 =	sadd.s32 $0x13B00, s8;
	[tilespmem:s25+$0xF0] =	vst v1  }
0x129: {  	[spmem:s4] =	stream.indirect.scatter.add.f32 [tilespmem:s9], [sflag:$0x7], $0x1, s8, s26, $0xb8;
	[tilespmem:$0x1F4F0] =	vst v63  }
0x12a: {  	_ =	swait.ge [sflag:s22], $0x64  }
0x12b: {  	[sflag:s22] =	ssyncset.done $0x0  }
0x12c: {  	[sflag:s22] =	ssyncadd.s32 $0xFFFFFF9C  }
0x12d: {  	[spmem:s3] =	stream.indirect.scatter.add.f32 [tilespmem:s21], [sflag:$0x7], $0x80, s8, s26, $0xb8;
	[tilespmem:$0x1F4F0] =	vst v63  }
0x12e: {  	_ =	swait.ge [sflag:s22], $0x3200  }
0x12f: {  	[sflag:s22] =	ssyncset.done $0x0  }
0x130: {  	s25 =	sadd.s32 $0x16470, s18;
	[sflag:s22] =	ssyncadd.s32 $0xFFFFCE00  }
0x131: {  	[tilespmem:s21], [sflag:$0x1] =	stream.indirect.gather [hbm4b:s1+s26], $0x80, s25, s26, $0xb8;
	[tilespmem:$0x1F4F0] =	vst v63  }
0x132: {  	s18 =	sadd.s32 $0x13BD0, s18  }
0x133: {  	[tilespmem:s28], [sflag:$0x3] =	stream.indirect.gather [hbm4b:s6+s26], $0x1, s18, s26, $0xb8;
	[tilespmem:$0x1F4F0] =	vst v63  }
0x134: {  	_ = 	snop  }
0x135: {  	[tilespmem:s29], [sflag:$0x5] =	stream.indirect.gather [hbm4b:s7+s26], $0x1, s25, s26, $0xb8;
	[tilespmem:$0x1F4F0] =	vst v63  }
0x136: {  	_ =	swait.ge [sflag:s10], $0x64  }
0x137: {  	[sflag:s10] =	ssyncset.done $0x0  }
0x138: {  	[sflag:s10] =	ssyncadd.s32 $0xFFFFFF9C  }
0x139: {  	_ =	swait.ge [sflag:s11], $0x64  }
0x13a: {  	[sflag:s11] =	ssyncset.done $0x0  }
0x13b: {  	[sflag:s11] =	ssyncadd.s32 $0xFFFFFF9C  }
0x13c: {  	v1 =	vld [tilespmem:$0x18D20]  }
0x13d: {  	v2 =	vld [tilespmem:$0x18E00]  }
0x13e: {  	v3 =	vld [tilespmem:$0x18D30]  }
0x13f: {  	v5 =	vld [tilespmem:$0x18D40]  }
0x140: {  	v6 =	vld [tilespmem:$0x18E20]  }
0x141: {  	v4 =	vld [tilespmem:$0x18E10];
	_ =	sdelay $0x1  }
0x142: {  	v9 =	vld [tilespmem:$0x18E30];
	v1 =	vadd.f32 v2, v1  }
0x143: {  	v2 =	vld [tilespmem:$0x18D50]  }
0x144: {  	v10 =	vld [tilespmem:$0x18D70];
	v5 =	vadd.f32 v6, v5;
	v7 =	vsub.f32 $0.0e+00, v1  }
0x145: {  	v6 =	vld [tilespmem:$0x18E40];
	v8 =	vmul.f32 $-2.000000030e-01, v1;
	vm0 =	vgt.f32 v1, $0.0e+00;
	v1 =	vadd.f32 v4, v3  }
0x146: {  	v3 =	vld [tilespmem:$0x18D60];
	v11 =	vmul.f32 $-2.000000030e-01, v5  }
0x147: {  	v12 =	vld [tilespmem:$0x18E50];
	v4 =	vsel vm0, v7, v8;
	v7 =	vsub.f32 $0.0e+00, v1;
	v8 =	vmul.f32 $-2.000000030e-01, v1  }
0x148: {  	vm10 =	vgt.f32 v1, $0.0e+00;
	v4 =	vmul.f32 $1.442695020e+00, v4;
	v2 =	vadd.f32 v9, v2  }
0x149: {  	vm11 =	vgt.f32 v5, $0.0e+00;
	v1 =	vsub.f32 $0.0e+00, v5;
	v5 =	vld [tilespmem:$0x18D80];
	v7 =	vsel vm10, v7, v8  }
0x14a: {  	(erf) = vpow2.f32 v4;
	v4 =	vmul.f32 $1.442695020e+00, v7;
	v7 =	vld [tilespmem:$0x18E60];
	v8 =	vsub.f32 $0.0e+00, v2  }
0x14b: {  	v9 =	vmul.f32 $-2.000000030e-01, v2;
	vm12 =	vgt.f32 v2, $0.0e+00;
	v2 =	vadd.f32 v6, v3  }
0x14c: {  	v1 =	vsel vm11, v1, v11;
	v6 =	vadd.f32 v12, v10  }
0x14d: {  	v1 =	vmul.f32 $1.442695020e+00, v1;
	(erf) = vpow2.f32 v4;
	v3 =	vsub.f32 $0.0e+00, v2  }
0x14e: {  	v4 =	vmul.f32 $-2.000000030e-01, v2;
	vm13 =	vgt.f32 v2, $0.0e+00;
	vm14 =	vgt.f32 v6, $0.0e+00  }
0x14f: {  	(erf) = vpow2.f32 v1;
	v1 =	vsel vm12, v8, v9;
	v2 =	vadd.f32 v7, v5  }
0x150: {  	v3 =	vsel vm13, v3, v4;
	v4 =	vsub.f32 $0.0e+00, v6;
	v5 =	vmul.f32 $-2.000000030e-01, v6  }
0x151: {  	v1 =	vmul.f32 $1.442695020e+00, v1;
	v6 =	vsub.f32 $0.0e+00, v2;
	v7 =	vmul.f32 $-2.000000030e-01, v2  }
0x152: {  	v3 =	vmul.f32 $1.442695020e+00, v3;
	v4 =	vsel vm14, v4, v5;
	vm15 =	vgt.f32 v2, $0.0e+00  }
0x153: {  	(erf) = vpow2.f32 v1;
	v1 =	vmul.f32 $1.442695020e+00, v4;
	v2 =	vsel vm15, v6, v7  }
0x154: {  	(erf) = vpow2.f32 v3;
	v2 =	vmul.f32 $1.442695020e+00, v2  }
0x155: {  	(erf) = vpow2.f32 v1  }
0x156: {  	(erf) = vpow2.f32 v2;
	_ =	sdelay $0x2  }
0x157: {  	v1 =	vpop (erf)  }
0x158: {  	[tilespmem:$0x18C40] =	vst v1;
	v2 =	vpop (erf)  }
0x159: {  	s19 =	simm.s32 $0x0;
	v1 =	vpop (erf);
	[tilespmem:$0x18C50] =	vst v2  }
0x15a: {  	s20 =	simm.s32 $0x2;
	v2 =	vpop (erf);
	[tilespmem:$0x18C60] =	vst v1;
	v1 =	vmov s19  }
0x15b: {  	v3 =	vpop (erf);
	[tilespmem:$0x18C70] =	vst v2;
	v1 =	vand.u32 $0xFFFFFFFC, v1;
	v2 =	vmov s20  }
0x15c: {  	[tilespmem:$0x18C80] =	vst v3;
	v1 =	vbroadcast v1, $0x0;
	v2 =	vand.u32 $0xFFFFFFFE, v2;
	v4 =	vpop (erf)  }
0x15d: {  	v2 =	vbroadcast v2, $0x0;
	[tilespmem:$0x18C90] =	vst v4;
	v3 =	vpop (erf)  }
0x15e: {  	[tilespmem:$0x18CA0] =	vst v3  }
0x15f: {  	_ =	swait.ge [sflag:s12], $0x3200  }
0x160: {  	[sflag:s12] =	ssyncset.done $0x0  }
0x161: {  	[sflag:s12] =	ssyncadd.s32 $0xFFFFCE00  }
0x162: {  	v1 =	vld.idx.msk [tilespmem:v1+s9+$0x0], $0xffff  }
0x163: {  	s18 =	simm.s32 $0x1C170;
	v2 =	vld.idx.msk [tilespmem:v2+s9+$0x0], $0xffff  }
0x164: {  	s25 =	simm.s32 $0x1;
	v4 =	vld [tilespmem:s18+$0x70]  }
0x165: {  	v3 =	vmov s25;
	v5 =	vld [tilespmem:s18+$0xFFFFFF00]  }
0x166: {  	v3 =	vand.u32 $0xFFFFFFFD, v3;
	v6 =	vld [tilespmem:s18+$0xFFFFFF10]  }
0x167: {  	v3 =	vbroadcast v3, $0x0;
	v7 =	vld [tilespmem:s18+$0xFFFFFF20]  }
0x168: {  	v8 =	vld [tilespmem:s18+$0xFFFFFF30]  }
0x169: {  	v9 =	vld [tilespmem:s18+$0xFFFFFF40]  }
0x16a: {  	v10 =	vld [tilespmem:s18+$0xFFFFFF50]  }
0x16b: {  	v11 =	vld [tilespmem:s18+$0xFFFFFF60];
	v5 =	vmul.f32 v5, v1  }
0x16c: {  	v13 =	vld [tilespmem:s18+$0x40];
	v4 =	vmul.f32 v4, v2  }
0x16d: {  	v3 =	vld.idx.msk [tilespmem:v3+s9+$0x0], $0xffff;
	[tilespmem:s18+$0xFFFFFF00] =	vst v5;
	v5 =	vmul.f32 v6, v1  }
0x16e: {  	v6 =	vld [tilespmem:s18+$0xFFFFFF70];
	[tilespmem:s18+$0x70] =	vst v4;
	v4 =	vmul.f32 v7, v1  }
0x16f: {  	v7 =	vld [tilespmem:s18+$0xFFFFFF80];
	[tilespmem:s18+$0xFFFFFF10] =	vst v5;
	v5 =	vmul.f32 v8, v1  }
0x170: {  	v8 =	vld [tilespmem:s18+$0xFFFFFF90];
	[tilespmem:s18+$0xFFFFFF20] =	vst v4;
	v4 =	vmul.f32 v9, v1  }
0x171: {  	v9 =	vld [tilespmem:s18+$0xFFFFFFA0];
	[tilespmem:s18+$0xFFFFFF30] =	vst v5;
	v5 =	vmul.f32 v10, v1  }
0x172: {  	v10 =	vld [tilespmem:s18+$0xFFFFFFB0];
	[tilespmem:s18+$0xFFFFFF40] =	vst v4;
	v4 =	vmul.f32 v11, v1  }
0x173: {  	v11 =	vld [tilespmem:s18+$0xFFFFFFC0];
	v6 =	vmul.f32 v6, v1;
	[tilespmem:s18+$0xFFFFFF50] =	vst v5  }
0x174: {  	v5 =	vmul.f32 v7, v3;
	v7 =	vld [tilespmem:s18+$0xFFFFFFD0];
	[tilespmem:s18+$0xFFFFFF60] =	vst v4  }
0x175: {  	s13 =	simm.s32 $0x3;
	v4 =	vld [tilespmem:s18+$0xFFFFFFE0];
	v8 =	vmul.f32 v8, v3;
	[tilespmem:s18+$0xFFFFFF70] =	vst v6  }
0x176: {  	v12 =	vmov s13;
	v6 =	vld [tilespmem:s18+$0xFFFFFFF0];
	[tilespmem:s18+$0xFFFFFF80] =	vst v5;
	v5 =	vmul.f32 v9, v3  }
0x177: {  	v9 =	vld [tilespmem:s18+$0x0];
	[tilespmem:s18+$0xFFFFFF90] =	vst v8;
	v8 =	vmul.f32 v10, v3  }
0x178: {  	v10 =	vld [tilespmem:s18+$0x10];
	[tilespmem:s18+$0xFFFFFFA0] =	vst v5;
	v5 =	vmul.f32 v11, v3  }
0x179: {  	[tilespmem:s18+$0xFFFFFFB0] =	vst v8;
	v7 =	vmul.f32 v7, v3;
	v8 =	vld [tilespmem:s18+$0x20]  }
0x17a: {  	v11 =	vld [tilespmem:s18+$0x30];
	v4 =	vmul.f32 v4, v3;
	[tilespmem:s18+$0xFFFFFFC0] =	vst v5  }
0x17b: {  	v1 =	vld.idx.msk [tilespmem:v12+s9+$0x0], $0xffff;
	v3 =	vmul.f32 v6, v3;
	[tilespmem:s18+$0xFFFFFFD0] =	vst v7  }
0x17c: {  	[tilespmem:s18+$0xFFFFFFE0] =	vst v4;
	v5 =	vmul.f32 v9, v2;
	v4 =	vld [tilespmem:s18+$0x50]  }
0x17d: {  	s19 =	simm.s32 $0x4;
	[tilespmem:s18+$0xFFFFFFF0] =	vst v3;
	v6 =	vmul.f32 v10, v2;
	v3 =	vld [tilespmem:s18+$0x60]  }
0x17e: {  	s20 =	simm.s32 $0x7;
	v7 =	vmov s19;
	[tilespmem:s18+$0x0] =	vst v5;
	v9 =	vmul.f32 v8, v2;
	v8 =	vld [tilespmem:s18+$0x80]  }
0x17f: {  	s25 =	simm.s32 $0x5;
	v12 =	vand.u32 $0xFFFFFFFC, v7;
	v7 =	vld [tilespmem:s18+$0x90];
	v5 =	vmov s20;
	v10 =	vmul.f32 v11, v2;
	[tilespmem:s18+$0x10] =	vst v6  }
0x180: {  	s13 =	simm.s32 $0x6;
	s19 =	simm.s32 $0x1C170;
	s20 =	simm.s32 $0x8;
	v11 =	vmul.f32 v13, v2;
	v6 =	vbroadcast v12, $0x0;
	v12 =	vmov s25;
	[tilespmem:s18+$0x20] =	vst v9;
	v9 =	vld [tilespmem:s18+$0xA0]  }
.LBB2_7:
0x181: {  	p0 =	slt.u32 s20, $0x60;
	v12 =	vand.u32 $0xFFFFFFFD, v12;
	v13 =	vmov s13;
	[tilespmem:s18+$0x30] =	vst v10;
	v4 =	vmul.f32 v4, v2;
	v10 =	vld [tilespmem:s18+$0xB0]  }
0x182: {  	v12 =	vbroadcast v12, $0x0;
	v13 =	vand.u32 $0xFFFFFFFE, v13;
	[tilespmem:s18+$0x40] =	vst v11;
	v2 =	vmul.f32 v3, v2;
	v3 =	vld [tilespmem:s18+$0xC0]  }
0x183: {  	v11 =	vbroadcast v13, $0x0;
	[tilespmem:s18+$0x50] =	vst v4;
	v4 =	vmul.f32 v8, v1;
	v8 =	vld [tilespmem:s18+$0xD0]  }
0x184: {  	[tilespmem:s18+$0x60] =	vst v2;
	v2 =	vmul.f32 v7, v1;
	v7 =	vld [tilespmem:s18+$0xE0]  }
0x185: {  	[tilespmem:s18+$0x80] =	vst v4;
	v4 =	vmul.f32 v9, v1;
	v9 =	vld [tilespmem:s18+$0xF0]  }
0x186: {  	v5 =	vld.idx.msk [tilespmem:v5+s9+$0x0], $0xffff;
	[tilespmem:s18+$0x90] =	vst v2;
	v2 =	vmul.f32 v10, v1  }
0x187: {  	v6 =	vld.idx.msk [tilespmem:v6+s9+$0x0], $0xffff;
	[tilespmem:s18+$0xA0] =	vst v4;
	v3 =	vmul.f32 v3, v1  }
0x188: {  	v4 =	vld.idx.msk [tilespmem:v12+s9+$0x0], $0xffff;
	[tilespmem:s18+$0xB0] =	vst v2;
	v8 =	vmul.f32 v8, v1  }
0x189: {  	s18 =	sadd.s32 $0x200, s18;
	v2 =	vld.idx.msk [tilespmem:v11+s9+$0x0], $0xffff;
	[tilespmem:s19+$0xC0] =	vst v3;
	v3 =	vmul.f32 v7, v1  }
0x18a: {  	v7 =	vld [tilespmem:s18+$0x70];
	[tilespmem:s19+$0xD0] =	vst v8;
	v9 =	vmul.f32 v9, v1  }
0x18b: {  	v8 =	vld [tilespmem:s18+$0xFFFFFF00];
	[tilespmem:s19+$0xE0] =	vst v3  }
0x18c: {  	v1 =	vmov v5;
	v3 =	vld [tilespmem:s18+$0xFFFFFF10];
	[tilespmem:s19+$0xF0] =	vst v9;
	s19 =	smov.u32 s18  }
0x18d: {  	v5 =	vld [tilespmem:s18+$0xFFFFFF20]  }
0x18e: {  	v9 =	vld [tilespmem:s18+$0xFFFFFF30]  }
0x18f: {  	v10 =	vld [tilespmem:s18+$0xFFFFFF40];
	v7 =	vmul.f32 v7, v2  }
0x190: {  	v8 =	vmul.f32 v8, v6;
	v11 =	vld [tilespmem:s18+$0xFFFFFF50]  }
0x191: {  	v3 =	vmul.f32 v3, v6;
	v12 =	vld [tilespmem:s18+$0xFFFFFF60];
	[tilespmem:s18+$0x70] =	vst v7  }
0x192: {  	[tilespmem:s18+$0xFFFFFF00] =	vst v8;
	v5 =	vmul.f32 v5, v6;
	v7 =	vld [tilespmem:s18+$0xFFFFFF70]  }
0x193: {  	[tilespmem:s18+$0xFFFFFF10] =	vst v3;
	v3 =	vmul.f32 v9, v6;
	v8 =	vld [tilespmem:s18+$0xFFFFFF80]  }
0x194: {  	[tilespmem:s18+$0xFFFFFF20] =	vst v5;
	v5 =	vmul.f32 v10, v6;
	v9 =	vld [tilespmem:s18+$0xFFFFFF90]  }
0x195: {  	[tilespmem:s18+$0xFFFFFF30] =	vst v3;
	v3 =	vmul.f32 v11, v6;
	v10 =	vld [tilespmem:s18+$0xFFFFFFA0]  }
0x196: {  	[tilespmem:s18+$0xFFFFFF40] =	vst v5;
	v5 =	vmul.f32 v12, v6;
	v11 =	vld [tilespmem:s18+$0xFFFFFFB0]  }
0x197: {  	[tilespmem:s18+$0xFFFFFF50] =	vst v3;
	v3 =	vmul.f32 v7, v6;
	v6 =	vld [tilespmem:s18+$0xFFFFFFC0]  }
0x198: {  	[tilespmem:s18+$0xFFFFFF60] =	vst v5;
	v5 =	vmul.f32 v8, v4;
	v7 =	vld [tilespmem:s18+$0xFFFFFFD0]  }
0x199: {  	[tilespmem:s18+$0xFFFFFF70] =	vst v3;
	v3 =	vmul.f32 v9, v4;
	v8 =	vld [tilespmem:s18+$0xFFFFFFE0]  }
0x19a: {  	[tilespmem:s18+$0xFFFFFF80] =	vst v5;
	v5 =	vmul.f32 v10, v4;
	v9 =	vld [tilespmem:s18+$0xFFFFFFF0]  }
0x19b: {  	[tilespmem:s18+$0xFFFFFF90] =	vst v3;
	v3 =	vmul.f32 v11, v4;
	v10 =	vld [tilespmem:s18+$0x0]  }
0x19c: {  	[tilespmem:s18+$0xFFFFFFA0] =	vst v5;
	v5 =	vmul.f32 v6, v4;
	v6 =	vld [tilespmem:s18+$0x10]  }
0x19d: {  	[tilespmem:s18+$0xFFFFFFB0] =	vst v3;
	v3 =	vmul.f32 v7, v4;
	v7 =	vld [tilespmem:s18+$0x20]  }
0x19e: {  	[tilespmem:s18+$0xFFFFFFC0] =	vst v5;
	v5 =	vmul.f32 v8, v4;
	v11 =	vld [tilespmem:s18+$0x30]  }
0x19f: {  	[tilespmem:s18+$0xFFFFFFD0] =	vst v3;
	v3 =	vmul.f32 v9, v4;
	v9 =	vld [tilespmem:s18+$0x40]  }
.Ltmp2:
0x1a0: {  	[tilespmem:s18+$0xFFFFFFE0] =	vst v5;
	v5 =	vmul.f32 v10, v2;
	v4 =	vld [tilespmem:s18+$0x50];
	(pc) =	sbr.rel @p0 .LBB2_7-.Ltmp2, $4  }
0x1a1: {  	[tilespmem:s18+$0xFFFFFFF0] =	vst v3;
	v6 =	vmul.f32 v6, v2;
	v3 =	vld [tilespmem:s18+$0x60]  }
0x1a2: {  	s8 =	sadd.s32 $0x3, s20;
	v10 =	vmov s20;
	[tilespmem:s18+$0x0] =	vst v5;
	v13 =	vmul.f32 v7, v2;
	v8 =	vld [tilespmem:s18+$0x80]  }
0x1a3: {  	s13 =	sadd.s32 $0x1, s20;
	v12 =	vand.u32 $0xFFFFFFFC, v10;
	v5 =	vmov s8;
	[tilespmem:s18+$0x10] =	vst v6;
	v10 =	vmul.f32 v11, v2;
	v7 =	vld [tilespmem:s18+$0x90]  }
0x1a4: {  	v6 =	vbroadcast v12, $0x0;
	v12 =	vmov s13;
	s13 =	sadd.s32 $0x2, s20;
	s20 =	sadd.s32 $0x4, s20;
	[tilespmem:s18+$0x20] =	vst v13;
	v11 =	vmul.f32 v9, v2;
	v9 =	vld [tilespmem:s18+$0xA0]  }
0x1a5: {  	v13 =	vld [tilespmem:s18+$0xB0]  }
0x1a6: {  	v15 =	vld [tilespmem:s18+$0xC0]  }
0x1a7: {  	v16 =	vld [tilespmem:s18+$0xD0]  }
0x1a8: {  	v17 =	vld [tilespmem:s18+$0xE0]  }
0x1a9: {  	v29 =	vld [tilespmem:s18+$0xF0];
	[tilespmem:s18+$0x30] =	vst v10;
	v4 =	vmul.f32 v4, v2  }
0x1aa: {  	v5 =	vld.idx.msk [tilespmem:v5+s9+$0x0], $0xffff;
	[tilespmem:s18+$0x40] =	vst v11;
	v2 =	vmul.f32 v3, v2  }
0x1ab: {  	s20 =	sadd.s32 $0x200, s18;
	v3 =	vld.idx.msk [tilespmem:v6+s9+$0x0], $0xffff;
	v8 =	vmul.f32 v8, v1;
	[tilespmem:s18+$0x50] =	vst v4  }
0x1ac: {  	v14 =	vmov s13;
	v34 =	vld [tilespmem:s20+$0x70];
	v30 =	vmul.f32 v7, v1;
	[tilespmem:s18+$0x60] =	vst v2  }
0x1ad: {  	v14 =	vand.u32 $0xFFFFFFFE, v14;
	v35 =	vld [tilespmem:s20+$0xFFFFFF00];
	[tilespmem:s18+$0x80] =	vst v8;
	v2 =	vmul.f32 v9, v1  }
0x1ae: {  	v37 =	vld [tilespmem:s20+$0xFFFFFF10];
	v14 =	vbroadcast v14, $0x0;
	[tilespmem:s18+$0x90] =	vst v30;
	v33 =	vmul.f32 v13, v1  }
0x1af: {  	v38 =	vld [tilespmem:s20+$0xFFFFFF20];
	[tilespmem:s18+$0xA0] =	vst v2;
	v2 =	vmul.f32 v15, v1  }
0x1b0: {  	v12 =	vand.u32 $0xFFFFFFFD, v12;
	v39 =	vld [tilespmem:s20+$0xFFFFFF30];
	v36 =	vmul.f32 v16, v1;
	[tilespmem:s18+$0xB0] =	vst v33  }
0x1b1: {  	v12 =	vbroadcast v12, $0x0;
	v41 =	vld [tilespmem:s20+$0xFFFFFF50];
	[tilespmem:s19+$0xC0] =	vst v2;
	v2 =	vmul.f32 v17, v1  }
0x1b2: {  	v43 =	vld [tilespmem:s20+$0xFFFFFF60];
	[tilespmem:s19+$0xD0] =	vst v36;
	v1 =	vmul.f32 v29, v1  }
0x1b3: {  	v42 =	vmul.f32 v37, v3;
	[tilespmem:s19+$0xE0] =	vst v2;
	v2 =	vld [tilespmem:s20+$0xFFFFFF40]  }
0x1b4: {  	v32 =	vld.idx.msk [tilespmem:v14+s9+$0x0], $0xffff;
	[tilespmem:s19+$0xF0] =	vst v1;
	v1 =	vmul.f32 v35, v3  }
0x1b5: {  	v44 =	vld [tilespmem:s20+$0xFFFFFF70];
	v4 =	vmul.f32 v39, v3;
	[tilespmem:s20+$0xFFFFFF10] =	vst v42  }
0x1b6: {  	v45 =	vld [tilespmem:s20+$0xFFFFFF80];
	[tilespmem:s20+$0xFFFFFF00] =	vst v1;
	v1 =	vmul.f32 v38, v3  }
0x1b7: {  	v46 =	vmul.f32 v41, v3;
	v31 =	vld.idx.msk [tilespmem:v12+s9+$0x0], $0xffff;
	[tilespmem:s20+$0xFFFFFF30] =	vst v4  }
0x1b8: {  	[tilespmem:s20+$0xFFFFFF20] =	vst v1;
	v1 =	vmul.f32 v2, v3;
	v2 =	vld [tilespmem:s20+$0xFFFFFF90]  }
0x1b9: {  	v47 =	vld [tilespmem:s20+$0xFFFFFFA0];
	[tilespmem:s20+$0xFFFFFF50] =	vst v46;
	v40 =	vmul.f32 v34, v32  }
0x1ba: {  	v48 =	vld [tilespmem:s20+$0xFFFFFFB0];
	[tilespmem:s20+$0xFFFFFF40] =	vst v1;
	v1 =	vmul.f32 v43, v3  }
0x1bb: {  	v49 =	vld [tilespmem:s20+$0xFFFFFFC0];
	[tilespmem:s20+$0x70] =	vst v40;
	v3 =	vmul.f32 v44, v3  }
0x1bc: {  	v50 =	vld [tilespmem:s20+$0xFFFFFFD0];
	[tilespmem:s20+$0xFFFFFF60] =	vst v1;
	v1 =	vmul.f32 v45, v31  }
0x1bd: {  	[tilespmem:s20+$0xFFFFFF70] =	vst v3;
	v3 =	vld [tilespmem:s20+$0xFFFFFFE0];
	v2 =	vmul.f32 v2, v31  }
0x1be: {  	v51 =	vld [tilespmem:s20+$0xFFFFFFF0];
	[tilespmem:s20+$0xFFFFFF80] =	vst v1;
	v1 =	vmul.f32 v47, v31  }
0x1bf: {  	v52 =	vld [tilespmem:s20+$0x0];
	[tilespmem:s20+$0xFFFFFF90] =	vst v2;
	v2 =	vmul.f32 v48, v31  }
0x1c0: {  	v53 =	vld [tilespmem:s20+$0x10];
	[tilespmem:s20+$0xFFFFFFA0] =	vst v1;
	v1 =	vmul.f32 v49, v31  }
0x1c1: {  	v54 =	vld [tilespmem:s20+$0x20];
	[tilespmem:s20+$0xFFFFFFB0] =	vst v2;
	v2 =	vmul.f32 v50, v31  }
0x1c2: {  	[tilespmem:s20+$0xFFFFFFC0] =	vst v1;
	v1 =	vmul.f32 v3, v31;
	v3 =	vld [tilespmem:s20+$0x30]  }
0x1c3: {  	v55 =	vld [tilespmem:s20+$0x40];
	[tilespmem:s20+$0xFFFFFFD0] =	vst v2;
	v2 =	vmul.f32 v51, v31  }
0x1c4: {  	v56 =	vld [tilespmem:s20+$0x50];
	[tilespmem:s20+$0xFFFFFFE0] =	vst v1;
	v1 =	vmul.f32 v52, v32  }
0x1c5: {  	v57 =	vld [tilespmem:s20+$0x60];
	[tilespmem:s20+$0xFFFFFFF0] =	vst v2;
	v2 =	vmul.f32 v53, v32  }
0x1c6: {  	v58 =	vld [tilespmem:s20+$0x80];
	[tilespmem:s20+$0x0] =	vst v1;
	v1 =	vmul.f32 v54, v32  }
0x1c7: {  	[tilespmem:s20+$0x10] =	vst v2;
	v2 =	vmul.f32 v3, v32;
	v3 =	vld [tilespmem:s20+$0x90]  }
0x1c8: {  	v59 =	vld [tilespmem:s20+$0xA0];
	[tilespmem:s20+$0x20] =	vst v1;
	v1 =	vmul.f32 v55, v32  }
0x1c9: {  	v60 =	vld [tilespmem:s20+$0xB0];
	[tilespmem:s20+$0x30] =	vst v2;
	v2 =	vmul.f32 v56, v32  }
0x1ca: {  	v61 =	vld [tilespmem:s20+$0xC0];
	[tilespmem:s20+$0x40] =	vst v1;
	v1 =	vmul.f32 v57, v32  }
0x1cb: {  	v62 =	vld [tilespmem:s20+$0xD0];
	[tilespmem:s20+$0x50] =	vst v2;
	v2 =	vmul.f32 v58, v5  }
0x1cc: {  	[tilespmem:s20+$0x60] =	vst v1;
	v1 =	vmul.f32 v3, v5;
	v3 =	vld [tilespmem:s20+$0xE0]  }
0x1cd: {  	v63 =	vld [tilespmem:s20+$0xF0];
	[tilespmem:s20+$0x80] =	vst v2;
	v2 =	vmul.f32 v59, v5  }
0x1ce: {  	[tilespmem:s20+$0x90] =	vst v1;
	v1 =	vmul.f32 v60, v5  }
0x1cf: {  	[tilespmem:s20+$0xA0] =	vst v2;
	v2 =	vmul.f32 v61, v5  }
0x1d0: {  	[tilespmem:s20+$0xB0] =	vst v1;
	v1 =	vmul.f32 v62, v5  }
0x1d1: {  	[tilespmem:s20+$0xC0] =	vst v2;
	v2 =	vmul.f32 v3, v5  }
0x1d2: {  	[tilespmem:s20+$0xD0] =	vst v1;
	v1 =	vmul.f32 v63, v5  }
0x1d3: {  	[tilespmem:s20+$0xE0] =	vst v2  }
0x1d4: {  	[tilespmem:s20+$0xF0] =	vst v1  }
0x1d5: {  	[spmem:s4] =	stream.indirect.scatter.add.f32 [tilespmem:s9], [sflag:$0x7], $0x1, s17, s26, $0xb8;
	[tilespmem:$0x1F4F0] =	vst v63  }
0x1d6: {  	s16 =	sadd.s32 $0x1, s16;
	_ =	swait.ge [sflag:s22], $0x64  }
0x1d7: {  	p0 =	sne.s32 s16, $0x31;
	[sflag:s22] =	ssyncset.done $0x0  }
.Ltmp3:
0x1d8: {  	[sflag:s22] =	ssyncadd.s32 $0xFFFFFF9C;
	(pc) =	sbr.rel @p0 .LBB2_4-.Ltmp3, $4  }
0x1d9: {  	[spmem:s3] =	stream.indirect.scatter.add.f32 [tilespmem:s30], [sflag:$0x7], $0x80, s17, s26, $0xb8;
	[tilespmem:$0x1F4F0] =	vst v63  }
0x1da: {  	_ =	swait.ge [sflag:s22], $0x3200  }
0x1db: {  	[sflag:s22] =	ssyncset.done $0x0  }
0x1dc: {  	[sflag:s22] =	ssyncadd.s32 $0xFFFFCE00  }
0x1dd: {  	s8 =	simm.s32 $0x18BD8  }
0x1de: {  	[tilespmem:s30], [sflag:$0x2] =	stream.indirect.gather [hbm4b:s1+s26], $0x80, s8, s26, $0xb8;
	[tilespmem:$0x1F4F0] =	vst v63  }
0x1df: {  	s19 =	simm.s32 $0x16338  }
0x1e0: {  	[tilespmem:s31], [sflag:$0x4] =	stream.indirect.gather [hbm4b:s6+s26], $0x1, s19, s26, $0xb8;
	[tilespmem:$0x1F4F0] =	vst v63  }
0x1e1: {  	_ = 	snop  }
0x1e2: {  	[tilespmem:s2], [sflag:$0x6] =	stream.indirect.gather [hbm4b:s7+s26], $0x1, s8, s26, $0xb8;
	[tilespmem:$0x1F4F0] =	vst v63  }
0x1e3: {  	_ =	swait.ge [sflag:s23], $0x64  }
0x1e4: {  	[sflag:s23] =	ssyncset.done $0x0  }
0x1e5: {  	[sflag:s23] =	ssyncadd.s32 $0xFFFFFF9C  }
0x1e6: {  	_ =	swait.ge [sflag:s0], $0x64  }
0x1e7: {  	[sflag:s0] =	ssyncset.done $0x0  }
0x1e8: {  	[sflag:s0] =	ssyncadd.s32 $0xFFFFFF9C  }
0x1e9: {  	v1 =	vld [tilespmem:$0x18CB0]  }
0x1ea: {  	v2 =	vld [tilespmem:$0x18D90]  }
0x1eb: {  	v3 =	vld [tilespmem:$0x18CC0]  }
0x1ec: {  	v5 =	vld [tilespmem:$0x18CD0]  }
0x1ed: {  	v6 =	vld [tilespmem:$0x18DB0]  }
0x1ee: {  	v4 =	vld [tilespmem:$0x18DA0];
	_ =	sdelay $0x1  }
0x1ef: {  	v9 =	vld [tilespmem:$0x18DC0];
	v1 =	vadd.f32 v2, v1  }
0x1f0: {  	v2 =	vld [tilespmem:$0x18CE0]  }
0x1f1: {  	v10 =	vld [tilespmem:$0x18D00];
	v5 =	vadd.f32 v6, v5;
	v7 =	vsub.f32 $0.0e+00, v1  }
0x1f2: {  	v6 =	vld [tilespmem:$0x18DD0];
	v8 =	vmul.f32 $-2.000000030e-01, v1;
	vm0 =	vgt.f32 v1, $0.0e+00;
	v1 =	vadd.f32 v4, v3  }
0x1f3: {  	v3 =	vld [tilespmem:$0x18CF0];
	v11 =	vmul.f32 $-2.000000030e-01, v5  }
0x1f4: {  	v12 =	vld [tilespmem:$0x18DE0];
	v4 =	vsel vm0, v7, v8;
	v7 =	vsub.f32 $0.0e+00, v1;
	v8 =	vmul.f32 $-2.000000030e-01, v1  }
0x1f5: {  	vm10 =	vgt.f32 v1, $0.0e+00;
	v4 =	vmul.f32 $1.442695020e+00, v4;
	v2 =	vadd.f32 v9, v2  }
0x1f6: {  	vm11 =	vgt.f32 v5, $0.0e+00;
	v1 =	vsub.f32 $0.0e+00, v5;
	v5 =	vld [tilespmem:$0x18D10];
	v7 =	vsel vm10, v7, v8  }
0x1f7: {  	(erf) = vpow2.f32 v4;
	v4 =	vmul.f32 $1.442695020e+00, v7;
	v7 =	vld [tilespmem:$0x18DF0];
	v8 =	vsub.f32 $0.0e+00, v2  }
0x1f8: {  	v9 =	vmul.f32 $-2.000000030e-01, v2;
	vm12 =	vgt.f32 v2, $0.0e+00;
	v2 =	vadd.f32 v6, v3  }
0x1f9: {  	v1 =	vsel vm11, v1, v11;
	v6 =	vadd.f32 v12, v10  }
0x1fa: {  	v1 =	vmul.f32 $1.442695020e+00, v1;
	(erf) = vpow2.f32 v4;
	v3 =	vsub.f32 $0.0e+00, v2  }
0x1fb: {  	v4 =	vmul.f32 $-2.000000030e-01, v2;
	vm13 =	vgt.f32 v2, $0.0e+00;
	vm14 =	vgt.f32 v6, $0.0e+00  }
0x1fc: {  	(erf) = vpow2.f32 v1;
	v1 =	vsel vm12, v8, v9;
	v2 =	vadd.f32 v7, v5  }
0x1fd: {  	v3 =	vsel vm13, v3, v4;
	v4 =	vsub.f32 $0.0e+00, v6;
	v5 =	vmul.f32 $-2.000000030e-01, v6  }
0x1fe: {  	v1 =	vmul.f32 $1.442695020e+00, v1;
	v6 =	vsub.f32 $0.0e+00, v2;
	v7 =	vmul.f32 $-2.000000030e-01, v2  }
0x1ff: {  	v3 =	vmul.f32 $1.442695020e+00, v3;
	v4 =	vsel vm14, v4, v5;
	vm15 =	vgt.f32 v2, $0.0e+00  }
0x200: {  	(erf) = vpow2.f32 v1;
	v1 =	vmul.f32 $1.442695020e+00, v4;
	v2 =	vsel vm15, v6, v7  }
0x201: {  	(erf) = vpow2.f32 v3;
	v2 =	vmul.f32 $1.442695020e+00, v2  }
0x202: {  	(erf) = vpow2.f32 v1  }
0x203: {  	(erf) = vpow2.f32 v2;
	_ =	sdelay $0x2  }
0x204: {  	v1 =	vpop (erf)  }
0x205: {  	[tilespmem:$0x18C40] =	vst v1;
	v2 =	vpop (erf)  }
0x206: {  	s14 =	simm.s32 $0x0;
	v1 =	vpop (erf);
	[tilespmem:$0x18C50] =	vst v2  }
0x207: {  	s16 =	simm.s32 $0x2;
	v2 =	vpop (erf);
	[tilespmem:$0x18C60] =	vst v1;
	v1 =	vmov s14  }
0x208: {  	v3 =	vpop (erf);
	[tilespmem:$0x18C70] =	vst v2;
	v1 =	vand.u32 $0xFFFFFFFC, v1;
	v2 =	vmov s16  }
0x209: {  	[tilespmem:$0x18C80] =	vst v3;
	v1 =	vbroadcast v1, $0x0;
	v2 =	vand.u32 $0xFFFFFFFE, v2;
	v4 =	vpop (erf)  }
0x20a: {  	v2 =	vbroadcast v2, $0x0;
	[tilespmem:$0x18C90] =	vst v4;
	v3 =	vpop (erf)  }
0x20b: {  	[tilespmem:$0x18CA0] =	vst v3  }
0x20c: {  	_ =	swait.ge [sflag:s24], $0x3200  }
0x20d: {  	[sflag:s24] =	ssyncset.done $0x0  }
0x20e: {  	[sflag:s24] =	ssyncadd.s32 $0xFFFFCE00  }
0x20f: {  	v1 =	vld.idx.msk [tilespmem:v1+s9+$0x0], $0xffff  }
0x210: {  	s14 =	simm.s32 $0x18F70;
	v2 =	vld.idx.msk [tilespmem:v2+s9+$0x0], $0xffff  }
0x211: {  	s17 =	simm.s32 $0x1;
	v4 =	vld [tilespmem:s14+$0x70]  }
0x212: {  	v3 =	vmov s17;
	v5 =	vld [tilespmem:s14+$0xFFFFFF00]  }
0x213: {  	v3 =	vand.u32 $0xFFFFFFFD, v3;
	v6 =	vld [tilespmem:s14+$0xFFFFFF10]  }
0x214: {  	v3 =	vbroadcast v3, $0x0;
	v7 =	vld [tilespmem:s14+$0xFFFFFF20]  }
0x215: {  	v8 =	vld [tilespmem:s14+$0xFFFFFF30]  }
0x216: {  	v9 =	vld [tilespmem:s14+$0xFFFFFF40]  }
0x217: {  	v10 =	vld [tilespmem:s14+$0xFFFFFF50]  }
0x218: {  	v11 =	vld [tilespmem:s14+$0xFFFFFF60];
	v5 =	vmul.f32 v5, v1  }
0x219: {  	v13 =	vld [tilespmem:s14+$0x40];
	v4 =	vmul.f32 v4, v2  }
0x21a: {  	v3 =	vld.idx.msk [tilespmem:v3+s9+$0x0], $0xffff;
	[tilespmem:s14+$0xFFFFFF00] =	vst v5;
	v5 =	vmul.f32 v6, v1  }
0x21b: {  	v6 =	vld [tilespmem:s14+$0xFFFFFF70];
	[tilespmem:s14+$0x70] =	vst v4;
	v4 =	vmul.f32 v7, v1  }
0x21c: {  	v7 =	vld [tilespmem:s14+$0xFFFFFF80];
	[tilespmem:s14+$0xFFFFFF10] =	vst v5;
	v5 =	vmul.f32 v8, v1  }
0x21d: {  	v8 =	vld [tilespmem:s14+$0xFFFFFF90];
	[tilespmem:s14+$0xFFFFFF20] =	vst v4;
	v4 =	vmul.f32 v9, v1  }
0x21e: {  	v9 =	vld [tilespmem:s14+$0xFFFFFFA0];
	[tilespmem:s14+$0xFFFFFF30] =	vst v5;
	v5 =	vmul.f32 v10, v1  }
0x21f: {  	v10 =	vld [tilespmem:s14+$0xFFFFFFB0];
	[tilespmem:s14+$0xFFFFFF40] =	vst v4;
	v4 =	vmul.f32 v11, v1  }
0x220: {  	v11 =	vld [tilespmem:s14+$0xFFFFFFC0];
	v6 =	vmul.f32 v6, v1;
	[tilespmem:s14+$0xFFFFFF50] =	vst v5  }
0x221: {  	v5 =	vmul.f32 v7, v3;
	v7 =	vld [tilespmem:s14+$0xFFFFFFD0];
	[tilespmem:s14+$0xFFFFFF60] =	vst v4  }
0x222: {  	s18 =	simm.s32 $0x3;
	v4 =	vld [tilespmem:s14+$0xFFFFFFE0];
	v8 =	vmul.f32 v8, v3;
	[tilespmem:s14+$0xFFFFFF70] =	vst v6  }
0x223: {  	v12 =	vmov s18;
	v6 =	vld [tilespmem:s14+$0xFFFFFFF0];
	[tilespmem:s14+$0xFFFFFF80] =	vst v5;
	v5 =	vmul.f32 v9, v3  }
0x224: {  	v9 =	vld [tilespmem:s14+$0x0];
	[tilespmem:s14+$0xFFFFFF90] =	vst v8;
	v8 =	vmul.f32 v10, v3  }
0x225: {  	v10 =	vld [tilespmem:s14+$0x10];
	[tilespmem:s14+$0xFFFFFFA0] =	vst v5;
	v5 =	vmul.f32 v11, v3  }
0x226: {  	[tilespmem:s14+$0xFFFFFFB0] =	vst v8;
	v7 =	vmul.f32 v7, v3;
	v8 =	vld [tilespmem:s14+$0x20]  }
0x227: {  	v11 =	vld [tilespmem:s14+$0x30];
	v4 =	vmul.f32 v4, v3;
	[tilespmem:s14+$0xFFFFFFC0] =	vst v5  }
0x228: {  	v1 =	vld.idx.msk [tilespmem:v12+s9+$0x0], $0xffff;
	v3 =	vmul.f32 v6, v3;
	[tilespmem:s14+$0xFFFFFFD0] =	vst v7  }
0x229: {  	[tilespmem:s14+$0xFFFFFFE0] =	vst v4;
	v5 =	vmul.f32 v9, v2;
	v4 =	vld [tilespmem:s14+$0x50]  }
0x22a: {  	s20 =	simm.s32 $0x4;
	[tilespmem:s14+$0xFFFFFFF0] =	vst v3;
	v6 =	vmul.f32 v10, v2;
	v3 =	vld [tilespmem:s14+$0x60]  }
0x22b: {  	s25 =	simm.s32 $0x7;
	v7 =	vmov s20;
	[tilespmem:s14+$0x0] =	vst v5;
	v9 =	vmul.f32 v8, v2;
	v8 =	vld [tilespmem:s14+$0x80]  }
0x22c: {  	s13 =	simm.s32 $0x5;
	v12 =	vand.u32 $0xFFFFFFFC, v7;
	v7 =	vld [tilespmem:s14+$0x90];
	v5 =	vmov s25;
	v10 =	vmul.f32 v11, v2;
	[tilespmem:s14+$0x10] =	vst v6  }
0x22d: {  	s16 =	simm.s32 $0x18F70;
	s17 =	simm.s32 $0x8;
	v11 =	vmul.f32 v13, v2;
	v6 =	vbroadcast v12, $0x0;
	v12 =	vmov s13;
	s13 =	simm.s32 $0x6;
	[tilespmem:s14+$0x20] =	vst v9;
	v9 =	vld [tilespmem:s14+$0xA0]  }
.LBB2_10:
0x22e: {  	p0 =	slt.u32 s17, $0x60;
	v12 =	vand.u32 $0xFFFFFFFD, v12;
	v13 =	vmov s13;
	[tilespmem:s14+$0x30] =	vst v10;
	v4 =	vmul.f32 v4, v2;
	v10 =	vld [tilespmem:s14+$0xB0]  }
0x22f: {  	v12 =	vbroadcast v12, $0x0;
	v13 =	vand.u32 $0xFFFFFFFE, v13;
	[tilespmem:s14+$0x40] =	vst v11;
	v2 =	vmul.f32 v3, v2;
	v3 =	vld [tilespmem:s14+$0xC0]  }
0x230: {  	v11 =	vbroadcast v13, $0x0;
	[tilespmem:s14+$0x50] =	vst v4;
	v4 =	vmul.f32 v8, v1;
	v8 =	vld [tilespmem:s14+$0xD0]  }
0x231: {  	[tilespmem:s14+$0x60] =	vst v2;
	v2 =	vmul.f32 v7, v1;
	v7 =	vld [tilespmem:s14+$0xE0]  }
0x232: {  	[tilespmem:s14+$0x80] =	vst v4;
	v4 =	vmul.f32 v9, v1;
	v9 =	vld [tilespmem:s14+$0xF0]  }
0x233: {  	v5 =	vld.idx.msk [tilespmem:v5+s9+$0x0], $0xffff;
	[tilespmem:s14+$0x90] =	vst v2;
	v2 =	vmul.f32 v10, v1  }
0x234: {  	v6 =	vld.idx.msk [tilespmem:v6+s9+$0x0], $0xffff;
	[tilespmem:s14+$0xA0] =	vst v4;
	v3 =	vmul.f32 v3, v1  }
0x235: {  	v4 =	vld.idx.msk [tilespmem:v12+s9+$0x0], $0xffff;
	[tilespmem:s14+$0xB0] =	vst v2;
	v8 =	vmul.f32 v8, v1  }
0x236: {  	s14 =	sadd.s32 $0x200, s14;
	v2 =	vld.idx.msk [tilespmem:v11+s9+$0x0], $0xffff;
	[tilespmem:s16+$0xC0] =	vst v3;
	v3 =	vmul.f32 v7, v1  }
0x237: {  	v7 =	vld [tilespmem:s14+$0x70];
	[tilespmem:s16+$0xD0] =	vst v8;
	v9 =	vmul.f32 v9, v1  }
0x238: {  	v8 =	vld [tilespmem:s14+$0xFFFFFF00];
	[tilespmem:s16+$0xE0] =	vst v3  }
0x239: {  	v1 =	vmov v5;
	v3 =	vld [tilespmem:s14+$0xFFFFFF10];
	[tilespmem:s16+$0xF0] =	vst v9;
	s16 =	smov.u32 s14  }
0x23a: {  	v5 =	vld [tilespmem:s14+$0xFFFFFF20]  }
0x23b: {  	v9 =	vld [tilespmem:s14+$0xFFFFFF30]  }
0x23c: {  	v10 =	vld [tilespmem:s14+$0xFFFFFF40];
	v7 =	vmul.f32 v7, v2  }
0x23d: {  	v8 =	vmul.f32 v8, v6;
	v11 =	vld [tilespmem:s14+$0xFFFFFF50]  }
0x23e: {  	v3 =	vmul.f32 v3, v6;
	v12 =	vld [tilespmem:s14+$0xFFFFFF60];
	[tilespmem:s14+$0x70] =	vst v7  }
0x23f: {  	[tilespmem:s14+$0xFFFFFF00] =	vst v8;
	v5 =	vmul.f32 v5, v6;
	v7 =	vld [tilespmem:s14+$0xFFFFFF70]  }
0x240: {  	[tilespmem:s14+$0xFFFFFF10] =	vst v3;
	v3 =	vmul.f32 v9, v6;
	v8 =	vld [tilespmem:s14+$0xFFFFFF80]  }
0x241: {  	[tilespmem:s14+$0xFFFFFF20] =	vst v5;
	v5 =	vmul.f32 v10, v6;
	v9 =	vld [tilespmem:s14+$0xFFFFFF90]  }
0x242: {  	[tilespmem:s14+$0xFFFFFF30] =	vst v3;
	v3 =	vmul.f32 v11, v6;
	v10 =	vld [tilespmem:s14+$0xFFFFFFA0]  }
0x243: {  	[tilespmem:s14+$0xFFFFFF40] =	vst v5;
	v5 =	vmul.f32 v12, v6;
	v11 =	vld [tilespmem:s14+$0xFFFFFFB0]  }
0x244: {  	[tilespmem:s14+$0xFFFFFF50] =	vst v3;
	v3 =	vmul.f32 v7, v6;
	v6 =	vld [tilespmem:s14+$0xFFFFFFC0]  }
0x245: {  	[tilespmem:s14+$0xFFFFFF60] =	vst v5;
	v5 =	vmul.f32 v8, v4;
	v7 =	vld [tilespmem:s14+$0xFFFFFFD0]  }
0x246: {  	[tilespmem:s14+$0xFFFFFF70] =	vst v3;
	v3 =	vmul.f32 v9, v4;
	v8 =	vld [tilespmem:s14+$0xFFFFFFE0]  }
0x247: {  	[tilespmem:s14+$0xFFFFFF80] =	vst v5;
	v5 =	vmul.f32 v10, v4;
	v9 =	vld [tilespmem:s14+$0xFFFFFFF0]  }
0x248: {  	[tilespmem:s14+$0xFFFFFF90] =	vst v3;
	v3 =	vmul.f32 v11, v4;
	v10 =	vld [tilespmem:s14+$0x0]  }
0x249: {  	[tilespmem:s14+$0xFFFFFFA0] =	vst v5;
	v5 =	vmul.f32 v6, v4;
	v6 =	vld [tilespmem:s14+$0x10]  }
0x24a: {  	[tilespmem:s14+$0xFFFFFFB0] =	vst v3;
	v3 =	vmul.f32 v7, v4;
	v7 =	vld [tilespmem:s14+$0x20]  }
0x24b: {  	[tilespmem:s14+$0xFFFFFFC0] =	vst v5;
	v5 =	vmul.f32 v8, v4;
	v11 =	vld [tilespmem:s14+$0x30]  }
0x24c: {  	[tilespmem:s14+$0xFFFFFFD0] =	vst v3;
	v3 =	vmul.f32 v9, v4;
	v9 =	vld [tilespmem:s14+$0x40]  }
.Ltmp4:
0x24d: {  	[tilespmem:s14+$0xFFFFFFE0] =	vst v5;
	v5 =	vmul.f32 v10, v2;
	v4 =	vld [tilespmem:s14+$0x50];
	(pc) =	sbr.rel @p0 .LBB2_10-.Ltmp4, $4  }
0x24e: {  	[tilespmem:s14+$0xFFFFFFF0] =	vst v3;
	v6 =	vmul.f32 v6, v2;
	v3 =	vld [tilespmem:s14+$0x60]  }
0x24f: {  	s8 =	sadd.s32 $0x3, s17;
	v10 =	vmov s17;
	[tilespmem:s14+$0x0] =	vst v5;
	v13 =	vmul.f32 v7, v2;
	v8 =	vld [tilespmem:s14+$0x80]  }
0x250: {  	s13 =	sadd.s32 $0x1, s17;
	v12 =	vand.u32 $0xFFFFFFFC, v10;
	v5 =	vmov s8;
	[tilespmem:s14+$0x10] =	vst v6;
	v10 =	vmul.f32 v11, v2;
	v7 =	vld [tilespmem:s14+$0x90]  }
0x251: {  	v6 =	vbroadcast v12, $0x0;
	v12 =	vmov s13;
	s13 =	sadd.s32 $0x2, s17;
	s17 =	sadd.s32 $0x4, s17;
	[tilespmem:s14+$0x20] =	vst v13;
	v11 =	vmul.f32 v9, v2;
	v9 =	vld [tilespmem:s14+$0xA0]  }
0x252: {  	v13 =	vld [tilespmem:s14+$0xB0]  }
0x253: {  	v15 =	vld [tilespmem:s14+$0xC0]  }
0x254: {  	v14 =	vmov s13;
	v16 =	vld [tilespmem:s14+$0xD0]  }
0x255: {  	v17 =	vld [tilespmem:s14+$0xE0];
	[tilespmem:s14+$0x30] =	vst v10;
	v4 =	vmul.f32 v4, v2;
	v14 =	vand.u32 $0xFFFFFFFE, v14  }
0x256: {  	v12 =	vand.u32 $0xFFFFFFFD, v12;
	v5 =	vld.idx.msk [tilespmem:v5+s9+$0x0], $0xffff;
	[tilespmem:s14+$0x40] =	vst v11;
	v2 =	vmul.f32 v3, v2;
	v14 =	vbroadcast v14, $0x0  }
0x257: {  	s17 =	sadd.s32 $0x200, s14;
	v12 =	vbroadcast v12, $0x0;
	v3 =	vld.idx.msk [tilespmem:v6+s9+$0x0], $0xffff;
	v8 =	vmul.f32 v8, v1;
	[tilespmem:s14+$0x50] =	vst v4  }
0x258: {  	v10 =	vld [tilespmem:s17+$0xFFFFFF00];
	v4 =	vmul.f32 v7, v1;
	[tilespmem:s14+$0x60] =	vst v2  }
0x259: {  	[tilespmem:s14+$0x80] =	vst v8;
	v8 =	vld [tilespmem:s14+$0xF0];
	v2 =	vmul.f32 v9, v1  }
0x25a: {  	v11 =	vld [tilespmem:s17+$0xFFFFFF10];
	[tilespmem:s14+$0x90] =	vst v4;
	v4 =	vmul.f32 v13, v1  }
0x25b: {  	v9 =	vld [tilespmem:s17+$0x70];
	[tilespmem:s14+$0xA0] =	vst v2;
	v2 =	vmul.f32 v15, v1  }
0x25c: {  	[tilespmem:s14+$0xB0] =	vst v4;
	v4 =	vmul.f32 v16, v1;
	v7 =	vld.idx.msk [tilespmem:v14+s9+$0x0], $0xffff  }
0x25d: {  	v6 =	vld.idx.msk [tilespmem:v12+s9+$0x0], $0xffff;
	[tilespmem:s16+$0xC0] =	vst v2;
	v2 =	vmul.f32 v17, v1  }
0x25e: {  	v12 =	vld [tilespmem:s17+$0xFFFFFF20];
	[tilespmem:s16+$0xD0] =	vst v4;
	v1 =	vmul.f32 v8, v1  }
0x25f: {  	v4 =	vld [tilespmem:s17+$0xFFFFFF30];
	[tilespmem:s16+$0xE0] =	vst v2  }
0x260: {  	v2 =	vld [tilespmem:s17+$0xFFFFFF40];
	[tilespmem:s16+$0xF0] =	vst v1;
	v1 =	vmul.f32 v10, v3  }
0x261: {  	v8 =	vmul.f32 v9, v7;
	v9 =	vld [tilespmem:s17+$0xFFFFFF50]  }
0x262: {  	v10 =	vmul.f32 v11, v3;
	v11 =	vld [tilespmem:s17+$0xFFFFFF60];
	[tilespmem:s17+$0xFFFFFF00] =	vst v1  }
0x263: {  	v1 =	vmul.f32 v12, v3;
	[tilespmem:s17+$0x70] =	vst v8;
	v8 =	vld [tilespmem:s17+$0xFFFFFF70]  }
0x264: {  	[tilespmem:s17+$0xFFFFFF10] =	vst v10;
	v10 =	vld [tilespmem:s17+$0xFFFFFF80];
	v4 =	vmul.f32 v4, v3  }
0x265: {  	[tilespmem:s17+$0xFFFFFF20] =	vst v1;
	v1 =	vmul.f32 v2, v3;
	v2 =	vld [tilespmem:s17+$0xFFFFFF90]  }
0x266: {  	[tilespmem:s17+$0xFFFFFF30] =	vst v4;
	v4 =	vmul.f32 v9, v3;
	v9 =	vld [tilespmem:s17+$0xFFFFFFA0]  }
0x267: {  	[tilespmem:s17+$0xFFFFFF40] =	vst v1;
	v1 =	vmul.f32 v11, v3;
	v11 =	vld [tilespmem:s17+$0xFFFFFFB0]  }
0x268: {  	[tilespmem:s17+$0xFFFFFF50] =	vst v4;
	v3 =	vmul.f32 v8, v3;
	v4 =	vld [tilespmem:s17+$0xFFFFFFC0]  }
0x269: {  	[tilespmem:s17+$0xFFFFFF60] =	vst v1;
	v1 =	vmul.f32 v10, v6;
	v8 =	vld [tilespmem:s17+$0xFFFFFFD0]  }
0x26a: {  	v2 =	vmul.f32 v2, v6;
	[tilespmem:s17+$0xFFFFFF70] =	vst v3;
	v3 =	vld [tilespmem:s17+$0xFFFFFFE0]  }
0x26b: {  	[tilespmem:s17+$0xFFFFFF80] =	vst v1;
	v1 =	vmul.f32 v9, v6;
	v9 =	vld [tilespmem:s17+$0xFFFFFFF0]  }
0x26c: {  	v10 =	vld [tilespmem:s17+$0x0];
	[tilespmem:s17+$0xFFFFFF90] =	vst v2;
	v2 =	vmul.f32 v11, v6  }
0x26d: {  	[tilespmem:s17+$0xFFFFFFA0] =	vst v1;
	v1 =	vmul.f32 v4, v6;
	v4 =	vld [tilespmem:s17+$0x10]  }
0x26e: {  	[tilespmem:s17+$0xFFFFFFB0] =	vst v2;
	v2 =	vmul.f32 v8, v6;
	v8 =	vld [tilespmem:s17+$0x20]  }
0x26f: {  	[tilespmem:s17+$0xFFFFFFC0] =	vst v1;
	v1 =	vmul.f32 v3, v6;
	v3 =	vld [tilespmem:s17+$0x30]  }
0x270: {  	[tilespmem:s17+$0xFFFFFFD0] =	vst v2;
	v2 =	vmul.f32 v9, v6;
	v6 =	vld [tilespmem:s17+$0x40]  }
0x271: {  	v9 =	vld [tilespmem:s17+$0x50];
	[tilespmem:s17+$0xFFFFFFE0] =	vst v1;
	v1 =	vmul.f32 v10, v7  }
0x272: {  	[tilespmem:s17+$0xFFFFFFF0] =	vst v2;
	v2 =	vmul.f32 v4, v7;
	v4 =	vld [tilespmem:s17+$0x60]  }
0x273: {  	[tilespmem:s17+$0x0] =	vst v1;
	v1 =	vmul.f32 v8, v7;
	v8 =	vld [tilespmem:s17+$0x80]  }
0x274: {  	[tilespmem:s17+$0x10] =	vst v2;
	v2 =	vmul.f32 v3, v7;
	v3 =	vld [tilespmem:s17+$0x90]  }
0x275: {  	[tilespmem:s17+$0x20] =	vst v1;
	v1 =	vmul.f32 v6, v7;
	v6 =	vld [tilespmem:s17+$0xA0]  }
0x276: {  	[tilespmem:s17+$0x30] =	vst v2;
	v2 =	vmul.f32 v9, v7;
	v9 =	vld [tilespmem:s17+$0xB0]  }
0x277: {  	[tilespmem:s17+$0x40] =	vst v1;
	v1 =	vmul.f32 v4, v7;
	v4 =	vld [tilespmem:s17+$0xC0]  }
0x278: {  	v7 =	vld [tilespmem:s17+$0xD0];
	[tilespmem:s17+$0x50] =	vst v2;
	v2 =	vmul.f32 v8, v5  }
0x279: {  	[tilespmem:s17+$0x60] =	vst v1;
	v1 =	vmul.f32 v3, v5;
	v3 =	vld [tilespmem:s17+$0xE0]  }
0x27a: {  	[tilespmem:s17+$0x80] =	vst v2;
	v2 =	vmul.f32 v6, v5;
	v6 =	vld [tilespmem:s17+$0xF0]  }
0x27b: {  	[tilespmem:s17+$0x90] =	vst v1;
	v1 =	vmul.f32 v9, v5  }
0x27c: {  	[tilespmem:s17+$0xA0] =	vst v2;
	v2 =	vmul.f32 v4, v5  }
0x27d: {  	[tilespmem:s17+$0xB0] =	vst v1;
	v1 =	vmul.f32 v7, v5  }
0x27e: {  	[tilespmem:s17+$0xC0] =	vst v2;
	v2 =	vmul.f32 v3, v5  }
0x27f: {  	[tilespmem:s17+$0xD0] =	vst v1;
	v1 =	vmul.f32 v6, v5  }
0x280: {  	[tilespmem:s17+$0xE0] =	vst v2  }
0x281: {  	s8 =	simm.s32 $0x162D0;
	[tilespmem:s17+$0xF0] =	vst v1  }
0x282: {  	[spmem:s4] =	stream.indirect.scatter.add.f32 [tilespmem:s9], [sflag:$0x7], $0x1, s8, s26, $0xb8;
	[tilespmem:$0x1F4F0] =	vst v63  }
0x283: {  	_ =	swait.ge [sflag:s22], $0x64  }
0x284: {  	[sflag:s22] =	ssyncset.done $0x0  }
0x285: {  	[sflag:s22] =	ssyncadd.s32 $0xFFFFFF9C  }
0x286: {  	[spmem:s3] =	stream.indirect.scatter.add.f32 [tilespmem:s21], [sflag:$0x7], $0x80, s8, s26, $0xb8;
	[tilespmem:$0x1F4F0] =	vst v63  }
0x287: {  	_ =	swait.ge [sflag:s22], $0x3200  }
0x288: {  	[sflag:s22] =	ssyncset.done $0x0  }
0x289: {  	[sflag:s22] =	ssyncadd.s32 $0xFFFFCE00  }
0x28a: {  	_ =	swait.ge [sflag:s10], $0x64  }
0x28b: {  	[sflag:s10] =	ssyncset.done $0x0  }
0x28c: {  	[sflag:s10] =	ssyncadd.s32 $0xFFFFFF9C  }
0x28d: {  	_ =	swait.ge [sflag:s11], $0x64  }
0x28e: {  	[sflag:s11] =	ssyncset.done $0x0  }
0x28f: {  	[sflag:s11] =	ssyncadd.s32 $0xFFFFFF9C  }
0x290: {  	v1 =	vld [tilespmem:$0x18D20]  }
0x291: {  	v2 =	vld [tilespmem:$0x18E00]  }
0x292: {  	v3 =	vld [tilespmem:$0x18D30]  }
0x293: {  	v5 =	vld [tilespmem:$0x18D40]  }
0x294: {  	v6 =	vld [tilespmem:$0x18E20]  }
0x295: {  	v4 =	vld [tilespmem:$0x18E10];
	_ =	sdelay $0x1  }
0x296: {  	v9 =	vld [tilespmem:$0x18E30];
	v1 =	vadd.f32 v2, v1  }
0x297: {  	v2 =	vld [tilespmem:$0x18D50]  }
0x298: {  	v10 =	vld [tilespmem:$0x18D70];
	v5 =	vadd.f32 v6, v5;
	v7 =	vsub.f32 $0.0e+00, v1  }
0x299: {  	v6 =	vld [tilespmem:$0x18E40];
	v8 =	vmul.f32 $-2.000000030e-01, v1;
	vm0 =	vgt.f32 v1, $0.0e+00;
	v1 =	vadd.f32 v4, v3  }
0x29a: {  	v3 =	vld [tilespmem:$0x18D60];
	v11 =	vmul.f32 $-2.000000030e-01, v5  }
0x29b: {  	v12 =	vld [tilespmem:$0x18E50];
	v4 =	vsel vm0, v7, v8;
	v7 =	vsub.f32 $0.0e+00, v1;
	v8 =	vmul.f32 $-2.000000030e-01, v1  }
0x29c: {  	vm10 =	vgt.f32 v1, $0.0e+00;
	v4 =	vmul.f32 $1.442695020e+00, v4;
	v2 =	vadd.f32 v9, v2  }
0x29d: {  	vm11 =	vgt.f32 v5, $0.0e+00;
	v1 =	vsub.f32 $0.0e+00, v5;
	v5 =	vld [tilespmem:$0x18D80];
	v7 =	vsel vm10, v7, v8  }
0x29e: {  	(erf) = vpow2.f32 v4;
	v4 =	vmul.f32 $1.442695020e+00, v7;
	v7 =	vld [tilespmem:$0x18E60];
	v8 =	vsub.f32 $0.0e+00, v2  }
0x29f: {  	v9 =	vmul.f32 $-2.000000030e-01, v2;
	vm12 =	vgt.f32 v2, $0.0e+00;
	v2 =	vadd.f32 v6, v3  }
0x2a0: {  	v1 =	vsel vm11, v1, v11;
	v6 =	vadd.f32 v12, v10  }
0x2a1: {  	v1 =	vmul.f32 $1.442695020e+00, v1;
	(erf) = vpow2.f32 v4;
	v3 =	vsub.f32 $0.0e+00, v2  }
0x2a2: {  	v4 =	vmul.f32 $-2.000000030e-01, v2;
	vm13 =	vgt.f32 v2, $0.0e+00;
	vm14 =	vgt.f32 v6, $0.0e+00  }
0x2a3: {  	(erf) = vpow2.f32 v1;
	v1 =	vsel vm12, v8, v9;
	v2 =	vadd.f32 v7, v5  }
0x2a4: {  	v3 =	vsel vm13, v3, v4;
	v4 =	vsub.f32 $0.0e+00, v6;
	v5 =	vmul.f32 $-2.000000030e-01, v6  }
0x2a5: {  	v1 =	vmul.f32 $1.442695020e+00, v1;
	v6 =	vsub.f32 $0.0e+00, v2;
	v7 =	vmul.f32 $-2.000000030e-01, v2  }
0x2a6: {  	v3 =	vmul.f32 $1.442695020e+00, v3;
	v4 =	vsel vm14, v4, v5;
	vm15 =	vgt.f32 v2, $0.0e+00  }
0x2a7: {  	(erf) = vpow2.f32 v1;
	v1 =	vmul.f32 $1.442695020e+00, v4;
	v2 =	vsel vm15, v6, v7  }
0x2a8: {  	(erf) = vpow2.f32 v3;
	v2 =	vmul.f32 $1.442695020e+00, v2  }
0x2a9: {  	(erf) = vpow2.f32 v1  }
0x2aa: {  	(erf) = vpow2.f32 v2;
	_ =	sdelay $0x2  }
0x2ab: {  	v1 =	vpop (erf)  }
0x2ac: {  	[tilespmem:$0x18C40] =	vst v1;
	v2 =	vpop (erf)  }
0x2ad: {  	s13 =	simm.s32 $0x0;
	v1 =	vpop (erf);
	[tilespmem:$0x18C50] =	vst v2  }
0x2ae: {  	s14 =	simm.s32 $0x2;
	v2 =	vpop (erf);
	[tilespmem:$0x18C60] =	vst v1;
	v1 =	vmov s13  }
0x2af: {  	v3 =	vpop (erf);
	[tilespmem:$0x18C70] =	vst v2;
	v1 =	vand.u32 $0xFFFFFFFC, v1;
	v2 =	vmov s14  }
0x2b0: {  	[tilespmem:$0x18C80] =	vst v3;
	v1 =	vbroadcast v1, $0x0;
	v2 =	vand.u32 $0xFFFFFFFE, v2;
	v4 =	vpop (erf)  }
0x2b1: {  	v2 =	vbroadcast v2, $0x0;
	[tilespmem:$0x18C90] =	vst v4;
	v3 =	vpop (erf)  }
0x2b2: {  	[tilespmem:$0x18CA0] =	vst v3  }
0x2b3: {  	_ =	swait.ge [sflag:s12], $0x3200  }
0x2b4: {  	[sflag:s12] =	ssyncset.done $0x0  }
0x2b5: {  	[sflag:s12] =	ssyncadd.s32 $0xFFFFCE00  }
0x2b6: {  	v1 =	vld.idx.msk [tilespmem:v1+s9+$0x0], $0xffff  }
0x2b7: {  	s14 =	simm.s32 $0x1C170;
	v2 =	vld.idx.msk [tilespmem:v2+s9+$0x0], $0xffff  }
0x2b8: {  	s16 =	simm.s32 $0x1;
	v4 =	vld [tilespmem:s14+$0x70]  }
0x2b9: {  	v3 =	vmov s16;
	v5 =	vld [tilespmem:s14+$0xFFFFFF00]  }
0x2ba: {  	v3 =	vand.u32 $0xFFFFFFFD, v3;
	v6 =	vld [tilespmem:s14+$0xFFFFFF10]  }
0x2bb: {  	v3 =	vbroadcast v3, $0x0;
	v7 =	vld [tilespmem:s14+$0xFFFFFF20]  }
0x2bc: {  	v8 =	vld [tilespmem:s14+$0xFFFFFF30]  }
0x2bd: {  	v9 =	vld [tilespmem:s14+$0xFFFFFF40]  }
0x2be: {  	v10 =	vld [tilespmem:s14+$0xFFFFFF50]  }
0x2bf: {  	v11 =	vld [tilespmem:s14+$0xFFFFFF60];
	v5 =	vmul.f32 v5, v1  }
0x2c0: {  	v13 =	vld [tilespmem:s14+$0x40];
	v4 =	vmul.f32 v4, v2  }
0x2c1: {  	v3 =	vld.idx.msk [tilespmem:v3+s9+$0x0], $0xffff;
	[tilespmem:s14+$0xFFFFFF00] =	vst v5;
	v5 =	vmul.f32 v6, v1  }
0x2c2: {  	v6 =	vld [tilespmem:s14+$0xFFFFFF70];
	[tilespmem:s14+$0x70] =	vst v4;
	v4 =	vmul.f32 v7, v1  }
0x2c3: {  	v7 =	vld [tilespmem:s14+$0xFFFFFF80];
	[tilespmem:s14+$0xFFFFFF10] =	vst v5;
	v5 =	vmul.f32 v8, v1  }
0x2c4: {  	v8 =	vld [tilespmem:s14+$0xFFFFFF90];
	[tilespmem:s14+$0xFFFFFF20] =	vst v4;
	v4 =	vmul.f32 v9, v1  }
0x2c5: {  	v9 =	vld [tilespmem:s14+$0xFFFFFFA0];
	[tilespmem:s14+$0xFFFFFF30] =	vst v5;
	v5 =	vmul.f32 v10, v1  }
0x2c6: {  	v10 =	vld [tilespmem:s14+$0xFFFFFFB0];
	[tilespmem:s14+$0xFFFFFF40] =	vst v4;
	v4 =	vmul.f32 v11, v1  }
0x2c7: {  	v11 =	vld [tilespmem:s14+$0xFFFFFFC0];
	v6 =	vmul.f32 v6, v1;
	[tilespmem:s14+$0xFFFFFF50] =	vst v5  }
0x2c8: {  	v5 =	vmul.f32 v7, v3;
	v7 =	vld [tilespmem:s14+$0xFFFFFFD0];
	[tilespmem:s14+$0xFFFFFF60] =	vst v4  }
0x2c9: {  	s17 =	simm.s32 $0x3;
	v4 =	vld [tilespmem:s14+$0xFFFFFFE0];
	v8 =	vmul.f32 v8, v3;
	[tilespmem:s14+$0xFFFFFF70] =	vst v6  }
0x2ca: {  	v12 =	vmov s17;
	v6 =	vld [tilespmem:s14+$0xFFFFFFF0];
	[tilespmem:s14+$0xFFFFFF80] =	vst v5;
	v5 =	vmul.f32 v9, v3  }
0x2cb: {  	v9 =	vld [tilespmem:s14+$0x0];
	[tilespmem:s14+$0xFFFFFF90] =	vst v8;
	v8 =	vmul.f32 v10, v3  }
0x2cc: {  	v10 =	vld [tilespmem:s14+$0x10];
	[tilespmem:s14+$0xFFFFFFA0] =	vst v5;
	v5 =	vmul.f32 v11, v3  }
0x2cd: {  	[tilespmem:s14+$0xFFFFFFB0] =	vst v8;
	v7 =	vmul.f32 v7, v3;
	v8 =	vld [tilespmem:s14+$0x20]  }
0x2ce: {  	v11 =	vld [tilespmem:s14+$0x30];
	v4 =	vmul.f32 v4, v3;
	[tilespmem:s14+$0xFFFFFFC0] =	vst v5  }
0x2cf: {  	v1 =	vld.idx.msk [tilespmem:v12+s9+$0x0], $0xffff;
	v3 =	vmul.f32 v6, v3;
	[tilespmem:s14+$0xFFFFFFD0] =	vst v7  }
0x2d0: {  	[tilespmem:s14+$0xFFFFFFE0] =	vst v4;
	v5 =	vmul.f32 v9, v2;
	v4 =	vld [tilespmem:s14+$0x50]  }
0x2d1: {  	s18 =	simm.s32 $0x4;
	[tilespmem:s14+$0xFFFFFFF0] =	vst v3;
	v6 =	vmul.f32 v10, v2;
	v3 =	vld [tilespmem:s14+$0x60]  }
0x2d2: {  	s20 =	simm.s32 $0x7;
	v7 =	vmov s18;
	[tilespmem:s14+$0x0] =	vst v5;
	v9 =	vmul.f32 v8, v2;
	v8 =	vld [tilespmem:s14+$0x80]  }
0x2d3: {  	s25 =	simm.s32 $0x5;
	s17 =	simm.s32 $0x8;
	v12 =	vand.u32 $0xFFFFFFFC, v7;
	v7 =	vld [tilespmem:s14+$0x90];
	v5 =	vmov s20;
	v10 =	vmul.f32 v11, v2;
	[tilespmem:s14+$0x10] =	vst v6  }
0x2d4: {  	s13 =	simm.s32 $0x6;
	s16 =	simm.s32 $0x1C170;
	s18 =	smov.u32 s15;
	v11 =	vmul.f32 v13, v2;
	v6 =	vbroadcast v12, $0x0;
	v12 =	vmov s25;
	[tilespmem:s14+$0x20] =	vst v9;
	v9 =	vld [tilespmem:s14+$0xA0]  }
.LBB2_12:
0x2d5: {  	p0 =	slt.u32 s17, $0x60;
	v12 =	vand.u32 $0xFFFFFFFD, v12;
	v13 =	vmov s13;
	[tilespmem:s14+$0x30] =	vst v10;
	v4 =	vmul.f32 v4, v2;
	v10 =	vld [tilespmem:s14+$0xB0]  }
0x2d6: {  	v12 =	vbroadcast v12, $0x0;
	v13 =	vand.u32 $0xFFFFFFFE, v13;
	[tilespmem:s14+$0x40] =	vst v11;
	v2 =	vmul.f32 v3, v2;
	v3 =	vld [tilespmem:s14+$0xC0]  }
0x2d7: {  	v11 =	vbroadcast v13, $0x0;
	[tilespmem:s14+$0x50] =	vst v4;
	v4 =	vmul.f32 v8, v1;
	v8 =	vld [tilespmem:s14+$0xD0]  }
0x2d8: {  	[tilespmem:s14+$0x60] =	vst v2;
	v2 =	vmul.f32 v7, v1;
	v7 =	vld [tilespmem:s14+$0xE0]  }
0x2d9: {  	[tilespmem:s14+$0x80] =	vst v4;
	v4 =	vmul.f32 v9, v1;
	v9 =	vld [tilespmem:s14+$0xF0]  }
0x2da: {  	v5 =	vld.idx.msk [tilespmem:v5+s9+$0x0], $0xffff;
	[tilespmem:s14+$0x90] =	vst v2;
	v2 =	vmul.f32 v10, v1  }
0x2db: {  	v6 =	vld.idx.msk [tilespmem:v6+s9+$0x0], $0xffff;
	[tilespmem:s14+$0xA0] =	vst v4;
	v3 =	vmul.f32 v3, v1  }
0x2dc: {  	v4 =	vld.idx.msk [tilespmem:v12+s9+$0x0], $0xffff;
	[tilespmem:s14+$0xB0] =	vst v2;
	v8 =	vmul.f32 v8, v1  }
0x2dd: {  	s14 =	sadd.s32 $0x200, s14;
	v2 =	vld.idx.msk [tilespmem:v11+s9+$0x0], $0xffff;
	[tilespmem:s16+$0xC0] =	vst v3;
	v3 =	vmul.f32 v7, v1  }
0x2de: {  	v7 =	vld [tilespmem:s14+$0x70];
	[tilespmem:s16+$0xD0] =	vst v8;
	v9 =	vmul.f32 v9, v1  }
0x2df: {  	v8 =	vld [tilespmem:s14+$0xFFFFFF00];
	[tilespmem:s16+$0xE0] =	vst v3  }
0x2e0: {  	v1 =	vmov v5;
	v3 =	vld [tilespmem:s14+$0xFFFFFF10];
	[tilespmem:s16+$0xF0] =	vst v9;
	s16 =	smov.u32 s14  }
0x2e1: {  	v5 =	vld [tilespmem:s14+$0xFFFFFF20]  }
0x2e2: {  	v9 =	vld [tilespmem:s14+$0xFFFFFF30]  }
0x2e3: {  	v10 =	vld [tilespmem:s14+$0xFFFFFF40];
	v7 =	vmul.f32 v7, v2  }
0x2e4: {  	v8 =	vmul.f32 v8, v6;
	v11 =	vld [tilespmem:s14+$0xFFFFFF50]  }
0x2e5: {  	v3 =	vmul.f32 v3, v6;
	v12 =	vld [tilespmem:s14+$0xFFFFFF60];
	[tilespmem:s14+$0x70] =	vst v7  }
0x2e6: {  	[tilespmem:s14+$0xFFFFFF00] =	vst v8;
	v5 =	vmul.f32 v5, v6;
	v7 =	vld [tilespmem:s14+$0xFFFFFF70]  }
0x2e7: {  	[tilespmem:s14+$0xFFFFFF10] =	vst v3;
	v3 =	vmul.f32 v9, v6;
	v8 =	vld [tilespmem:s14+$0xFFFFFF80]  }
0x2e8: {  	[tilespmem:s14+$0xFFFFFF20] =	vst v5;
	v5 =	vmul.f32 v10, v6;
	v9 =	vld [tilespmem:s14+$0xFFFFFF90]  }
0x2e9: {  	[tilespmem:s14+$0xFFFFFF30] =	vst v3;
	v3 =	vmul.f32 v11, v6;
	v10 =	vld [tilespmem:s14+$0xFFFFFFA0]  }
0x2ea: {  	[tilespmem:s14+$0xFFFFFF40] =	vst v5;
	v5 =	vmul.f32 v12, v6;
	v11 =	vld [tilespmem:s14+$0xFFFFFFB0]  }
0x2eb: {  	[tilespmem:s14+$0xFFFFFF50] =	vst v3;
	v3 =	vmul.f32 v7, v6;
	v6 =	vld [tilespmem:s14+$0xFFFFFFC0]  }
0x2ec: {  	[tilespmem:s14+$0xFFFFFF60] =	vst v5;
	v5 =	vmul.f32 v8, v4;
	v7 =	vld [tilespmem:s14+$0xFFFFFFD0]  }
0x2ed: {  	[tilespmem:s14+$0xFFFFFF70] =	vst v3;
	v3 =	vmul.f32 v9, v4;
	v8 =	vld [tilespmem:s14+$0xFFFFFFE0]  }
0x2ee: {  	[tilespmem:s14+$0xFFFFFF80] =	vst v5;
	v5 =	vmul.f32 v10, v4;
	v9 =	vld [tilespmem:s14+$0xFFFFFFF0]  }
0x2ef: {  	[tilespmem:s14+$0xFFFFFF90] =	vst v3;
	v3 =	vmul.f32 v11, v4;
	v10 =	vld [tilespmem:s14+$0x0]  }
0x2f0: {  	[tilespmem:s14+$0xFFFFFFA0] =	vst v5;
	v5 =	vmul.f32 v6, v4;
	v6 =	vld [tilespmem:s14+$0x10]  }
0x2f1: {  	[tilespmem:s14+$0xFFFFFFB0] =	vst v3;
	v3 =	vmul.f32 v7, v4;
	v7 =	vld [tilespmem:s14+$0x20]  }
0x2f2: {  	[tilespmem:s14+$0xFFFFFFC0] =	vst v5;
	v5 =	vmul.f32 v8, v4;
	v11 =	vld [tilespmem:s14+$0x30]  }
0x2f3: {  	[tilespmem:s14+$0xFFFFFFD0] =	vst v3;
	v3 =	vmul.f32 v9, v4;
	v9 =	vld [tilespmem:s14+$0x40]  }
.Ltmp5:
0x2f4: {  	[tilespmem:s14+$0xFFFFFFE0] =	vst v5;
	v5 =	vmul.f32 v10, v2;
	v4 =	vld [tilespmem:s14+$0x50];
	(pc) =	sbr.rel @p0 .LBB2_12-.Ltmp5, $4  }
0x2f5: {  	[tilespmem:s14+$0xFFFFFFF0] =	vst v3;
	v6 =	vmul.f32 v6, v2;
	v3 =	vld [tilespmem:s14+$0x60]  }
0x2f6: {  	s8 =	sadd.s32 $0x3, s17;
	v10 =	vmov s17;
	[tilespmem:s14+$0x0] =	vst v5;
	v13 =	vmul.f32 v7, v2;
	v8 =	vld [tilespmem:s14+$0x80]  }
0x2f7: {  	s13 =	sadd.s32 $0x1, s17;
	v12 =	vand.u32 $0xFFFFFFFC, v10;
	v5 =	vmov s8;
	[tilespmem:s14+$0x10] =	vst v6;
	v10 =	vmul.f32 v11, v2;
	v7 =	vld [tilespmem:s14+$0x90]  }
0x2f8: {  	v6 =	vbroadcast v12, $0x0;
	v12 =	vmov s13;
	s13 =	sadd.s32 $0x2, s17;
	s17 =	sadd.s32 $0x4, s17;
	[tilespmem:s14+$0x20] =	vst v13;
	v11 =	vmul.f32 v9, v2;
	v9 =	vld [tilespmem:s14+$0xA0]  }
0x2f9: {  	v13 =	vld [tilespmem:s14+$0xB0]  }
0x2fa: {  	v15 =	vld [tilespmem:s14+$0xC0]  }
0x2fb: {  	v16 =	vld [tilespmem:s14+$0xD0]  }
0x2fc: {  	v17 =	vld [tilespmem:s14+$0xE0]  }
0x2fd: {  	v29 =	vld [tilespmem:s14+$0xF0];
	[tilespmem:s14+$0x30] =	vst v10;
	v4 =	vmul.f32 v4, v2  }
0x2fe: {  	v5 =	vld.idx.msk [tilespmem:v5+s9+$0x0], $0xffff;
	[tilespmem:s14+$0x40] =	vst v11;
	v2 =	vmul.f32 v3, v2  }
0x2ff: {  	s17 =	sadd.s32 $0x200, s14;
	v3 =	vld.idx.msk [tilespmem:v6+s9+$0x0], $0xffff;
	v8 =	vmul.f32 v8, v1;
	[tilespmem:s14+$0x50] =	vst v4  }
0x300: {  	v14 =	vmov s13;
	v34 =	vld [tilespmem:s17+$0x70];
	v30 =	vmul.f32 v7, v1;
	[tilespmem:s14+$0x60] =	vst v2  }
0x301: {  	v14 =	vand.u32 $0xFFFFFFFE, v14;
	v35 =	vld [tilespmem:s17+$0xFFFFFF00];
	[tilespmem:s14+$0x80] =	vst v8;
	v2 =	vmul.f32 v9, v1  }
0x302: {  	v37 =	vld [tilespmem:s17+$0xFFFFFF10];
	v14 =	vbroadcast v14, $0x0;
	[tilespmem:s14+$0x90] =	vst v30;
	v33 =	vmul.f32 v13, v1  }
0x303: {  	v38 =	vld [tilespmem:s17+$0xFFFFFF20];
	[tilespmem:s14+$0xA0] =	vst v2;
	v2 =	vmul.f32 v15, v1  }
0x304: {  	v12 =	vand.u32 $0xFFFFFFFD, v12;
	v39 =	vld [tilespmem:s17+$0xFFFFFF30];
	v36 =	vmul.f32 v16, v1;
	[tilespmem:s14+$0xB0] =	vst v33  }
0x305: {  	v12 =	vbroadcast v12, $0x0;
	v41 =	vld [tilespmem:s17+$0xFFFFFF50];
	[tilespmem:s16+$0xC0] =	vst v2;
	v2 =	vmul.f32 v17, v1  }
0x306: {  	v43 =	vld [tilespmem:s17+$0xFFFFFF60];
	[tilespmem:s16+$0xD0] =	vst v36;
	v1 =	vmul.f32 v29, v1  }
0x307: {  	v42 =	vmul.f32 v37, v3;
	[tilespmem:s16+$0xE0] =	vst v2;
	v2 =	vld [tilespmem:s17+$0xFFFFFF40]  }
0x308: {  	v32 =	vld.idx.msk [tilespmem:v14+s9+$0x0], $0xffff;
	[tilespmem:s16+$0xF0] =	vst v1;
	v1 =	vmul.f32 v35, v3  }
0x309: {  	v44 =	vld [tilespmem:s17+$0xFFFFFF70];
	v4 =	vmul.f32 v39, v3;
	[tilespmem:s17+$0xFFFFFF10] =	vst v42  }
0x30a: {  	v45 =	vld [tilespmem:s17+$0xFFFFFF80];
	[tilespmem:s17+$0xFFFFFF00] =	vst v1;
	v1 =	vmul.f32 v38, v3  }
0x30b: {  	v46 =	vmul.f32 v41, v3;
	v31 =	vld.idx.msk [tilespmem:v12+s9+$0x0], $0xffff;
	[tilespmem:s17+$0xFFFFFF30] =	vst v4  }
0x30c: {  	[tilespmem:s17+$0xFFFFFF20] =	vst v1;
	v1 =	vmul.f32 v2, v3;
	v2 =	vld [tilespmem:s17+$0xFFFFFF90]  }
0x30d: {  	v47 =	vld [tilespmem:s17+$0xFFFFFFA0];
	[tilespmem:s17+$0xFFFFFF50] =	vst v46;
	v40 =	vmul.f32 v34, v32  }
0x30e: {  	v48 =	vld [tilespmem:s17+$0xFFFFFFB0];
	[tilespmem:s17+$0xFFFFFF40] =	vst v1;
	v1 =	vmul.f32 v43, v3  }
0x30f: {  	v49 =	vld [tilespmem:s17+$0xFFFFFFC0];
	[tilespmem:s17+$0x70] =	vst v40;
	v3 =	vmul.f32 v44, v3  }
0x310: {  	v50 =	vld [tilespmem:s17+$0xFFFFFFD0];
	[tilespmem:s17+$0xFFFFFF60] =	vst v1;
	v1 =	vmul.f32 v45, v31  }
0x311: {  	[tilespmem:s17+$0xFFFFFF70] =	vst v3;
	v3 =	vld [tilespmem:s17+$0xFFFFFFE0];
	v2 =	vmul.f32 v2, v31  }
0x312: {  	v51 =	vld [tilespmem:s17+$0xFFFFFFF0];
	[tilespmem:s17+$0xFFFFFF80] =	vst v1;
	v1 =	vmul.f32 v47, v31  }
0x313: {  	v52 =	vld [tilespmem:s17+$0x0];
	[tilespmem:s17+$0xFFFFFF90] =	vst v2;
	v2 =	vmul.f32 v48, v31  }
0x314: {  	v53 =	vld [tilespmem:s17+$0x10];
	[tilespmem:s17+$0xFFFFFFA0] =	vst v1;
	v1 =	vmul.f32 v49, v31  }
0x315: {  	v54 =	vld [tilespmem:s17+$0x20];
	[tilespmem:s17+$0xFFFFFFB0] =	vst v2;
	v2 =	vmul.f32 v50, v31  }
0x316: {  	[tilespmem:s17+$0xFFFFFFC0] =	vst v1;
	v1 =	vmul.f32 v3, v31;
	v3 =	vld [tilespmem:s17+$0x30]  }
0x317: {  	v55 =	vld [tilespmem:s17+$0x40];
	[tilespmem:s17+$0xFFFFFFD0] =	vst v2;
	v2 =	vmul.f32 v51, v31  }
0x318: {  	v56 =	vld [tilespmem:s17+$0x50];
	[tilespmem:s17+$0xFFFFFFE0] =	vst v1;
	v1 =	vmul.f32 v52, v32  }
0x319: {  	v57 =	vld [tilespmem:s17+$0x60];
	[tilespmem:s17+$0xFFFFFFF0] =	vst v2;
	v2 =	vmul.f32 v53, v32  }
0x31a: {  	v58 =	vld [tilespmem:s17+$0x80];
	[tilespmem:s17+$0x0] =	vst v1;
	v1 =	vmul.f32 v54, v32  }
0x31b: {  	[tilespmem:s17+$0x10] =	vst v2;
	v2 =	vmul.f32 v3, v32;
	v3 =	vld [tilespmem:s17+$0x90]  }
0x31c: {  	v59 =	vld [tilespmem:s17+$0xA0];
	[tilespmem:s17+$0x20] =	vst v1;
	v1 =	vmul.f32 v55, v32  }
0x31d: {  	v60 =	vld [tilespmem:s17+$0xB0];
	[tilespmem:s17+$0x30] =	vst v2;
	v2 =	vmul.f32 v56, v32  }
0x31e: {  	v61 =	vld [tilespmem:s17+$0xC0];
	[tilespmem:s17+$0x40] =	vst v1;
	v1 =	vmul.f32 v57, v32  }
0x31f: {  	v62 =	vld [tilespmem:s17+$0xD0];
	[tilespmem:s17+$0x50] =	vst v2;
	v2 =	vmul.f32 v58, v5  }
0x320: {  	[tilespmem:s17+$0x60] =	vst v1;
	v1 =	vmul.f32 v3, v5;
	v3 =	vld [tilespmem:s17+$0xE0]  }
0x321: {  	v63 =	vld [tilespmem:s17+$0xF0];
	[tilespmem:s17+$0x80] =	vst v2;
	v2 =	vmul.f32 v59, v5  }
0x322: {  	[tilespmem:s17+$0x90] =	vst v1;
	v1 =	vmul.f32 v60, v5  }
0x323: {  	[tilespmem:s17+$0xA0] =	vst v2;
	v2 =	vmul.f32 v61, v5  }
0x324: {  	[tilespmem:s17+$0xB0] =	vst v1;
	v1 =	vmul.f32 v62, v5  }
0x325: {  	[tilespmem:s17+$0xC0] =	vst v2;
	v2 =	vmul.f32 v3, v5  }
0x326: {  	[tilespmem:s17+$0xD0] =	vst v1;
	v1 =	vmul.f32 v63, v5  }
0x327: {  	[tilespmem:s17+$0xE0] =	vst v2  }
0x328: {  	[tilespmem:s17+$0xF0] =	vst v1  }
0x329: {  	[spmem:s4] =	stream.indirect.scatter.add.f32 [tilespmem:s9], [sflag:$0x7], $0x1, s19, s26, $0xb8;
	[tilespmem:$0x1F4F0] =	vst v63  }
0x32a: {  	_ =	swait.ge [sflag:s22], $0x64  }
0x32b: {  	[sflag:s22] =	ssyncset.done $0x0  }
0x32c: {  	[sflag:s22] =	ssyncadd.s32 $0xFFFFFF9C  }
0x32d: {  	[spmem:s3] =	stream.indirect.scatter.add.f32 [tilespmem:s30], [sflag:$0x7], $0x80, s19, s26, $0xb8;
	[tilespmem:$0x1F4F0] =	vst v63  }
0x32e: {  	_ =	swait.ge [sflag:s22], $0x3200  }
0x32f: {  	[sflag:s22] =	ssyncset.done $0x0  }
0x330: {  	[sflag:s22] =	ssyncadd.s32 $0xFFFFCE00  }
0x331: {  	s8 =	stileid.u32;
	[bflag:$0x0] =	sbarrier.arrive $0xFFFF  }
0x332: {  	s8 =	sshll.u32 s8, $0x6;
	s17 =	rddreg [dreg:$0xb]  }
0x333: {  	s8 =	sor.u32 $0x1C07, s8;
	s16 =	rddreg [dreg:$0xe];
	s15 =	sshrl.u32 s17, $0x3  }
0x334: {  	[hbm:s16], [sflag:s8] =	dma.local [spmem:s15], $0x2710  }
0x335: {  	_ =	swait.ge [sflag:s22], $0x2710  }
0x336: {  	[sflag:s22] =	ssyncset.done $0x0  }
0x337: {  	s19 =	sshrl.u32 s18, $0x3;
	s20 =	rddreg [dreg:$0xf];
	[sflag:s22] =	ssyncadd.s32 $0xFFFFD8F0  }
0x338: {  	[hbm:s20], [sflag:s8] =	dma.local [spmem:s19], $0x50  }
0x339: {  	_ =	swait.ge [sflag:s22], $0x50  }
0x33a: {  	s5 =	sadd.s32 $0x1, s5;
	s25 =	rddreg [dreg:$0x10]  }
0x33b: {  	p0 =	sne.s32 s5, s25  }
.Ltmp6:
0x33c: {  	_ = 	snop;
	(pc) =	sbr.rel @p0 .LBB2_1-.Ltmp6, $3  }
0x33d: {  	_ =	sdelay $0x1  }
0x33e: {  	[sflag:s22] =	ssyncset.done $0x0  }
0x33f: {  	[sflag:s22] =	ssyncadd.s32 $0xFFFFFFB0  }
0x340: {  	_ =	sfence.sel $0x180000  }
0x341: {  	[bflag:$0x0] =	sbarrier.arrive $0xFFFF  }
0x342: {  	_ =	strace $0x90000047  }
0x343: {  	s0 =	stileid.u32;
	[bflag:$0x2] =	sbarrier.arrive $0xFFFF  }
0x344: {  	p0 =	sne.s32 s0, $0x0;
	s0 =	rddreg [dreg:$0x4]  }
0x345: {  	s0 =	sadd.s32 @!p0 $0x100000, s0  }
0x346: {  	[sflag:s0] =	ssyncadd.tile.s32 @!p0 $0x1;
	_ =	shalt  }
.Lfunc_end2:
_tile_overlayer_lowered:
.L_overlay_start_2:
0x347: {  	(tag) =	ssettag $0x2  }
0x348: {  	s0 =	rddreg [dreg:$0x0];
	s2 =	stileid.u32  }
0x349: {  	s1 =	rddreg [dreg:$0x1];
	p0 =	sne.s32 s2, $0x0  }
0x34a: {  	s3 =	rddreg [dreg:$0x2];
	[bflag:$0x3] =	sbarrier.arrive $0xFFFF;
	s2 =	simm.s32 @!p0 $0x1C07  }
0x34b: {  	[timem:s3], [sflag:s2] =	dma.local @!p0 [hbm:s0], s1  }
0x34c: {  	s0 =	simm.s32 @!p0 $0x7  }
0x34d: {  	_ =	swait.ge @!p0 [sflag:s0], s1  }
0x34e: {  	s1 =	ssub.s32 @!p0 $0x0, s1;
	[sflag:s0] =	ssyncset.done @!p0 $0x0  }
0x34f: {  	[sflag:s0] =	ssyncadd.s32 @!p0 s1  }
0x350: {  	[bflag:$0x3] =	sbarrier.arrive $0xFFFF  }
0x351: {  	_ =	shalt  }

</sc_bundles>
